<compile_context>
chip_gen: v7x
topology: tpu7x:2x2x1
jax: 0.10.2.dev20260603
libtpu: 0.0.44.dev20260713+nightly
codegen_flags: <defaults>
</compile_context>

<pallas_src>
import functools

import jax
import jax.numpy as jnp
from jax import lax
from jax.experimental import pallas as pl
from jax.experimental.pallas import tpu as pltpu
from jax.experimental.pallas import tpu_sc as plsc

B_BITS = 16
NB = 1 << B_BITS
NIMG = 8
N = 512 * 512
NCORE = 2
NSUB = 16
IMGS_PER_CORE = NIMG // NCORE
CHUNK = N // NSUB
ROWS = CHUNK // 128
SLICE = NB // NSUB
SUBB = SLICE
ZCH = SLICE // 4
HALF = CHUNK // 2


def _lanes():
    return lax.iota(jnp.int32, 16)


def _splat(x):
    return jnp.broadcast_to(x, (16,))


_GDN = lax.GatherDimensionNumbers(
    offset_dims=(), collapsed_slice_dims=(0,), start_index_map=(0,))


def _bcast0(v, zidx2):
    return lax.gather(v, zidx2, _GDN, slice_sizes=(1,),
                      mode=lax.GatherScatterMode.PROMISE_IN_BOUNDS)


def _body(logits_hbm, labels_hbm, out_hbm, ebuf, tbuf, idxbuf,
          hp, hn, wp, wn, wbuf0, wbuf1, onesbuf, zbuf, sbuf, sumsbuf,
          hist2, wtab, sums_sh, sem_a, sem_b):
    c = lax.axis_index("c")
    s = lax.axis_index("s")
    lanes = _lanes()
    zeros16 = jnp.zeros((16,), jnp.float32)
    ones16 = jnp.ones((16,), jnp.float32)
    zidx2 = jnp.zeros((16, 1), jnp.int32)

    def fill_zeros(i, carry):
        zbuf[pl.ds(i * 16, 16)] = zeros16
        return carry
    lax.fori_loop(0, ZCH // 16, fill_zeros, 0)

    def fill_ones(i, carry):
        onesbuf[pl.ds(i * 16, 16)] = ones16
        return carry
    lax.fori_loop(0, CHUNK // 16, fill_ones, 0)

    def image_step(ii, acc):
        img = c * IMGS_PER_CORE + ii

        scope = jax.named_scope
        with scope("phA_stage"):
            st0 = pltpu.async_copy(logits_hbm.at[img, s], ebuf, sem_a)
            st1 = pltpu.async_copy(labels_hbm.at[img, s], tbuf, sem_a)
            for q in range(2 * SLICE // ZCH):
                off = 2 * SLICE * s + q * ZCH
                pltpu.sync_copy(zbuf, hist2.at[pl.ds(off, ZCH)])
            st0.wait()
            st1.wait()
            plsc.subcore_barrier()

        with scope("phA_key"):
            def arow(j, carry):
                for u in range(8):
                    fl = pl.ds(j * 128 + u * 16, 16)
                    x = ebuf[fl]
                    t = tbuf[fl]
                    e = 1.0 - x * (2.0 * t - 1.0)
                    ebuf[fl] = e
                    bu = plsc.bitcast(e, jnp.uint32)
                    k = jnp.where(bu >= jnp.uint32(0x80000000),
                                  ~bu, bu | jnp.uint32(0x80000000))
                    h = (k >> jnp.uint32(32 - B_BITS)).astype(jnp.int32)
                    idxbuf[fl] = h + t.astype(jnp.int32) * jnp.int32(NB)
                return carry
            lax.fori_loop(0, ROWS, arow, 0)
        with scope("phA_scat"):
            pltpu.sync_copy(onesbuf, hist2.at[idxbuf], add=True)
            plsc.subcore_barrier()

        with scope("phB1"):
            psum, nsum = zeros16, zeros16
            for sub in range(1):
                base = s * SLICE + sub * SUBB
                pltpu.sync_copy(hist2.at[pl.ds(NB + base, SUBB)], hp)
                pltpu.sync_copy(hist2.at[pl.ds(base, SUBB)], hn)

                def srow(i, carry):
                    ps, ns = carry
                    return (ps + hp[pl.ds(i * 16, 16)],
                            ns + hn[pl.ds(i * 16, 16)])
                psum, nsum = lax.fori_loop(0, SUBB // 16, srow, (psum, nsum))
            sp = jnp.sum(psum)
            st = jnp.sum(nsum)
            sbuf[...] = jnp.where(lanes == 0, _splat(sp),
                                  jnp.where(lanes == 1, _splat(st), zeros16))
            pltpu.sync_copy(sbuf, sums_sh.at[s])
            plsc.subcore_barrier()
            pltpu.sync_copy(sums_sh, sumsbuf)

            Pv, cpv, ctv = zeros16, zeros16, zeros16
            for j2 in range(NSUB):
                row = sumsbuf[j2, pl.ds(0, 16)]
                spj = _splat(jnp.sum(jnp.where(lanes == 0, row, 0.0)))
                stj = _splat(jnp.sum(jnp.where(lanes == 1, row, 0.0)))
                Pv = Pv + spj
                gt = jnp.int32(j2) > s
                cpv = cpv + jnp.where(gt, spj, zeros16)
                ctv = ctv + jnp.where(gt, stj, zeros16)

        with scope("phB2"):
          for sub in (0,):
            base = s * SLICE + sub * SUBB

            def wrow(i, carry):
                cp, cn = carry
                v = SUBB // 16 - 1 - i
                sl = pl.ds(v * 16, 16)
                hpv = hp[sl]
                hnv = hn[sl]
                sfp = jnp.flip(jnp.cumsum(jnp.flip(hpv, 0)), 0) + cp
                sfn = jnp.flip(jnp.cumsum(jnp.flip(hnv, 0)), 0) + cn
                a = Pv + sfn - hnv
                b = Pv + sfn
                cc = Pv - sfp
                wn[sl] = jnp.where(a == 0.0,
                                   1.0 / jnp.maximum(b - a, 1.0),
                                   cc / jnp.maximum(a * b, 1.0))
                wp[sl] = 1.0 / jnp.maximum(a, 1.0)
                return (_bcast0(sfp, zidx2), _bcast0(sfn, zidx2))
            cpv, ctv = lax.fori_loop(0, SUBB // 16, wrow, (cpv, ctv))
            pltpu.sync_copy(wn, wtab.at[pl.ds(base, SUBB)])
            pltpu.sync_copy(wp, wtab.at[pl.ds(NB + base, SUBB)])
          plsc.subcore_barrier()

        with scope("phC"):
            g0 = pltpu.async_copy(wtab.at[idxbuf.at[pl.ds(0, HALF)]],
                                  wbuf0, sem_a)
            g1 = pltpu.async_copy(wtab.at[idxbuf.at[pl.ds(HALF, HALF)]],
                                  wbuf1, sem_b)
            for half in range(2):
                (g0 if half == 0 else g1).wait()

                wb = wbuf0 if half == 0 else wbuf1

                def crow(j, acc_in):
                    for u in range(8):
                        lfl = pl.ds(j * 128 + u * 16, 16)
                        gfl = pl.ds(half * HALF + j * 128 + u * 16, 16)
                        acc_in = (acc_in +
                                  jnp.maximum(ebuf[gfl], 0.0) * wb[lfl])
                    return acc_in
                acc = lax.fori_loop(0, ROWS // 2, crow, acc)
        return acc

    acc = lax.fori_loop(0, IMGS_PER_CORE, image_step, jnp.zeros((16,), jnp.float32))

    wid = c * NSUB + s
    sbuf[...] = acc
    pltpu.sync_copy(sbuf, out_hbm.at[pl.ds(wid * 16, 16)])


_sc_call = functools.partial(
    pl.kernel,
    out_type=jax.ShapeDtypeStruct((NCORE * NSUB * 16,), jnp.float32),
    mesh=plsc.VectorSubcoreMesh(core_axis_name="c", subcore_axis_name="s"),
    compiler_params=pltpu.CompilerParams(needs_layout_passes=False),
    scratch_types=[
        pltpu.VMEM((CHUNK,), jnp.float32),
        pltpu.VMEM((CHUNK,), jnp.float32),
        pltpu.VMEM((CHUNK,), jnp.int32),
        pltpu.VMEM((SUBB,), jnp.float32),
        pltpu.VMEM((SUBB,), jnp.float32),
        pltpu.VMEM((SUBB,), jnp.float32),
        pltpu.VMEM((SUBB,), jnp.float32),
        pltpu.VMEM((HALF,), jnp.float32),
        pltpu.VMEM((HALF,), jnp.float32),
        pltpu.VMEM((CHUNK,), jnp.float32),
        pltpu.VMEM((ZCH,), jnp.float32),
        pltpu.VMEM((16,), jnp.float32),
        pltpu.VMEM((NSUB, 16), jnp.float32),
        pltpu.VMEM_SHARED((2 * NB,), jnp.float32),
        pltpu.VMEM_SHARED((2 * NB,), jnp.float32),
        pltpu.VMEM_SHARED((NSUB, 16), jnp.float32),
        pltpu.SemaphoreType.DMA,
        pltpu.SemaphoreType.DMA,
    ],
)(_body)


def kernel(input, target):
    logits = input.reshape(NIMG, NSUB, CHUNK)
    labels = target.astype(jnp.float32).reshape(NIMG, NSUB, CHUNK)
    partials = _sc_call(logits, labels)
    return jnp.sum(partials) / NIMG

# --- scband reference (transcript-rebuilt; emitter-appended) ---
"""Pipeline reference for scband-lovasz-loss-76252849373531 (READ-ONLY COPY).

The authoritative reference and input builder live on the scoring server;
editing this copy changes nothing except your own understanding.
"""

import jax, jax.numpy as jnp
import numpy as np


def _lovasz_grad(gt_sorted):
    gts = jnp.sum(gt_sorted)
    intersection = gts - jnp.cumsum(gt_sorted)
    union = gts + jnp.cumsum(1.0 - gt_sorted)
    jaccard = 1.0 - intersection / union
    jaccard = jnp.concatenate([jaccard[:1], jaccard[1:] - jaccard[:-1]])
    return jaccard


def _lovasz_hinge_flat(logits, labels):
    signs = 2.0 * labels - 1.0
    errors = 1.0 - logits * signs
    perm = jnp.argsort(-errors)
    errors_sorted = errors[perm]
    gt_sorted = labels[perm]
    grad = _lovasz_grad(gt_sorted)
    return jnp.dot(jax.nn.relu(errors_sorted), grad)


def setup_inputs(seed: int = 0):
    key = jax.random.key(seed)
    k1, k2 = jax.random.split(key)
    inp = jax.random.normal(k1, (8, 1, 512, 512), dtype=jnp.float32)
    target = jax.random.randint(k2, (8, 1, 512, 512), 0, 2, dtype=jnp.int32)
    return {"input": inp, "target": target}


def reference(input, target):
    logits = jnp.squeeze(input, 1)
    labels = jnp.squeeze(target, 1).astype(jnp.float32)
    B = logits.shape[0]
    lf = logits.reshape(B, -1)
    tf = labels.reshape(B, -1)
    losses = jax.vmap(_lovasz_hinge_flat)(lf, tf)
    return jnp.mean(losses)

if __name__ == "__main__":
    import jax
    _d = setup_inputs()
    print(jax.jit(kernel)(*tuple(_d.values())))

</pallas_src>

<mosaic_0001>
#map = affine_map<(d0, d1) -> (0, 0, 0)>
#map1 = affine_map<(d0, d1) -> (0)>
module attributes {stable_mosaic.version = 14 : i64} {
  func.func @_body(%arg0: i32, %arg1: i32, %arg2: memref<8x16x16384xf32, #tpu.memory_space<hbm>>, %arg3: memref<8x16x16384xf32, #tpu.memory_space<hbm>>, %arg4: memref<512xf32, #tpu.memory_space<hbm>>, %arg5: memref<16384xf32, #tpu.memory_space<vmem>>, %arg6: memref<16384xf32, #tpu.memory_space<vmem>>, %arg7: memref<16384xi32, #tpu.memory_space<vmem>>, %arg8: memref<4096xf32, #tpu.memory_space<vmem>>, %arg9: memref<4096xf32, #tpu.memory_space<vmem>>, %arg10: memref<4096xf32, #tpu.memory_space<vmem>>, %arg11: memref<4096xf32, #tpu.memory_space<vmem>>, %arg12: memref<8192xf32, #tpu.memory_space<vmem>>, %arg13: memref<8192xf32, #tpu.memory_space<vmem>>, %arg14: memref<16384xf32, #tpu.memory_space<vmem>>, %arg15: memref<1024xf32, #tpu.memory_space<vmem>>, %arg16: memref<16xf32, #tpu.memory_space<vmem>>, %arg17: memref<16x16xf32, #tpu.memory_space<vmem>>, %arg18: memref<131072xf32, #tpu.memory_space<vmem_shared>>, %arg19: memref<131072xf32, #tpu.memory_space<vmem_shared>>, %arg20: memref<16x16xf32, #tpu.memory_space<vmem_shared>>, %arg21: memref<!tpu.dma_semaphore, #tpu.memory_space<semaphore_mem>>, %arg22: memref<!tpu.dma_semaphore, #tpu.memory_space<semaphore_mem>>) attributes {dimension_semantics = [#tpu.dimension_semantics<core_parallel>, #tpu.dimension_semantics<subcore_parallel>], iteration_bounds = array<i64: 2, 16>, scalar_prefetch = 0 : i64, scratch_operands = 18 : i64, tpu.core_type = #tpu.core_type<sc_vector_subcore>, window_params = [{transform_indices = #map}, {transform_indices = #map}, {transform_indices = #map1}]} {
    %iota3A = tpu.iota {dimensions = array<i32: 0>} : vector<16xi32>
    %broadcast_in_dim3A = arith.constant 0.000000e+00 : f32
    %broadcast_in_dim3A_0 = vector.broadcast %broadcast_in_dim3A : f32 to vector<16xf32>
    %broadcast_in_dim3A_1 = arith.constant 1.000000e+00 : f32
    %broadcast_in_dim3A_2 = vector.broadcast %broadcast_in_dim3A_1 : f32 to vector<16xf32>
    %broadcast_in_dim3A_3 = arith.constant 0 : i32
    %broadcast_in_dim3A_4 = vector.broadcast %broadcast_in_dim3A_3 : i32 to vector<16x1xi32>
    %scan3A = arith.constant 0 : i32
    %scan3A_5 = arith.constant 0 : i32
    %scan3A_6 = arith.constant 64 : i32
    %scan3A_7 = arith.addi %scan3A_5, %scan3A_6 : i32
    %scan3A_8 = arith.constant 1 : i32
    scf.for %scan3A_28 = %scan3A_5 to %scan3A_7 step %scan3A_8  : i32 {
      %mul3A_29 = arith.constant 16 : i32
      %mul3A_30 = arith.muli %scan3A_28, %mul3A_29 : i32
      %swap3A_31 = arith.index_cast %mul3A_30 : i32 to index
      %swap3A_32 = tpu.vector_load %arg15[%swap3A_31] {strides = array<i32>} : memref<1024xf32, #tpu.memory_space<vmem>>, vector<16xf32>,
      tpu.vector_store %arg15[%swap3A_31], %broadcast_in_dim3A_0 {strides = array<i32>} : memref<1024xf32, #tpu.memory_space<vmem>>, vector<16xf32>,
    }
    %scan3A_9 = arith.constant 64 : i32
    %scan3A_10 = arith.constant 0 : i32
    %scan3A_11 = arith.constant 0 : i32
    %scan3A_12 = arith.constant 1024 : i32
    %scan3A_13 = arith.addi %scan3A_11, %scan3A_12 : i32
    %scan3A_14 = arith.constant 1 : i32
    scf.for %scan3A_28 = %scan3A_11 to %scan3A_13 step %scan3A_14  : i32 {
      %mul3A_29 = arith.constant 16 : i32
      %mul3A_30 = arith.muli %scan3A_28, %mul3A_29 : i32
      %swap3A_31 = arith.index_cast %mul3A_30 : i32 to index
      %swap3A_32 = tpu.vector_load %arg14[%swap3A_31] {strides = array<i32>} : memref<16384xf32, #tpu.memory_space<vmem>>, vector<16xf32>,
      tpu.vector_store %arg14[%swap3A_31], %broadcast_in_dim3A_2 {strides = array<i32>} : memref<16384xf32, #tpu.memory_space<vmem>>, vector<16xf32>,
    }
    %scan3A_15 = arith.constant 1024 : i32
    %broadcast_in_dim3A_16 = arith.constant 0.000000e+00 : f32
    %broadcast_in_dim3A_17 = vector.broadcast %broadcast_in_dim3A_16 : f32 to vector<16xf32>
    %scan3A_18 = arith.constant 0 : i32
    %scan3A_19 = arith.constant 4 : i32
    %scan3A_20 = arith.addi %scan3A_18, %scan3A_19 : i32
    %scan3A_21 = arith.constant 1 : i32
    %scan3A_22 = scf.for %scan3A_28 = %scan3A_18 to %scan3A_20 step %scan3A_21 iter_args(%scan3A_29 = %broadcast_in_dim3A_17) -> (vector<16xf32>)  : i32 {
      %mul3A_30 = arith.constant 4 : i32
      %mul3A_31 = arith.muli %arg0, %mul3A_30 : i32
      %add3A_32 = arith.addi %mul3A_31, %scan3A_28 : i32
      "tpu.trace_start"() <{level = 10 : i32, message = "phA_stage"}> : () -> ()
      %dma_start3A = arith.constant 0 : i32
      %dma_start3A_33 = tpu.memref_slice %arg2[%add3A_32, %arg1, %dma_start3A] : memref<8x16x16384xf32, #tpu.memory_space<hbm>> -> memref<1x1x16384xf32, #tpu.memory_space<hbm>>
      %dma_start3A_34 = tpu.memref_squeeze %dma_start3A_33 : memref<1x1x16384xf32, #tpu.memory_space<hbm>> -> memref<16384xf32, #tpu.memory_space<hbm>>
      %dma_start3A_35 = arith.constant 0 : i32
      %dma_start3A_36 = tpu.memref_slice %arg2[%add3A_32, %arg1, %dma_start3A_35] : memref<8x16x16384xf32, #tpu.memory_space<hbm>> -> memref<1x1x16384xf32, #tpu.memory_space<hbm>>
      %dma_start3A_37 = tpu.memref_squeeze %dma_start3A_36 : memref<1x1x16384xf32, #tpu.memory_space<hbm>> -> memref<16384xf32, #tpu.memory_space<hbm>>
      tpu.enqueue_dma source(%dma_start3A_37 : memref<16384xf32, #tpu.memory_space<hbm>>) target(%arg5 : memref<16384xf32, #tpu.memory_space<vmem>>) target_semaphore(%arg21 : memref<!tpu.dma_semaphore, #tpu.memory_space<semaphore_mem>>)
      %dma_start3A_38 = arith.constant 0 : i32
      %dma_start3A_39 = tpu.memref_slice %arg3[%add3A_32, %arg1, %dma_start3A_38] : memref<8x16x16384xf32, #tpu.memory_space<hbm>> -> memref<1x1x16384xf32, #tpu.memory_space<hbm>>
      %dma_start3A_40 = tpu.memref_squeeze %dma_start3A_39 : memref<1x1x16384xf32, #tpu.memory_space<hbm>> -> memref<16384xf32, #tpu.memory_space<hbm>>
      %dma_start3A_41 = arith.constant 0 : i32
      %dma_start3A_42 = tpu.memref_slice %arg3[%add3A_32, %arg1, %dma_start3A_41] : memref<8x16x16384xf32, #tpu.memory_space<hbm>> -> memref<1x1x16384xf32, #tpu.memory_space<hbm>>
      %dma_start3A_43 = tpu.memref_squeeze %dma_start3A_42 : memref<1x1x16384xf32, #tpu.memory_space<hbm>> -> memref<16384xf32, #tpu.memory_space<hbm>>
      tpu.enqueue_dma source(%dma_start3A_43 : memref<16384xf32, #tpu.memory_space<hbm>>) target(%arg6 : memref<16384xf32, #tpu.memory_space<vmem>>) target_semaphore(%arg21 : memref<!tpu.dma_semaphore, #tpu.memory_space<semaphore_mem>>)
      %mul3A_44 = arith.constant 8192 : i32
      %mul3A_45 = arith.muli %mul3A_44, %arg1 : i32
      %add3A_46 = arith.constant 0 : i32
      %add3A_47 = arith.addi %mul3A_45, %add3A_46 : i32
      "tpu.region"() ({
        %run_scoped3A = tpu.sem_alloc : memref<!tpu.dma_semaphore, #tpu.memory_space<semaphore_mem>>
        %dma_start3A_690 = tpu.memref_slice %arg18[%add3A_47] : memref<131072xf32, #tpu.memory_space<vmem_shared>> -> memref<1024xf32, #tpu.memory_space<vmem_shared>>
        %dma_start3A_691 = tpu.memref_slice %arg18[%add3A_47] : memref<131072xf32, #tpu.memory_space<vmem_shared>> -> memref<1024xf32, #tpu.memory_space<vmem_shared>>
        tpu.enqueue_dma source(%arg15 : memref<1024xf32, #tpu.memory_space<vmem>>) target(%dma_start3A_691 : memref<1024xf32, #tpu.memory_space<vmem_shared>>) target_semaphore(%run_scoped3A : memref<!tpu.dma_semaphore, #tpu.memory_space<semaphore_mem>>)
        %dma_wait3A_692 = tpu.memref_slice %arg18[%add3A_47] : memref<131072xf32, #tpu.memory_space<vmem_shared>> -> memref<1024xf32, #tpu.memory_space<vmem_shared>>
        %dma_wait3A_693 = tpu.memref_slice %arg18[%add3A_47] : memref<131072xf32, #tpu.memory_space<vmem_shared>> -> memref<1024xf32, #tpu.memory_space<vmem_shared>>
        tpu.wait_dma2 semaphore(%run_scoped3A : memref<!tpu.dma_semaphore, #tpu.memory_space<semaphore_mem>>) src(%arg15 : memref<1024xf32, #tpu.memory_space<vmem>>) dst(%dma_wait3A_693 : memref<1024xf32, #tpu.memory_space<vmem_shared>>)
        tpu.yield
      }) : () -> ()
      %mul3A_48 = arith.constant 8192 : i32
      %mul3A_49 = arith.muli %mul3A_48, %arg1 : i32
      %add3A_50 = arith.constant 1024 : i32
      %add3A_51 = arith.addi %mul3A_49, %add3A_50 : i32
      "tpu.region"() ({
        %run_scoped3A = tpu.sem_alloc : memref<!tpu.dma_semaphore, #tpu.memory_space<semaphore_mem>>
        %dma_start3A_690 = tpu.memref_slice %arg18[%add3A_51] : memref<131072xf32, #tpu.memory_space<vmem_shared>> -> memref<1024xf32, #tpu.memory_space<vmem_shared>>
        %dma_start3A_691 = tpu.memref_slice %arg18[%add3A_51] : memref<131072xf32, #tpu.memory_space<vmem_shared>> -> memref<1024xf32, #tpu.memory_space<vmem_shared>>
        tpu.enqueue_dma source(%arg15 : memref<1024xf32, #tpu.memory_space<vmem>>) target(%dma_start3A_691 : memref<1024xf32, #tpu.memory_space<vmem_shared>>) target_semaphore(%run_scoped3A : memref<!tpu.dma_semaphore, #tpu.memory_space<semaphore_mem>>)
        %dma_wait3A_692 = tpu.memref_slice %arg18[%add3A_51] : memref<131072xf32, #tpu.memory_space<vmem_shared>> -> memref<1024xf32, #tpu.memory_space<vmem_shared>>
        %dma_wait3A_693 = tpu.memref_slice %arg18[%add3A_51] : memref<131072xf32, #tpu.memory_space<vmem_shared>> -> memref<1024xf32, #tpu.memory_space<vmem_shared>>
        tpu.wait_dma2 semaphore(%run_scoped3A : memref<!tpu.dma_semaphore, #tpu.memory_space<semaphore_mem>>) src(%arg15 : memref<1024xf32, #tpu.memory_space<vmem>>) dst(%dma_wait3A_693 : memref<1024xf32, #tpu.memory_space<vmem_shared>>)
        tpu.yield
      }) : () -> ()
      %mul3A_52 = arith.constant 8192 : i32
      %mul3A_53 = arith.muli %mul3A_52, %arg1 : i32
      %add3A_54 = arith.constant 2048 : i32
      %add3A_55 = arith.addi %mul3A_53, %add3A_54 : i32
      "tpu.region"() ({
        %run_scoped3A = tpu.sem_alloc : memref<!tpu.dma_semaphore, #tpu.memory_space<semaphore_mem>>
        %dma_start3A_690 = tpu.memref_slice %arg18[%add3A_55] : memref<131072xf32, #tpu.memory_space<vmem_shared>> -> memref<1024xf32, #tpu.memory_space<vmem_shared>>
        %dma_start3A_691 = tpu.memref_slice %arg18[%add3A_55] : memref<131072xf32, #tpu.memory_space<vmem_shared>> -> memref<1024xf32, #tpu.memory_space<vmem_shared>>
        tpu.enqueue_dma source(%arg15 : memref<1024xf32, #tpu.memory_space<vmem>>) target(%dma_start3A_691 : memref<1024xf32, #tpu.memory_space<vmem_shared>>) target_semaphore(%run_scoped3A : memref<!tpu.dma_semaphore, #tpu.memory_space<semaphore_mem>>)
        %dma_wait3A_692 = tpu.memref_slice %arg18[%add3A_55] : memref<131072xf32, #tpu.memory_space<vmem_shared>> -> memref<1024xf32, #tpu.memory_space<vmem_shared>>
        %dma_wait3A_693 = tpu.memref_slice %arg18[%add3A_55] : memref<131072xf32, #tpu.memory_space<vmem_shared>> -> memref<1024xf32, #tpu.memory_space<vmem_shared>>
        tpu.wait_dma2 semaphore(%run_scoped3A : memref<!tpu.dma_semaphore, #tpu.memory_space<semaphore_mem>>) src(%arg15 : memref<1024xf32, #tpu.memory_space<vmem>>) dst(%dma_wait3A_693 : memref<1024xf32, #tpu.memory_space<vmem_shared>>)
        tpu.yield
      }) : () -> ()
      %mul3A_56 = arith.constant 8192 : i32
      %mul3A_57 = arith.muli %mul3A_56, %arg1 : i32
      %add3A_58 = arith.constant 3072 : i32
      %add3A_59 = arith.addi %mul3A_57, %add3A_58 : i32
      "tpu.region"() ({
        %run_scoped3A = tpu.sem_alloc : memref<!tpu.dma_semaphore, #tpu.memory_space<semaphore_mem>>
        %dma_start3A_690 = tpu.memref_slice %arg18[%add3A_59] : memref<131072xf32, #tpu.memory_space<vmem_shared>> -> memref<1024xf32, #tpu.memory_space<vmem_shared>>
        %dma_start3A_691 = tpu.memref_slice %arg18[%add3A_59] : memref<131072xf32, #tpu.memory_space<vmem_shared>> -> memref<1024xf32, #tpu.memory_space<vmem_shared>>
        tpu.enqueue_dma source(%arg15 : memref<1024xf32, #tpu.memory_space<vmem>>) target(%dma_start3A_691 : memref<1024xf32, #tpu.memory_space<vmem_shared>>) target_semaphore(%run_scoped3A : memref<!tpu.dma_semaphore, #tpu.memory_space<semaphore_mem>>)
        %dma_wait3A_692 = tpu.memref_slice %arg18[%add3A_59] : memref<131072xf32, #tpu.memory_space<vmem_shared>> -> memref<1024xf32, #tpu.memory_space<vmem_shared>>
        %dma_wait3A_693 = tpu.memref_slice %arg18[%add3A_59] : memref<131072xf32, #tpu.memory_space<vmem_shared>> -> memref<1024xf32, #tpu.memory_space<vmem_shared>>
        tpu.wait_dma2 semaphore(%run_scoped3A : memref<!tpu.dma_semaphore, #tpu.memory_space<semaphore_mem>>) src(%arg15 : memref<1024xf32, #tpu.memory_space<vmem>>) dst(%dma_wait3A_693 : memref<1024xf32, #tpu.memory_space<vmem_shared>>)
        tpu.yield
      }) : () -> ()
      %mul3A_60 = arith.constant 8192 : i32
      %mul3A_61 = arith.muli %mul3A_60, %arg1 : i32
      %add3A_62 = arith.constant 4096 : i32
      %add3A_63 = arith.addi %mul3A_61, %add3A_62 : i32
      "tpu.region"() ({
        %run_scoped3A = tpu.sem_alloc : memref<!tpu.dma_semaphore, #tpu.memory_space<semaphore_mem>>
        %dma_start3A_690 = tpu.memref_slice %arg18[%add3A_63] : memref<131072xf32, #tpu.memory_space<vmem_shared>> -> memref<1024xf32, #tpu.memory_space<vmem_shared>>
        %dma_start3A_691 = tpu.memref_slice %arg18[%add3A_63] : memref<131072xf32, #tpu.memory_space<vmem_shared>> -> memref<1024xf32, #tpu.memory_space<vmem_shared>>
        tpu.enqueue_dma source(%arg15 : memref<1024xf32, #tpu.memory_space<vmem>>) target(%dma_start3A_691 : memref<1024xf32, #tpu.memory_space<vmem_shared>>) target_semaphore(%run_scoped3A : memref<!tpu.dma_semaphore, #tpu.memory_space<semaphore_mem>>)
        %dma_wait3A_692 = tpu.memref_slice %arg18[%add3A_63] : memref<131072xf32, #tpu.memory_space<vmem_shared>> -> memref<1024xf32, #tpu.memory_space<vmem_shared>>
        %dma_wait3A_693 = tpu.memref_slice %arg18[%add3A_63] : memref<131072xf32, #tpu.memory_space<vmem_shared>> -> memref<1024xf32, #tpu.memory_space<vmem_shared>>
        tpu.wait_dma2 semaphore(%run_scoped3A : memref<!tpu.dma_semaphore, #tpu.memory_space<semaphore_mem>>) src(%arg15 : memref<1024xf32, #tpu.memory_space<vmem>>) dst(%dma_wait3A_693 : memref<1024xf32, #tpu.memory_space<vmem_shared>>)
        tpu.yield
      }) : () -> ()
      %mul3A_64 = arith.constant 8192 : i32
      %mul3A_65 = arith.muli %mul3A_64, %arg1 : i32
      %add3A_66 = arith.constant 5120 : i32
      %add3A_67 = arith.addi %mul3A_65, %add3A_66 : i32
      "tpu.region"() ({
        %run_scoped3A = tpu.sem_alloc : memref<!tpu.dma_semaphore, #tpu.memory_space<semaphore_mem>>
        %dma_start3A_690 = tpu.memref_slice %arg18[%add3A_67] : memref<131072xf32, #tpu.memory_space<vmem_shared>> -> memref<1024xf32, #tpu.memory_space<vmem_shared>>
        %dma_start3A_691 = tpu.memref_slice %arg18[%add3A_67] : memref<131072xf32, #tpu.memory_space<vmem_shared>> -> memref<1024xf32, #tpu.memory_space<vmem_shared>>
        tpu.enqueue_dma source(%arg15 : memref<1024xf32, #tpu.memory_space<vmem>>) target(%dma_start3A_691 : memref<1024xf32, #tpu.memory_space<vmem_shared>>) target_semaphore(%run_scoped3A : memref<!tpu.dma_semaphore, #tpu.memory_space<semaphore_mem>>)
        %dma_wait3A_692 = tpu.memref_slice %arg18[%add3A_67] : memref<131072xf32, #tpu.memory_space<vmem_shared>> -> memref<1024xf32, #tpu.memory_space<vmem_shared>>
        %dma_wait3A_693 = tpu.memref_slice %arg18[%add3A_67] : memref<131072xf32, #tpu.memory_space<vmem_shared>> -> memref<1024xf32, #tpu.memory_space<vmem_shared>>
        tpu.wait_dma2 semaphore(%run_scoped3A : memref<!tpu.dma_semaphore, #tpu.memory_space<semaphore_mem>>) src(%arg15 : memref<1024xf32, #tpu.memory_space<vmem>>) dst(%dma_wait3A_693 : memref<1024xf32, #tpu.memory_space<vmem_shared>>)
        tpu.yield
      }) : () -> ()
      %mul3A_68 = arith.constant 8192 : i32
      %mul3A_69 = arith.muli %mul3A_68, %arg1 : i32
      %add3A_70 = arith.constant 6144 : i32
      %add3A_71 = arith.addi %mul3A_69, %add3A_70 : i32
      "tpu.region"() ({
        %run_scoped3A = tpu.sem_alloc : memref<!tpu.dma_semaphore, #tpu.memory_space<semaphore_mem>>
        %dma_start3A_690 = tpu.memref_slice %arg18[%add3A_71] : memref<131072xf32, #tpu.memory_space<vmem_shared>> -> memref<1024xf32, #tpu.memory_space<vmem_shared>>
        %dma_start3A_691 = tpu.memref_slice %arg18[%add3A_71] : memref<131072xf32, #tpu.memory_space<vmem_shared>> -> memref<1024xf32, #tpu.memory_space<vmem_shared>>
        tpu.enqueue_dma source(%arg15 : memref<1024xf32, #tpu.memory_space<vmem>>) target(%dma_start3A_691 : memref<1024xf32, #tpu.memory_space<vmem_shared>>) target_semaphore(%run_scoped3A : memref<!tpu.dma_semaphore, #tpu.memory_space<semaphore_mem>>)
        %dma_wait3A_692 = tpu.memref_slice %arg18[%add3A_71] : memref<131072xf32, #tpu.memory_space<vmem_shared>> -> memref<1024xf32, #tpu.memory_space<vmem_shared>>
        %dma_wait3A_693 = tpu.memref_slice %arg18[%add3A_71] : memref<131072xf32, #tpu.memory_space<vmem_shared>> -> memref<1024xf32, #tpu.memory_space<vmem_shared>>
        tpu.wait_dma2 semaphore(%run_scoped3A : memref<!tpu.dma_semaphore, #tpu.memory_space<semaphore_mem>>) src(%arg15 : memref<1024xf32, #tpu.memory_space<vmem>>) dst(%dma_wait3A_693 : memref<1024xf32, #tpu.memory_space<vmem_shared>>)
        tpu.yield
      }) : () -> ()
      %mul3A_72 = arith.constant 8192 : i32
      %mul3A_73 = arith.muli %mul3A_72, %arg1 : i32
      %add3A_74 = arith.constant 7168 : i32
      %add3A_75 = arith.addi %mul3A_73, %add3A_74 : i32
      "tpu.region"() ({
        %run_scoped3A = tpu.sem_alloc : memref<!tpu.dma_semaphore, #tpu.memory_space<semaphore_mem>>
        %dma_start3A_690 = tpu.memref_slice %arg18[%add3A_75] : memref<131072xf32, #tpu.memory_space<vmem_shared>> -> memref<1024xf32, #tpu.memory_space<vmem_shared>>
        %dma_start3A_691 = tpu.memref_slice %arg18[%add3A_75] : memref<131072xf32, #tpu.memory_space<vmem_shared>> -> memref<1024xf32, #tpu.memory_space<vmem_shared>>
        tpu.enqueue_dma source(%arg15 : memref<1024xf32, #tpu.memory_space<vmem>>) target(%dma_start3A_691 : memref<1024xf32, #tpu.memory_space<vmem_shared>>) target_semaphore(%run_scoped3A : memref<!tpu.dma_semaphore, #tpu.memory_space<semaphore_mem>>)
        %dma_wait3A_692 = tpu.memref_slice %arg18[%add3A_75] : memref<131072xf32, #tpu.memory_space<vmem_shared>> -> memref<1024xf32, #tpu.memory_space<vmem_shared>>
        %dma_wait3A_693 = tpu.memref_slice %arg18[%add3A_75] : memref<131072xf32, #tpu.memory_space<vmem_shared>> -> memref<1024xf32, #tpu.memory_space<vmem_shared>>
        tpu.wait_dma2 semaphore(%run_scoped3A : memref<!tpu.dma_semaphore, #tpu.memory_space<semaphore_mem>>) src(%arg15 : memref<1024xf32, #tpu.memory_space<vmem>>) dst(%dma_wait3A_693 : memref<1024xf32, #tpu.memory_space<vmem_shared>>)
        tpu.yield
      }) : () -> ()
      %dma_wait3A = arith.constant 0 : i32
      %dma_wait3A_76 = tpu.memref_slice %arg2[%add3A_32, %arg1, %dma_wait3A] : memref<8x16x16384xf32, #tpu.memory_space<hbm>> -> memref<1x1x16384xf32, #tpu.memory_space<hbm>>
      %dma_wait3A_77 = tpu.memref_squeeze %dma_wait3A_76 : memref<1x1x16384xf32, #tpu.memory_space<hbm>> -> memref<16384xf32, #tpu.memory_space<hbm>>
      %dma_wait3A_78 = arith.constant 0 : i32
      %dma_wait3A_79 = tpu.memref_slice %arg2[%add3A_32, %arg1, %dma_wait3A_78] : memref<8x16x16384xf32, #tpu.memory_space<hbm>> -> memref<1x1x16384xf32, #tpu.memory_space<hbm>>
      %dma_wait3A_80 = tpu.memref_squeeze %dma_wait3A_79 : memref<1x1x16384xf32, #tpu.memory_space<hbm>> -> memref<16384xf32, #tpu.memory_space<hbm>>
      tpu.wait_dma2 semaphore(%arg21 : memref<!tpu.dma_semaphore, #tpu.memory_space<semaphore_mem>>) src(%dma_wait3A_80 : memref<16384xf32, #tpu.memory_space<hbm>>) dst(%arg5 : memref<16384xf32, #tpu.memory_space<vmem>>)
      %dma_wait3A_81 = arith.constant 0 : i32
      %dma_wait3A_82 = tpu.memref_slice %arg3[%add3A_32, %arg1, %dma_wait3A_81] : memref<8x16x16384xf32, #tpu.memory_space<hbm>> -> memref<1x1x16384xf32, #tpu.memory_space<hbm>>
      %dma_wait3A_83 = tpu.memref_squeeze %dma_wait3A_82 : memref<1x1x16384xf32, #tpu.memory_space<hbm>> -> memref<16384xf32, #tpu.memory_space<hbm>>
      %dma_wait3A_84 = arith.constant 0 : i32
      %dma_wait3A_85 = tpu.memref_slice %arg3[%add3A_32, %arg1, %dma_wait3A_84] : memref<8x16x16384xf32, #tpu.memory_space<hbm>> -> memref<1x1x16384xf32, #tpu.memory_space<hbm>>
      %dma_wait3A_86 = tpu.memref_squeeze %dma_wait3A_85 : memref<1x1x16384xf32, #tpu.memory_space<hbm>> -> memref<16384xf32, #tpu.memory_space<hbm>>
      tpu.wait_dma2 semaphore(%arg21 : memref<!tpu.dma_semaphore, #tpu.memory_space<semaphore_mem>>) src(%dma_wait3A_86 : memref<16384xf32, #tpu.memory_space<hbm>>) dst(%arg6 : memref<16384xf32, #tpu.memory_space<vmem>>)
      %barrier3A = arith.constant 0 : index
      tpu.barrier barrier_id(%barrier3A)
      "tpu.trace_stop"() : () -> ()
      "tpu.trace_start"() <{level = 10 : i32, message = "phA_key"}> : () -> ()
      %scan3A_87 = arith.constant 0 : i32
      %scan3A_88 = arith.constant 0 : i32
      %scan3A_89 = arith.constant 128 : i32
      %scan3A_90 = arith.addi %scan3A_88, %scan3A_89 : i32
      %scan3A_91 = arith.constant 1 : i32
      scf.for %scan3A_690 = %scan3A_88 to %scan3A_90 step %scan3A_91  : i32 {
        %mul3A_691 = arith.constant 128 : i32
        %mul3A_692 = arith.muli %scan3A_690, %mul3A_691 : i32
        %add3A_693 = arith.constant 0 : i32
        %add3A_694 = arith.addi %mul3A_692, %add3A_693 : i32
        %get3A_695 = arith.index_cast %add3A_694 : i32 to index
        %get3A_696 = tpu.vector_load %arg5[%get3A_695] {strides = array<i32>} : memref<16384xf32, #tpu.memory_space<vmem>>, vector<16xf32>,
        %get3A_697 = arith.index_cast %add3A_694 : i32 to index
        %get3A_698 = tpu.vector_load %arg6[%get3A_697] {strides = array<i32>} : memref<16384xf32, #tpu.memory_space<vmem>>, vector<16xf32>,
        %mul3A_699 = arith.constant 2.000000e+00 : f32
        %mul3A_700 = vector.broadcast %mul3A_699 : f32 to vector<16xf32>
        %mul3A_701 = arith.mulf %mul3A_700, %get3A_698 : vector<16xf32>
        %sub3A = arith.constant 1.000000e+00 : f32
        %sub3A_702 = vector.broadcast %sub3A : f32 to vector<16xf32>
        %sub3A_703 = arith.subf %mul3A_701, %sub3A_702 : vector<16xf32>
        %mul3A_704 = arith.mulf %get3A_696, %sub3A_703 : vector<16xf32>
        %sub3A_705 = arith.constant 1.000000e+00 : f32
        %sub3A_706 = vector.broadcast %sub3A_705 : f32 to vector<16xf32>
        %sub3A_707 = arith.subf %sub3A_706, %mul3A_704 : vector<16xf32>
        %swap3A_708 = arith.index_cast %add3A_694 : i32 to index
        %swap3A_709 = tpu.vector_load %arg5[%swap3A_708] {strides = array<i32>} : memref<16384xf32, #tpu.memory_space<vmem>>, vector<16xf32>,
        tpu.vector_store %arg5[%swap3A_708], %sub3A_707 {strides = array<i32>} : memref<16384xf32, #tpu.memory_space<vmem>>, vector<16xf32>,
        %bitcast3A = vector.bitcast %sub3A_707 : vector<16xf32> to vector<16xi32>
        %ge3A = arith.constant -2147483648 : i32
        %ge3A_710 = vector.broadcast %ge3A : i32 to vector<16xi32>
        %ge3A_711 = arith.cmpi uge, %bitcast3A, %ge3A_710 : vector<16xi32>
        %not3A = arith.constant dense<-1> : vector<16xi32>
        %not3A_712 = arith.xori %bitcast3A, %not3A : vector<16xi32>
        %or3A = arith.constant -2147483648 : i32
        %or3A_713 = vector.broadcast %or3A : i32 to vector<16xi32>
        %or3A_714 = arith.ori %bitcast3A, %or3A_713 : vector<16xi32>
        %select_n3A_715 = arith.select %ge3A_711, %not3A_712, %or3A_714 : vector<16xi1>, vector<16xi32>
        %shift_right_logical3A = arith.constant 16 : i32
        %shift_right_logical3A_716 = vector.broadcast %shift_right_logical3A : i32 to vector<16xi32>
        %shift_right_logical3A_717 = arith.shrui %select_n3A_715, %shift_right_logical3A_716 : vector<16xi32>
        %convert_element_type3A = arith.fptosi %get3A_698 : vector<16xf32> to vector<16xi32>
        %mul3A_718 = arith.constant 65536 : i32
        %mul3A_719 = vector.broadcast %mul3A_718 : i32 to vector<16xi32>
        %mul3A_720 = arith.muli %convert_element_type3A, %mul3A_719 : vector<16xi32>
        %add3A_721 = arith.addi %shift_right_logical3A_717, %mul3A_720 : vector<16xi32>
        %swap3A_722 = arith.index_cast %add3A_694 : i32 to index
        %swap3A_723 = tpu.vector_load %arg7[%swap3A_722] {strides = array<i32>} : memref<16384xi32, #tpu.memory_space<vmem>>, vector<16xi32>,
        tpu.vector_store %arg7[%swap3A_722], %add3A_721 {strides = array<i32>} : memref<16384xi32, #tpu.memory_space<vmem>>, vector<16xi32>,
        %mul3A_724 = arith.constant 128 : i32
        %mul3A_725 = arith.muli %scan3A_690, %mul3A_724 : i32
        %add3A_726 = arith.constant 16 : i32
        %add3A_727 = arith.addi %mul3A_725, %add3A_726 : i32
        %get3A_728 = arith.index_cast %add3A_727 : i32 to index
        %get3A_729 = tpu.vector_load %arg5[%get3A_728] {strides = array<i32>} : memref<16384xf32, #tpu.memory_space<vmem>>, vector<16xf32>,
        %get3A_730 = arith.index_cast %add3A_727 : i32 to index
        %get3A_731 = tpu.vector_load %arg6[%get3A_730] {strides = array<i32>} : memref<16384xf32, #tpu.memory_space<vmem>>, vector<16xf32>,
        %mul3A_732 = arith.constant 2.000000e+00 : f32
        %mul3A_733 = vector.broadcast %mul3A_732 : f32 to vector<16xf32>
        %mul3A_734 = arith.mulf %mul3A_733, %get3A_731 : vector<16xf32>
        %sub3A_735 = arith.constant 1.000000e+00 : f32
        %sub3A_736 = vector.broadcast %sub3A_735 : f32 to vector<16xf32>
        %sub3A_737 = arith.subf %mul3A_734, %sub3A_736 : vector<16xf32>
        %mul3A_738 = arith.mulf %get3A_729, %sub3A_737 : vector<16xf32>
        %sub3A_739 = arith.constant 1.000000e+00 : f32
        %sub3A_740 = vector.broadcast %sub3A_739 : f32 to vector<16xf32>
        %sub3A_741 = arith.subf %sub3A_740, %mul3A_738 : vector<16xf32>
        %swap3A_742 = arith.index_cast %add3A_727 : i32 to index
        %swap3A_743 = tpu.vector_load %arg5[%swap3A_742] {strides = array<i32>} : memref<16384xf32, #tpu.memory_space<vmem>>, vector<16xf32>,
        tpu.vector_store %arg5[%swap3A_742], %sub3A_741 {strides = array<i32>} : memref<16384xf32, #tpu.memory_space<vmem>>, vector<16xf32>,
        %bitcast3A_744 = vector.bitcast %sub3A_741 : vector<16xf32> to vector<16xi32>
        %ge3A_745 = arith.constant -2147483648 : i32
        %ge3A_746 = vector.broadcast %ge3A_745 : i32 to vector<16xi32>
        %ge3A_747 = arith.cmpi uge, %bitcast3A_744, %ge3A_746 : vector<16xi32>
        %not3A_748 = arith.constant dense<-1> : vector<16xi32>
        %not3A_749 = arith.xori %bitcast3A_744, %not3A_748 : vector<16xi32>
        %or3A_750 = arith.constant -2147483648 : i32
        %or3A_751 = vector.broadcast %or3A_750 : i32 to vector<16xi32>
        %or3A_752 = arith.ori %bitcast3A_744, %or3A_751 : vector<16xi32>
        %select_n3A_753 = arith.select %ge3A_747, %not3A_749, %or3A_752 : vector<16xi1>, vector<16xi32>
        %shift_right_logical3A_754 = arith.constant 16 : i32
        %shift_right_logical3A_755 = vector.broadcast %shift_right_logical3A_754 : i32 to vector<16xi32>
        %shift_right_logical3A_756 = arith.shrui %select_n3A_753, %shift_right_logical3A_755 : vector<16xi32>
        %convert_element_type3A_757 = arith.fptosi %get3A_731 : vector<16xf32> to vector<16xi32>
        %mul3A_758 = arith.constant 65536 : i32
        %mul3A_759 = vector.broadcast %mul3A_758 : i32 to vector<16xi32>
        %mul3A_760 = arith.muli %convert_element_type3A_757, %mul3A_759 : vector<16xi32>
        %add3A_761 = arith.addi %shift_right_logical3A_756, %mul3A_760 : vector<16xi32>
        %swap3A_762 = arith.index_cast %add3A_727 : i32 to index
        %swap3A_763 = tpu.vector_load %arg7[%swap3A_762] {strides = array<i32>} : memref<16384xi32, #tpu.memory_space<vmem>>, vector<16xi32>,
        tpu.vector_store %arg7[%swap3A_762], %add3A_761 {strides = array<i32>} : memref<16384xi32, #tpu.memory_space<vmem>>, vector<16xi32>,
        %mul3A_764 = arith.constant 128 : i32
        %mul3A_765 = arith.muli %scan3A_690, %mul3A_764 : i32
        %add3A_766 = arith.constant 32 : i32
        %add3A_767 = arith.addi %mul3A_765, %add3A_766 : i32
        %get3A_768 = arith.index_cast %add3A_767 : i32 to index
        %get3A_769 = tpu.vector_load %arg5[%get3A_768] {strides = array<i32>} : memref<16384xf32, #tpu.memory_space<vmem>>, vector<16xf32>,
        %get3A_770 = arith.index_cast %add3A_767 : i32 to index
        %get3A_771 = tpu.vector_load %arg6[%get3A_770] {strides = array<i32>} : memref<16384xf32, #tpu.memory_space<vmem>>, vector<16xf32>,
        %mul3A_772 = arith.constant 2.000000e+00 : f32
        %mul3A_773 = vector.broadcast %mul3A_772 : f32 to vector<16xf32>
        %mul3A_774 = arith.mulf %mul3A_773, %get3A_771 : vector<16xf32>
        %sub3A_775 = arith.constant 1.000000e+00 : f32
        %sub3A_776 = vector.broadcast %sub3A_775 : f32 to vector<16xf32>
        %sub3A_777 = arith.subf %mul3A_774, %sub3A_776 : vector<16xf32>
        %mul3A_778 = arith.mulf %get3A_769, %sub3A_777 : vector<16xf32>
        %sub3A_779 = arith.constant 1.000000e+00 : f32
        %sub3A_780 = vector.broadcast %sub3A_779 : f32 to vector<16xf32>
        %sub3A_781 = arith.subf %sub3A_780, %mul3A_778 : vector<16xf32>
        %swap3A_782 = arith.index_cast %add3A_767 : i32 to index
        %swap3A_783 = tpu.vector_load %arg5[%swap3A_782] {strides = array<i32>} : memref<16384xf32, #tpu.memory_space<vmem>>, vector<16xf32>,
        tpu.vector_store %arg5[%swap3A_782], %sub3A_781 {strides = array<i32>} : memref<16384xf32, #tpu.memory_space<vmem>>, vector<16xf32>,
        %bitcast3A_784 = vector.bitcast %sub3A_781 : vector<16xf32> to vector<16xi32>
        %ge3A_785 = arith.constant -2147483648 : i32
        %ge3A_786 = vector.broadcast %ge3A_785 : i32 to vector<16xi32>
        %ge3A_787 = arith.cmpi uge, %bitcast3A_784, %ge3A_786 : vector<16xi32>
        %not3A_788 = arith.constant dense<-1> : vector<16xi32>
        %not3A_789 = arith.xori %bitcast3A_784, %not3A_788 : vector<16xi32>
        %or3A_790 = arith.constant -2147483648 : i32
        %or3A_791 = vector.broadcast %or3A_790 : i32 to vector<16xi32>
        %or3A_792 = arith.ori %bitcast3A_784, %or3A_791 : vector<16xi32>
        %select_n3A_793 = arith.select %ge3A_787, %not3A_789, %or3A_792 : vector<16xi1>, vector<16xi32>
        %shift_right_logical3A_794 = arith.constant 16 : i32
        %shift_right_logical3A_795 = vector.broadcast %shift_right_logical3A_794 : i32 to vector<16xi32>
        %shift_right_logical3A_796 = arith.shrui %select_n3A_793, %shift_right_logical3A_795 : vector<16xi32>
        %convert_element_type3A_797 = arith.fptosi %get3A_771 : vector<16xf32> to vector<16xi32>
        %mul3A_798 = arith.constant 65536 : i32
        %mul3A_799 = vector.broadcast %mul3A_798 : i32 to vector<16xi32>
        %mul3A_800 = arith.muli %convert_element_type3A_797, %mul3A_799 : vector<16xi32>
        %add3A_801 = arith.addi %shift_right_logical3A_796, %mul3A_800 : vector<16xi32>
        %swap3A_802 = arith.index_cast %add3A_767 : i32 to index
        %swap3A_803 = tpu.vector_load %arg7[%swap3A_802] {strides = array<i32>} : memref<16384xi32, #tpu.memory_space<vmem>>, vector<16xi32>,
        tpu.vector_store %arg7[%swap3A_802], %add3A_801 {strides = array<i32>} : memref<16384xi32, #tpu.memory_space<vmem>>, vector<16xi32>,
        %mul3A_804 = arith.constant 128 : i32
        %mul3A_805 = arith.muli %scan3A_690, %mul3A_804 : i32
        %add3A_806 = arith.constant 48 : i32
        %add3A_807 = arith.addi %mul3A_805, %add3A_806 : i32
        %get3A_808 = arith.index_cast %add3A_807 : i32 to index
        %get3A_809 = tpu.vector_load %arg5[%get3A_808] {strides = array<i32>} : memref<16384xf32, #tpu.memory_space<vmem>>, vector<16xf32>,
        %get3A_810 = arith.index_cast %add3A_807 : i32 to index
        %get3A_811 = tpu.vector_load %arg6[%get3A_810] {strides = array<i32>} : memref<16384xf32, #tpu.memory_space<vmem>>, vector<16xf32>,
        %mul3A_812 = arith.constant 2.000000e+00 : f32
        %mul3A_813 = vector.broadcast %mul3A_812 : f32 to vector<16xf32>
        %mul3A_814 = arith.mulf %mul3A_813, %get3A_811 : vector<16xf32>
        %sub3A_815 = arith.constant 1.000000e+00 : f32
        %sub3A_816 = vector.broadcast %sub3A_815 : f32 to vector<16xf32>
        %sub3A_817 = arith.subf %mul3A_814, %sub3A_816 : vector<16xf32>
        %mul3A_818 = arith.mulf %get3A_809, %sub3A_817 : vector<16xf32>
        %sub3A_819 = arith.constant 1.000000e+00 : f32
        %sub3A_820 = vector.broadcast %sub3A_819 : f32 to vector<16xf32>
        %sub3A_821 = arith.subf %sub3A_820, %mul3A_818 : vector<16xf32>
        %swap3A_822 = arith.index_cast %add3A_807 : i32 to index
        %swap3A_823 = tpu.vector_load %arg5[%swap3A_822] {strides = array<i32>} : memref<16384xf32, #tpu.memory_space<vmem>>, vector<16xf32>,
        tpu.vector_store %arg5[%swap3A_822], %sub3A_821 {strides = array<i32>} : memref<16384xf32, #tpu.memory_space<vmem>>, vector<16xf32>,
        %bitcast3A_824 = vector.bitcast %sub3A_821 : vector<16xf32> to vector<16xi32>
        %ge3A_825 = arith.constant -2147483648 : i32
        %ge3A_826 = vector.broadcast %ge3A_825 : i32 to vector<16xi32>
        %ge3A_827 = arith.cmpi uge, %bitcast3A_824, %ge3A_826 : vector<16xi32>
        %not3A_828 = arith.constant dense<-1> : vector<16xi32>
        %not3A_829 = arith.xori %bitcast3A_824, %not3A_828 : vector<16xi32>
        %or3A_830 = arith.constant -2147483648 : i32
        %or3A_831 = vector.broadcast %or3A_830 : i32 to vector<16xi32>
        %or3A_832 = arith.ori %bitcast3A_824, %or3A_831 : vector<16xi32>
        %select_n3A_833 = arith.select %ge3A_827, %not3A_829, %or3A_832 : vector<16xi1>, vector<16xi32>
        %shift_right_logical3A_834 = arith.constant 16 : i32
        %shift_right_logical3A_835 = vector.broadcast %shift_right_logical3A_834 : i32 to vector<16xi32>
        %shift_right_logical3A_836 = arith.shrui %select_n3A_833, %shift_right_logical3A_835 : vector<16xi32>
        %convert_element_type3A_837 = arith.fptosi %get3A_811 : vector<16xf32> to vector<16xi32>
        %mul3A_838 = arith.constant 65536 : i32
        %mul3A_839 = vector.broadcast %mul3A_838 : i32 to vector<16xi32>
        %mul3A_840 = arith.muli %convert_element_type3A_837, %mul3A_839 : vector<16xi32>
        %add3A_841 = arith.addi %shift_right_logical3A_836, %mul3A_840 : vector<16xi32>
        %swap3A_842 = arith.index_cast %add3A_807 : i32 to index
        %swap3A_843 = tpu.vector_load %arg7[%swap3A_842] {strides = array<i32>} : memref<16384xi32, #tpu.memory_space<vmem>>, vector<16xi32>,
        tpu.vector_store %arg7[%swap3A_842], %add3A_841 {strides = array<i32>} : memref<16384xi32, #tpu.memory_space<vmem>>, vector<16xi32>,
        %mul3A_844 = arith.constant 128 : i32
        %mul3A_845 = arith.muli %scan3A_690, %mul3A_844 : i32
        %add3A_846 = arith.constant 64 : i32
        %add3A_847 = arith.addi %mul3A_845, %add3A_846 : i32
        %get3A_848 = arith.index_cast %add3A_847 : i32 to index
        %get3A_849 = tpu.vector_load %arg5[%get3A_848] {strides = array<i32>} : memref<16384xf32, #tpu.memory_space<vmem>>, vector<16xf32>,
        %get3A_850 = arith.index_cast %add3A_847 : i32 to index
        %get3A_851 = tpu.vector_load %arg6[%get3A_850] {strides = array<i32>} : memref<16384xf32, #tpu.memory_space<vmem>>, vector<16xf32>,
        %mul3A_852 = arith.constant 2.000000e+00 : f32
        %mul3A_853 = vector.broadcast %mul3A_852 : f32 to vector<16xf32>
        %mul3A_854 = arith.mulf %mul3A_853, %get3A_851 : vector<16xf32>
        %sub3A_855 = arith.constant 1.000000e+00 : f32
        %sub3A_856 = vector.broadcast %sub3A_855 : f32 to vector<16xf32>
        %sub3A_857 = arith.subf %mul3A_854, %sub3A_856 : vector<16xf32>
        %mul3A_858 = arith.mulf %get3A_849, %sub3A_857 : vector<16xf32>
        %sub3A_859 = arith.constant 1.000000e+00 : f32
        %sub3A_860 = vector.broadcast %sub3A_859 : f32 to vector<16xf32>
        %sub3A_861 = arith.subf %sub3A_860, %mul3A_858 : vector<16xf32>
        %swap3A_862 = arith.index_cast %add3A_847 : i32 to index
        %swap3A_863 = tpu.vector_load %arg5[%swap3A_862] {strides = array<i32>} : memref<16384xf32, #tpu.memory_space<vmem>>, vector<16xf32>,
        tpu.vector_store %arg5[%swap3A_862], %sub3A_861 {strides = array<i32>} : memref<16384xf32, #tpu.memory_space<vmem>>, vector<16xf32>,
        %bitcast3A_864 = vector.bitcast %sub3A_861 : vector<16xf32> to vector<16xi32>
        %ge3A_865 = arith.constant -2147483648 : i32
        %ge3A_866 = vector.broadcast %ge3A_865 : i32 to vector<16xi32>
        %ge3A_867 = arith.cmpi uge, %bitcast3A_864, %ge3A_866 : vector<16xi32>
        %not3A_868 = arith.constant dense<-1> : vector<16xi32>
        %not3A_869 = arith.xori %bitcast3A_864, %not3A_868 : vector<16xi32>
        %or3A_870 = arith.constant -2147483648 : i32
        %or3A_871 = vector.broadcast %or3A_870 : i32 to vector<16xi32>
        %or3A_872 = arith.ori %bitcast3A_864, %or3A_871 : vector<16xi32>
        %select_n3A_873 = arith.select %ge3A_867, %not3A_869, %or3A_872 : vector<16xi1>, vector<16xi32>
        %shift_right_logical3A_874 = arith.constant 16 : i32
        %shift_right_logical3A_875 = vector.broadcast %shift_right_logical3A_874 : i32 to vector<16xi32>
        %shift_right_logical3A_876 = arith.shrui %select_n3A_873, %shift_right_logical3A_875 : vector<16xi32>
        %convert_element_type3A_877 = arith.fptosi %get3A_851 : vector<16xf32> to vector<16xi32>
        %mul3A_878 = arith.constant 65536 : i32
        %mul3A_879 = vector.broadcast %mul3A_878 : i32 to vector<16xi32>
        %mul3A_880 = arith.muli %convert_element_type3A_877, %mul3A_879 : vector<16xi32>
        %add3A_881 = arith.addi %shift_right_logical3A_876, %mul3A_880 : vector<16xi32>
        %swap3A_882 = arith.index_cast %add3A_847 : i32 to index
        %swap3A_883 = tpu.vector_load %arg7[%swap3A_882] {strides = array<i32>} : memref<16384xi32, #tpu.memory_space<vmem>>, vector<16xi32>,
        tpu.vector_store %arg7[%swap3A_882], %add3A_881 {strides = array<i32>} : memref<16384xi32, #tpu.memory_space<vmem>>, vector<16xi32>,
        %mul3A_884 = arith.constant 128 : i32
        %mul3A_885 = arith.muli %scan3A_690, %mul3A_884 : i32
        %add3A_886 = arith.constant 80 : i32
        %add3A_887 = arith.addi %mul3A_885, %add3A_886 : i32
        %get3A_888 = arith.index_cast %add3A_887 : i32 to index
        %get3A_889 = tpu.vector_load %arg5[%get3A_888] {strides = array<i32>} : memref<16384xf32, #tpu.memory_space<vmem>>, vector<16xf32>,
        %get3A_890 = arith.index_cast %add3A_887 : i32 to index
        %get3A_891 = tpu.vector_load %arg6[%get3A_890] {strides = array<i32>} : memref<16384xf32, #tpu.memory_space<vmem>>, vector<16xf32>,
        %mul3A_892 = arith.constant 2.000000e+00 : f32
        %mul3A_893 = vector.broadcast %mul3A_892 : f32 to vector<16xf32>
        %mul3A_894 = arith.mulf %mul3A_893, %get3A_891 : vector<16xf32>
        %sub3A_895 = arith.constant 1.000000e+00 : f32
        %sub3A_896 = vector.broadcast %sub3A_895 : f32 to vector<16xf32>
        %sub3A_897 = arith.subf %mul3A_894, %sub3A_896 : vector<16xf32>
        %mul3A_898 = arith.mulf %get3A_889, %sub3A_897 : vector<16xf32>
        %sub3A_899 = arith.constant 1.000000e+00 : f32
        %sub3A_900 = vector.broadcast %sub3A_899 : f32 to vector<16xf32>
        %sub3A_901 = arith.subf %sub3A_900, %mul3A_898 : vector<16xf32>
        %swap3A_902 = arith.index_cast %add3A_887 : i32 to index
        %swap3A_903 = tpu.vector_load %arg5[%swap3A_902] {strides = array<i32>} : memref<16384xf32, #tpu.memory_space<vmem>>, vector<16xf32>,
        tpu.vector_store %arg5[%swap3A_902], %sub3A_901 {strides = array<i32>} : memref<16384xf32, #tpu.memory_space<vmem>>, vector<16xf32>,
        %bitcast3A_904 = vector.bitcast %sub3A_901 : vector<16xf32> to vector<16xi32>
        %ge3A_905 = arith.constant -2147483648 : i32
        %ge3A_906 = vector.broadcast %ge3A_905 : i32 to vector<16xi32>
        %ge3A_907 = arith.cmpi uge, %bitcast3A_904, %ge3A_906 : vector<16xi32>
        %not3A_908 = arith.constant dense<-1> : vector<16xi32>
        %not3A_909 = arith.xori %bitcast3A_904, %not3A_908 : vector<16xi32>
        %or3A_910 = arith.constant -2147483648 : i32
        %or3A_911 = vector.broadcast %or3A_910 : i32 to vector<16xi32>
        %or3A_912 = arith.ori %bitcast3A_904, %or3A_911 : vector<16xi32>
        %select_n3A_913 = arith.select %ge3A_907, %not3A_909, %or3A_912 : vector<16xi1>, vector<16xi32>
        %shift_right_logical3A_914 = arith.constant 16 : i32
        %shift_right_logical3A_915 = vector.broadcast %shift_right_logical3A_914 : i32 to vector<16xi32>
        %shift_right_logical3A_916 = arith.shrui %select_n3A_913, %shift_right_logical3A_915 : vector<16xi32>
        %convert_element_type3A_917 = arith.fptosi %get3A_891 : vector<16xf32> to vector<16xi32>
        %mul3A_918 = arith.constant 65536 : i32
        %mul3A_919 = vector.broadcast %mul3A_918 : i32 to vector<16xi32>
        %mul3A_920 = arith.muli %convert_element_type3A_917, %mul3A_919 : vector<16xi32>
        %add3A_921 = arith.addi %shift_right_logical3A_916, %mul3A_920 : vector<16xi32>
        %swap3A_922 = arith.index_cast %add3A_887 : i32 to index
        %swap3A_923 = tpu.vector_load %arg7[%swap3A_922] {strides = array<i32>} : memref<16384xi32, #tpu.memory_space<vmem>>, vector<16xi32>,
        tpu.vector_store %arg7[%swap3A_922], %add3A_921 {strides = array<i32>} : memref<16384xi32, #tpu.memory_space<vmem>>, vector<16xi32>,
        %mul3A_924 = arith.constant 128 : i32
        %mul3A_925 = arith.muli %scan3A_690, %mul3A_924 : i32
        %add3A_926 = arith.constant 96 : i32
        %add3A_927 = arith.addi %mul3A_925, %add3A_926 : i32
        %get3A_928 = arith.index_cast %add3A_927 : i32 to index
        %get3A_929 = tpu.vector_load %arg5[%get3A_928] {strides = array<i32>} : memref<16384xf32, #tpu.memory_space<vmem>>, vector<16xf32>,
        %get3A_930 = arith.index_cast %add3A_927 : i32 to index
        %get3A_931 = tpu.vector_load %arg6[%get3A_930] {strides = array<i32>} : memref<16384xf32, #tpu.memory_space<vmem>>, vector<16xf32>,
        %mul3A_932 = arith.constant 2.000000e+00 : f32
        %mul3A_933 = vector.broadcast %mul3A_932 : f32 to vector<16xf32>
        %mul3A_934 = arith.mulf %mul3A_933, %get3A_931 : vector<16xf32>
        %sub3A_935 = arith.constant 1.000000e+00 : f32
        %sub3A_936 = vector.broadcast %sub3A_935 : f32 to vector<16xf32>
        %sub3A_937 = arith.subf %mul3A_934, %sub3A_936 : vector<16xf32>
        %mul3A_938 = arith.mulf %get3A_929, %sub3A_937 : vector<16xf32>
        %sub3A_939 = arith.constant 1.000000e+00 : f32
        %sub3A_940 = vector.broadcast %sub3A_939 : f32 to vector<16xf32>
        %sub3A_941 = arith.subf %sub3A_940, %mul3A_938 : vector<16xf32>
        %swap3A_942 = arith.index_cast %add3A_927 : i32 to index
        %swap3A_943 = tpu.vector_load %arg5[%swap3A_942] {strides = array<i32>} : memref<16384xf32, #tpu.memory_space<vmem>>, vector<16xf32>,
        tpu.vector_store %arg5[%swap3A_942], %sub3A_941 {strides = array<i32>} : memref<16384xf32, #tpu.memory_space<vmem>>, vector<16xf32>,
        %bitcast3A_944 = vector.bitcast %sub3A_941 : vector<16xf32> to vector<16xi32>
        %ge3A_945 = arith.constant -2147483648 : i32
        %ge3A_946 = vector.broadcast %ge3A_945 : i32 to vector<16xi32>
        %ge3A_947 = arith.cmpi uge, %bitcast3A_944, %ge3A_946 : vector<16xi32>
        %not3A_948 = arith.constant dense<-1> : vector<16xi32>
        %not3A_949 = arith.xori %bitcast3A_944, %not3A_948 : vector<16xi32>
        %or3A_950 = arith.constant -2147483648 : i32
        %or3A_951 = vector.broadcast %or3A_950 : i32 to vector<16xi32>
        %or3A_952 = arith.ori %bitcast3A_944, %or3A_951 : vector<16xi32>
        %select_n3A_953 = arith.select %ge3A_947, %not3A_949, %or3A_952 : vector<16xi1>, vector<16xi32>
        %shift_right_logical3A_954 = arith.constant 16 : i32
        %shift_right_logical3A_955 = vector.broadcast %shift_right_logical3A_954 : i32 to vector<16xi32>
        %shift_right_logical3A_956 = arith.shrui %select_n3A_953, %shift_right_logical3A_955 : vector<16xi32>
        %convert_element_type3A_957 = arith.fptosi %get3A_931 : vector<16xf32> to vector<16xi32>
        %mul3A_958 = arith.constant 65536 : i32
        %mul3A_959 = vector.broadcast %mul3A_958 : i32 to vector<16xi32>
        %mul3A_960 = arith.muli %convert_element_type3A_957, %mul3A_959 : vector<16xi32>
        %add3A_961 = arith.addi %shift_right_logical3A_956, %mul3A_960 : vector<16xi32>
        %swap3A_962 = arith.index_cast %add3A_927 : i32 to index
        %swap3A_963 = tpu.vector_load %arg7[%swap3A_962] {strides = array<i32>} : memref<16384xi32, #tpu.memory_space<vmem>>, vector<16xi32>,
        tpu.vector_store %arg7[%swap3A_962], %add3A_961 {strides = array<i32>} : memref<16384xi32, #tpu.memory_space<vmem>>, vector<16xi32>,
        %mul3A_964 = arith.constant 128 : i32
        %mul3A_965 = arith.muli %scan3A_690, %mul3A_964 : i32
        %add3A_966 = arith.constant 112 : i32
        %add3A_967 = arith.addi %mul3A_965, %add3A_966 : i32
        %get3A_968 = arith.index_cast %add3A_967 : i32 to index
        %get3A_969 = tpu.vector_load %arg5[%get3A_968] {strides = array<i32>} : memref<16384xf32, #tpu.memory_space<vmem>>, vector<16xf32>,
        %get3A_970 = arith.index_cast %add3A_967 : i32 to index
        %get3A_971 = tpu.vector_load %arg6[%get3A_970] {strides = array<i32>} : memref<16384xf32, #tpu.memory_space<vmem>>, vector<16xf32>,
        %mul3A_972 = arith.constant 2.000000e+00 : f32
        %mul3A_973 = vector.broadcast %mul3A_972 : f32 to vector<16xf32>
        %mul3A_974 = arith.mulf %mul3A_973, %get3A_971 : vector<16xf32>
        %sub3A_975 = arith.constant 1.000000e+00 : f32
        %sub3A_976 = vector.broadcast %sub3A_975 : f32 to vector<16xf32>
        %sub3A_977 = arith.subf %mul3A_974, %sub3A_976 : vector<16xf32>
        %mul3A_978 = arith.mulf %get3A_969, %sub3A_977 : vector<16xf32>
        %sub3A_979 = arith.constant 1.000000e+00 : f32
        %sub3A_980 = vector.broadcast %sub3A_979 : f32 to vector<16xf32>
        %sub3A_981 = arith.subf %sub3A_980, %mul3A_978 : vector<16xf32>
        %swap3A_982 = arith.index_cast %add3A_967 : i32 to index
        %swap3A_983 = tpu.vector_load %arg5[%swap3A_982] {strides = array<i32>} : memref<16384xf32, #tpu.memory_space<vmem>>, vector<16xf32>,
        tpu.vector_store %arg5[%swap3A_982], %sub3A_981 {strides = array<i32>} : memref<16384xf32, #tpu.memory_space<vmem>>, vector<16xf32>,
        %bitcast3A_984 = vector.bitcast %sub3A_981 : vector<16xf32> to vector<16xi32>
        %ge3A_985 = arith.constant -2147483648 : i32
        %ge3A_986 = vector.broadcast %ge3A_985 : i32 to vector<16xi32>
        %ge3A_987 = arith.cmpi uge, %bitcast3A_984, %ge3A_986 : vector<16xi32>
        %not3A_988 = arith.constant dense<-1> : vector<16xi32>
        %not3A_989 = arith.xori %bitcast3A_984, %not3A_988 : vector<16xi32>
        %or3A_990 = arith.constant -2147483648 : i32
        %or3A_991 = vector.broadcast %or3A_990 : i32 to vector<16xi32>
        %or3A_992 = arith.ori %bitcast3A_984, %or3A_991 : vector<16xi32>
        %select_n3A_993 = arith.select %ge3A_987, %not3A_989, %or3A_992 : vector<16xi1>, vector<16xi32>
        %shift_right_logical3A_994 = arith.constant 16 : i32
        %shift_right_logical3A_995 = vector.broadcast %shift_right_logical3A_994 : i32 to vector<16xi32>
        %shift_right_logical3A_996 = arith.shrui %select_n3A_993, %shift_right_logical3A_995 : vector<16xi32>
        %convert_element_type3A_997 = arith.fptosi %get3A_971 : vector<16xf32> to vector<16xi32>
        %mul3A_998 = arith.constant 65536 : i32
        %mul3A_999 = vector.broadcast %mul3A_998 : i32 to vector<16xi32>
        %mul3A_1000 = arith.muli %convert_element_type3A_997, %mul3A_999 : vector<16xi32>
        %add3A_1001 = arith.addi %shift_right_logical3A_996, %mul3A_1000 : vector<16xi32>
        %swap3A_1002 = arith.index_cast %add3A_967 : i32 to index
        %swap3A_1003 = tpu.vector_load %arg7[%swap3A_1002] {strides = array<i32>} : memref<16384xi32, #tpu.memory_space<vmem>>, vector<16xi32>,
        tpu.vector_store %arg7[%swap3A_1002], %add3A_1001 {strides = array<i32>} : memref<16384xi32, #tpu.memory_space<vmem>>, vector<16xi32>,
      }
      %scan3A_92 = arith.constant 128 : i32
      "tpu.trace_stop"() : () -> ()
      "tpu.trace_start"() <{level = 10 : i32, message = "phA_scat"}> : () -> ()
      "tpu.region"() ({
        %run_scoped3A = tpu.sem_alloc : memref<!tpu.dma_semaphore, #tpu.memory_space<semaphore_mem>>
        %dma_start3A_690 = arith.constant 0 : i32
        %dma_start3A_691 = tpu.memref_slice %arg18[%dma_start3A_690] : memref<131072xf32, #tpu.memory_space<vmem_shared>> -> memref<131072xf32, #tpu.memory_space<vmem_shared>>
        tpu.enqueue_indirect_dma source(%arg14 : memref<16384xf32, #tpu.memory_space<vmem>>) target(%dma_start3A_691 : memref<131072xf32, #tpu.memory_space<vmem_shared>>) offsets(%arg7 : memref<16384xi32, #tpu.memory_space<vmem>>) semaphore(%run_scoped3A : memref<!tpu.dma_semaphore, #tpu.memory_space<semaphore_mem>>) {add = true}
        %dma_wait3A_692 = arith.constant 0 : i32
        %dma_wait3A_693 = tpu.memref_slice %arg18[%dma_wait3A_692] : memref<131072xf32, #tpu.memory_space<vmem_shared>> -> memref<131072xf32, #tpu.memory_space<vmem_shared>>
        tpu.wait_indirect_dma semaphore(%run_scoped3A : memref<!tpu.dma_semaphore, #tpu.memory_space<semaphore_mem>>) src(%arg14 : memref<16384xf32, #tpu.memory_space<vmem>>) dst(%dma_wait3A_693 : memref<131072xf32, #tpu.memory_space<vmem_shared>>)
        tpu.yield
      }) : () -> ()
      %barrier3A_93 = arith.constant 0 : index
      tpu.barrier barrier_id(%barrier3A_93)
      "tpu.trace_stop"() : () -> ()
      "tpu.trace_start"() <{level = 10 : i32, message = "phB1"}> : () -> ()
      %mul3A_94 = arith.constant 4096 : i32
      %mul3A_95 = arith.muli %arg1, %mul3A_94 : i32
      %add3A_96 = arith.constant 0 : i32
      %add3A_97 = arith.addi %mul3A_95, %add3A_96 : i32
      %add3A_98 = arith.constant 65536 : i32
      %add3A_99 = arith.addi %add3A_98, %add3A_97 : i32
      "tpu.region"() ({
        %run_scoped3A = tpu.sem_alloc : memref<!tpu.dma_semaphore, #tpu.memory_space<semaphore_mem>>
        %dma_start3A_690 = tpu.memref_slice %arg18[%add3A_99] : memref<131072xf32, #tpu.memory_space<vmem_shared>> -> memref<4096xf32, #tpu.memory_space<vmem_shared>>
        %dma_start3A_691 = tpu.memref_slice %arg18[%add3A_99] : memref<131072xf32, #tpu.memory_space<vmem_shared>> -> memref<4096xf32, #tpu.memory_space<vmem_shared>>
        tpu.enqueue_dma source(%dma_start3A_691 : memref<4096xf32, #tpu.memory_space<vmem_shared>>) target(%arg8 : memref<4096xf32, #tpu.memory_space<vmem>>) target_semaphore(%run_scoped3A : memref<!tpu.dma_semaphore, #tpu.memory_space<semaphore_mem>>)
        %dma_wait3A_692 = tpu.memref_slice %arg18[%add3A_99] : memref<131072xf32, #tpu.memory_space<vmem_shared>> -> memref<4096xf32, #tpu.memory_space<vmem_shared>>
        %dma_wait3A_693 = tpu.memref_slice %arg18[%add3A_99] : memref<131072xf32, #tpu.memory_space<vmem_shared>> -> memref<4096xf32, #tpu.memory_space<vmem_shared>>
        tpu.wait_dma2 semaphore(%run_scoped3A : memref<!tpu.dma_semaphore, #tpu.memory_space<semaphore_mem>>) src(%dma_wait3A_693 : memref<4096xf32, #tpu.memory_space<vmem_shared>>) dst(%arg8 : memref<4096xf32, #tpu.memory_space<vmem>>)
        tpu.yield
      }) : () -> ()
      "tpu.region"() ({
        %run_scoped3A = tpu.sem_alloc : memref<!tpu.dma_semaphore, #tpu.memory_space<semaphore_mem>>
        %dma_start3A_690 = tpu.memref_slice %arg18[%add3A_97] : memref<131072xf32, #tpu.memory_space<vmem_shared>> -> memref<4096xf32, #tpu.memory_space<vmem_shared>>
        %dma_start3A_691 = tpu.memref_slice %arg18[%add3A_97] : memref<131072xf32, #tpu.memory_space<vmem_shared>> -> memref<4096xf32, #tpu.memory_space<vmem_shared>>
        tpu.enqueue_dma source(%dma_start3A_691 : memref<4096xf32, #tpu.memory_space<vmem_shared>>) target(%arg9 : memref<4096xf32, #tpu.memory_space<vmem>>) target_semaphore(%run_scoped3A : memref<!tpu.dma_semaphore, #tpu.memory_space<semaphore_mem>>)
        %dma_wait3A_692 = tpu.memref_slice %arg18[%add3A_97] : memref<131072xf32, #tpu.memory_space<vmem_shared>> -> memref<4096xf32, #tpu.memory_space<vmem_shared>>
        %dma_wait3A_693 = tpu.memref_slice %arg18[%add3A_97] : memref<131072xf32, #tpu.memory_space<vmem_shared>> -> memref<4096xf32, #tpu.memory_space<vmem_shared>>
        tpu.wait_dma2 semaphore(%run_scoped3A : memref<!tpu.dma_semaphore, #tpu.memory_space<semaphore_mem>>) src(%dma_wait3A_693 : memref<4096xf32, #tpu.memory_space<vmem_shared>>) dst(%arg9 : memref<4096xf32, #tpu.memory_space<vmem>>)
        tpu.yield
      }) : () -> ()
      %scan3A_100 = arith.constant 0 : i32
      %scan3A_101 = arith.constant 256 : i32
      %scan3A_102 = arith.addi %scan3A_100, %scan3A_101 : i32
      %scan3A_103 = arith.constant 1 : i32
      %scan3A_104:2 = scf.for %scan3A_690 = %scan3A_100 to %scan3A_102 step %scan3A_103 iter_args(%scan3A_691 = %broadcast_in_dim3A_0, %scan3A_692 = %broadcast_in_dim3A_0) -> (vector<16xf32>, vector<16xf32>)  : i32 {
        %mul3A_693 = arith.constant 16 : i32
        %mul3A_694 = arith.muli %scan3A_690, %mul3A_693 : i32
        %get3A_695 = arith.index_cast %mul3A_694 : i32 to index
        %get3A_696 = tpu.vector_load %arg8[%get3A_695] {strides = array<i32>} : memref<4096xf32, #tpu.memory_space<vmem>>, vector<16xf32>,
        %add3A_697 = arith.addf %scan3A_691, %get3A_696 : vector<16xf32>
        %mul3A_698 = arith.constant 16 : i32
        %mul3A_699 = arith.muli %scan3A_690, %mul3A_698 : i32
        %get3A_700 = arith.index_cast %mul3A_699 : i32 to index
        %get3A_701 = tpu.vector_load %arg9[%get3A_700] {strides = array<i32>} : memref<4096xf32, #tpu.memory_space<vmem>>, vector<16xf32>,
        %add3A_702 = arith.addf %scan3A_692, %get3A_701 : vector<16xf32>
        scf.yield %add3A_697, %add3A_702 : vector<16xf32>, vector<16xf32>
      }
      %scan3A_105 = arith.constant 256 : i32
      %reduce_sum3A = arith.constant true
      %reduce_sum3A_106 = vector.broadcast %reduce_sum3A : i1 to vector<16xi1>
      %reduce_sum3A_107 = tpu.scan <sum>, %scan3A_104#0 masked %reduce_sum3A_106 : vector<16xf32>, vector<16xi1> -> vector<16xf32>
      %reduce_sum3A_108 = vector.extract %reduce_sum3A_107[15] : f32 from vector<16xf32>
      %reduce_sum3A_109 = arith.constant true
      %reduce_sum3A_110 = vector.broadcast %reduce_sum3A_109 : i1 to vector<16xi1>
      %reduce_sum3A_111 = tpu.scan <sum>, %scan3A_104#1 masked %reduce_sum3A_110 : vector<16xf32>, vector<16xi1> -> vector<16xf32>
      %reduce_sum3A_112 = vector.extract %reduce_sum3A_111[15] : f32 from vector<16xf32>
      %eq3A = arith.constant 0 : i32
      %eq3A_113 = vector.broadcast %eq3A : i32 to vector<16xi32>
      %eq3A_114 = arith.cmpi eq, %iota3A, %eq3A_113 : vector<16xi32>
      %broadcast_in_dim3A_115 = vector.broadcast %reduce_sum3A_108 : f32 to vector<16xf32>
      %eq3A_116 = arith.constant 1 : i32
      %eq3A_117 = vector.broadcast %eq3A_116 : i32 to vector<16xi32>
      %eq3A_118 = arith.cmpi eq, %iota3A, %eq3A_117 : vector<16xi32>
      %broadcast_in_dim3A_119 = vector.broadcast %reduce_sum3A_112 : f32 to vector<16xf32>
      %select_n3A = arith.select %eq3A_118, %broadcast_in_dim3A_119, %broadcast_in_dim3A_0 : vector<16xi1>, vector<16xf32>
      %select_n3A_120 = arith.select %eq3A_114, %broadcast_in_dim3A_115, %select_n3A : vector<16xi1>, vector<16xf32>
      %swap3A_121 = arith.constant 0 : index
      %swap3A_122 = tpu.vector_load %arg16[%swap3A_121] {strides = array<i32>} : memref<16xf32, #tpu.memory_space<vmem>>, vector<16xf32>,
      tpu.vector_store %arg16[%swap3A_121], %select_n3A_120 {strides = array<i32>} : memref<16xf32, #tpu.memory_space<vmem>>, vector<16xf32>,
      "tpu.region"() ({
        %run_scoped3A = tpu.sem_alloc : memref<!tpu.dma_semaphore, #tpu.memory_space<semaphore_mem>>
        %dma_start3A_690 = arith.constant 0 : i32
        %dma_start3A_691 = tpu.memref_slice %arg20[%arg1, %dma_start3A_690] : memref<16x16xf32, #tpu.memory_space<vmem_shared>> -> memref<1x16xf32, #tpu.memory_space<vmem_shared>>
        %dma_start3A_692 = tpu.memref_squeeze %dma_start3A_691 : memref<1x16xf32, #tpu.memory_space<vmem_shared>> -> memref<16xf32, #tpu.memory_space<vmem_shared>>
        %dma_start3A_693 = arith.constant 0 : i32
        %dma_start3A_694 = tpu.memref_slice %arg20[%arg1, %dma_start3A_693] : memref<16x16xf32, #tpu.memory_space<vmem_shared>> -> memref<1x16xf32, #tpu.memory_space<vmem_shared>>
        %dma_start3A_695 = tpu.memref_squeeze %dma_start3A_694 : memref<1x16xf32, #tpu.memory_space<vmem_shared>> -> memref<16xf32, #tpu.memory_space<vmem_shared>>
        tpu.enqueue_dma source(%arg16 : memref<16xf32, #tpu.memory_space<vmem>>) target(%dma_start3A_695 : memref<16xf32, #tpu.memory_space<vmem_shared>>) target_semaphore(%run_scoped3A : memref<!tpu.dma_semaphore, #tpu.memory_space<semaphore_mem>>)
        %dma_wait3A_696 = arith.constant 0 : i32
        %dma_wait3A_697 = tpu.memref_slice %arg20[%arg1, %dma_wait3A_696] : memref<16x16xf32, #tpu.memory_space<vmem_shared>> -> memref<1x16xf32, #tpu.memory_space<vmem_shared>>
        %dma_wait3A_698 = tpu.memref_squeeze %dma_wait3A_697 : memref<1x16xf32, #tpu.memory_space<vmem_shared>> -> memref<16xf32, #tpu.memory_space<vmem_shared>>
        %dma_wait3A_699 = arith.constant 0 : i32
        %dma_wait3A_700 = tpu.memref_slice %arg20[%arg1, %dma_wait3A_699] : memref<16x16xf32, #tpu.memory_space<vmem_shared>> -> memref<1x16xf32, #tpu.memory_space<vmem_shared>>
        %dma_wait3A_701 = tpu.memref_squeeze %dma_wait3A_700 : memref<1x16xf32, #tpu.memory_space<vmem_shared>> -> memref<16xf32, #tpu.memory_space<vmem_shared>>
        tpu.wait_dma2 semaphore(%run_scoped3A : memref<!tpu.dma_semaphore, #tpu.memory_space<semaphore_mem>>) src(%arg16 : memref<16xf32, #tpu.memory_space<vmem>>) dst(%dma_wait3A_701 : memref<16xf32, #tpu.memory_space<vmem_shared>>)
        tpu.yield
      }) : () -> ()
      %barrier3A_123 = arith.constant 0 : index
      tpu.barrier barrier_id(%barrier3A_123)
      "tpu.region"() ({
        %run_scoped3A = tpu.sem_alloc : memref<!tpu.dma_semaphore, #tpu.memory_space<semaphore_mem>>
        tpu.enqueue_dma source(%arg20 : memref<16x16xf32, #tpu.memory_space<vmem_shared>>) target(%arg17 : memref<16x16xf32, #tpu.memory_space<vmem>>) target_semaphore(%run_scoped3A : memref<!tpu.dma_semaphore, #tpu.memory_space<semaphore_mem>>)
        tpu.wait_dma2 semaphore(%run_scoped3A : memref<!tpu.dma_semaphore, #tpu.memory_space<semaphore_mem>>) src(%arg20 : memref<16x16xf32, #tpu.memory_space<vmem_shared>>) dst(%arg17 : memref<16x16xf32, #tpu.memory_space<vmem>>)
        tpu.yield
      }) : () -> ()
      %get3A = arith.constant 0 : i32
      %get3A_124 = arith.index_cast %get3A : i32 to index
      %get3A_125 = arith.constant 0 : index
      %get3A_126 = tpu.vector_load %arg17[%get3A_124, %get3A_125] {strides = array<i32>} : memref<16x16xf32, #tpu.memory_space<vmem>>, vector<16xf32>,
      %eq3A_127 = arith.constant 0 : i32
      %eq3A_128 = vector.broadcast %eq3A_127 : i32 to vector<16xi32>
      %eq3A_129 = arith.cmpi eq, %iota3A, %eq3A_128 : vector<16xi32>
      %jit3A = arith.constant 0.000000e+00 : f32
      %broadcast_in_dim3A_130 = vector.broadcast %jit3A : f32 to vector<16xf32>
      %select_n3A_131 = arith.select %eq3A_129, %get3A_126, %broadcast_in_dim3A_130 : vector<16xi1>, vector<16xf32>
      %reduce_sum3A_132 = arith.constant true
      %reduce_sum3A_133 = vector.broadcast %reduce_sum3A_132 : i1 to vector<16xi1>
      %reduce_sum3A_134 = tpu.scan <sum>, %select_n3A_131 masked %reduce_sum3A_133 : vector<16xf32>, vector<16xi1> -> vector<16xf32>
      %reduce_sum3A_135 = vector.extract %reduce_sum3A_134[15] : f32 from vector<16xf32>
      %broadcast_in_dim3A_136 = vector.broadcast %reduce_sum3A_135 : f32 to vector<16xf32>
      %eq3A_137 = arith.constant 1 : i32
      %eq3A_138 = vector.broadcast %eq3A_137 : i32 to vector<16xi32>
      %eq3A_139 = arith.cmpi eq, %iota3A, %eq3A_138 : vector<16xi32>
      %jit3A_140 = arith.constant 0.000000e+00 : f32
      %broadcast_in_dim3A_141 = vector.broadcast %jit3A_140 : f32 to vector<16xf32>
      %select_n3A_142 = arith.select %eq3A_139, %get3A_126, %broadcast_in_dim3A_141 : vector<16xi1>, vector<16xf32>
      %reduce_sum3A_143 = arith.constant true
      %reduce_sum3A_144 = vector.broadcast %reduce_sum3A_143 : i1 to vector<16xi1>
      %reduce_sum3A_145 = tpu.scan <sum>, %select_n3A_142 masked %reduce_sum3A_144 : vector<16xf32>, vector<16xi1> -> vector<16xf32>
      %reduce_sum3A_146 = vector.extract %reduce_sum3A_145[15] : f32 from vector<16xf32>
      %broadcast_in_dim3A_147 = vector.broadcast %reduce_sum3A_146 : f32 to vector<16xf32>
      %add3A_148 = arith.addf %broadcast_in_dim3A_0, %broadcast_in_dim3A_136 : vector<16xf32>
      %gt3A = arith.constant 0 : i32
      %gt3A_149 = arith.cmpi sgt, %gt3A, %arg1 : i32
      %select_n3A_150 = arith.select %gt3A_149, %broadcast_in_dim3A_136, %broadcast_in_dim3A_0 : vector<16xf32>
      %add3A_151 = arith.addf %broadcast_in_dim3A_0, %select_n3A_150 : vector<16xf32>
      %select_n3A_152 = arith.select %gt3A_149, %broadcast_in_dim3A_147, %broadcast_in_dim3A_0 : vector<16xf32>
      %add3A_153 = arith.addf %broadcast_in_dim3A_0, %select_n3A_152 : vector<16xf32>
      %get3A_154 = arith.constant 1 : i32
      %get3A_155 = arith.index_cast %get3A_154 : i32 to index
      %get3A_156 = arith.constant 0 : index
      %get3A_157 = tpu.vector_load %arg17[%get3A_155, %get3A_156] {strides = array<i32>} : memref<16x16xf32, #tpu.memory_space<vmem>>, vector<16xf32>,
      %eq3A_158 = arith.constant 0 : i32
      %eq3A_159 = vector.broadcast %eq3A_158 : i32 to vector<16xi32>
      %eq3A_160 = arith.cmpi eq, %iota3A, %eq3A_159 : vector<16xi32>
      %jit3A_161 = arith.constant 0.000000e+00 : f32
      %broadcast_in_dim3A_162 = vector.broadcast %jit3A_161 : f32 to vector<16xf32>
      %select_n3A_163 = arith.select %eq3A_160, %get3A_157, %broadcast_in_dim3A_162 : vector<16xi1>, vector<16xf32>
      %reduce_sum3A_164 = arith.constant true
      %reduce_sum3A_165 = vector.broadcast %reduce_sum3A_164 : i1 to vector<16xi1>
      %reduce_sum3A_166 = tpu.scan <sum>, %select_n3A_163 masked %reduce_sum3A_165 : vector<16xf32>, vector<16xi1> -> vector<16xf32>
      %reduce_sum3A_167 = vector.extract %reduce_sum3A_166[15] : f32 from vector<16xf32>
      %broadcast_in_dim3A_168 = vector.broadcast %reduce_sum3A_167 : f32 to vector<16xf32>
      %eq3A_169 = arith.constant 1 : i32
      %eq3A_170 = vector.broadcast %eq3A_169 : i32 to vector<16xi32>
      %eq3A_171 = arith.cmpi eq, %iota3A, %eq3A_170 : vector<16xi32>
      %jit3A_172 = arith.constant 0.000000e+00 : f32
      %broadcast_in_dim3A_173 = vector.broadcast %jit3A_172 : f32 to vector<16xf32>
      %select_n3A_174 = arith.select %eq3A_171, %get3A_157, %broadcast_in_dim3A_173 : vector<16xi1>, vector<16xf32>
      %reduce_sum3A_175 = arith.constant true
      %reduce_sum3A_176 = vector.broadcast %reduce_sum3A_175 : i1 to vector<16xi1>
      %reduce_sum3A_177 = tpu.scan <sum>, %select_n3A_174 masked %reduce_sum3A_176 : vector<16xf32>, vector<16xi1> -> vector<16xf32>
      %reduce_sum3A_178 = vector.extract %reduce_sum3A_177[15] : f32 from vector<16xf32>
      %broadcast_in_dim3A_179 = vector.broadcast %reduce_sum3A_178 : f32 to vector<16xf32>
      %add3A_180 = arith.addf %add3A_148, %broadcast_in_dim3A_168 : vector<16xf32>
      %gt3A_181 = arith.constant 1 : i32
      %gt3A_182 = arith.cmpi sgt, %gt3A_181, %arg1 : i32
      %select_n3A_183 = arith.select %gt3A_182, %broadcast_in_dim3A_168, %broadcast_in_dim3A_0 : vector<16xf32>
      %add3A_184 = arith.addf %add3A_151, %select_n3A_183 : vector<16xf32>
      %select_n3A_185 = arith.select %gt3A_182, %broadcast_in_dim3A_179, %broadcast_in_dim3A_0 : vector<16xf32>
      %add3A_186 = arith.addf %add3A_153, %select_n3A_185 : vector<16xf32>
      %get3A_187 = arith.constant 2 : i32
      %get3A_188 = arith.index_cast %get3A_187 : i32 to index
      %get3A_189 = arith.constant 0 : index
      %get3A_190 = tpu.vector_load %arg17[%get3A_188, %get3A_189] {strides = array<i32>} : memref<16x16xf32, #tpu.memory_space<vmem>>, vector<16xf32>,
      %eq3A_191 = arith.constant 0 : i32
      %eq3A_192 = vector.broadcast %eq3A_191 : i32 to vector<16xi32>
      %eq3A_193 = arith.cmpi eq, %iota3A, %eq3A_192 : vector<16xi32>
      %jit3A_194 = arith.constant 0.000000e+00 : f32
      %broadcast_in_dim3A_195 = vector.broadcast %jit3A_194 : f32 to vector<16xf32>
      %select_n3A_196 = arith.select %eq3A_193, %get3A_190, %broadcast_in_dim3A_195 : vector<16xi1>, vector<16xf32>
      %reduce_sum3A_197 = arith.constant true
      %reduce_sum3A_198 = vector.broadcast %reduce_sum3A_197 : i1 to vector<16xi1>
      %reduce_sum3A_199 = tpu.scan <sum>, %select_n3A_196 masked %reduce_sum3A_198 : vector<16xf32>, vector<16xi1> -> vector<16xf32>
      %reduce_sum3A_200 = vector.extract %reduce_sum3A_199[15] : f32 from vector<16xf32>
      %broadcast_in_dim3A_201 = vector.broadcast %reduce_sum3A_200 : f32 to vector<16xf32>
      %eq3A_202 = arith.constant 1 : i32
      %eq3A_203 = vector.broadcast %eq3A_202 : i32 to vector<16xi32>
      %eq3A_204 = arith.cmpi eq, %iota3A, %eq3A_203 : vector<16xi32>
      %jit3A_205 = arith.constant 0.000000e+00 : f32
      %broadcast_in_dim3A_206 = vector.broadcast %jit3A_205 : f32 to vector<16xf32>
      %select_n3A_207 = arith.select %eq3A_204, %get3A_190, %broadcast_in_dim3A_206 : vector<16xi1>, vector<16xf32>
      %reduce_sum3A_208 = arith.constant true
      %reduce_sum3A_209 = vector.broadcast %reduce_sum3A_208 : i1 to vector<16xi1>
      %reduce_sum3A_210 = tpu.scan <sum>, %select_n3A_207 masked %reduce_sum3A_209 : vector<16xf32>, vector<16xi1> -> vector<16xf32>
      %reduce_sum3A_211 = vector.extract %reduce_sum3A_210[15] : f32 from vector<16xf32>
      %broadcast_in_dim3A_212 = vector.broadcast %reduce_sum3A_211 : f32 to vector<16xf32>
      %add3A_213 = arith.addf %add3A_180, %broadcast_in_dim3A_201 : vector<16xf32>
      %gt3A_214 = arith.constant 2 : i32
      %gt3A_215 = arith.cmpi sgt, %gt3A_214, %arg1 : i32
      %select_n3A_216 = arith.select %gt3A_215, %broadcast_in_dim3A_201, %broadcast_in_dim3A_0 : vector<16xf32>
      %add3A_217 = arith.addf %add3A_184, %select_n3A_216 : vector<16xf32>
      %select_n3A_218 = arith.select %gt3A_215, %broadcast_in_dim3A_212, %broadcast_in_dim3A_0 : vector<16xf32>
      %add3A_219 = arith.addf %add3A_186, %select_n3A_218 : vector<16xf32>
      %get3A_220 = arith.constant 3 : i32
      %get3A_221 = arith.index_cast %get3A_220 : i32 to index
      %get3A_222 = arith.constant 0 : index
      %get3A_223 = tpu.vector_load %arg17[%get3A_221, %get3A_222] {strides = array<i32>} : memref<16x16xf32, #tpu.memory_space<vmem>>, vector<16xf32>,
      %eq3A_224 = arith.constant 0 : i32
      %eq3A_225 = vector.broadcast %eq3A_224 : i32 to vector<16xi32>
      %eq3A_226 = arith.cmpi eq, %iota3A, %eq3A_225 : vector<16xi32>
      %jit3A_227 = arith.constant 0.000000e+00 : f32
      %broadcast_in_dim3A_228 = vector.broadcast %jit3A_227 : f32 to vector<16xf32>
      %select_n3A_229 = arith.select %eq3A_226, %get3A_223, %broadcast_in_dim3A_228 : vector<16xi1>, vector<16xf32>
      %reduce_sum3A_230 = arith.constant true
      %reduce_sum3A_231 = vector.broadcast %reduce_sum3A_230 : i1 to vector<16xi1>
      %reduce_sum3A_232 = tpu.scan <sum>, %select_n3A_229 masked %reduce_sum3A_231 : vector<16xf32>, vector<16xi1> -> vector<16xf32>
      %reduce_sum3A_233 = vector.extract %reduce_sum3A_232[15] : f32 from vector<16xf32>
      %broadcast_in_dim3A_234 = vector.broadcast %reduce_sum3A_233 : f32 to vector<16xf32>
      %eq3A_235 = arith.constant 1 : i32
      %eq3A_236 = vector.broadcast %eq3A_235 : i32 to vector<16xi32>
      %eq3A_237 = arith.cmpi eq, %iota3A, %eq3A_236 : vector<16xi32>
      %jit3A_238 = arith.constant 0.000000e+00 : f32
      %broadcast_in_dim3A_239 = vector.broadcast %jit3A_238 : f32 to vector<16xf32>
      %select_n3A_240 = arith.select %eq3A_237, %get3A_223, %broadcast_in_dim3A_239 : vector<16xi1>, vector<16xf32>
      %reduce_sum3A_241 = arith.constant true
      %reduce_sum3A_242 = vector.broadcast %reduce_sum3A_241 : i1 to vector<16xi1>
      %reduce_sum3A_243 = tpu.scan <sum>, %select_n3A_240 masked %reduce_sum3A_242 : vector<16xf32>, vector<16xi1> -> vector<16xf32>
      %reduce_sum3A_244 = vector.extract %reduce_sum3A_243[15] : f32 from vector<16xf32>
      %broadcast_in_dim3A_245 = vector.broadcast %reduce_sum3A_244 : f32 to vector<16xf32>
      %add3A_246 = arith.addf %add3A_213, %broadcast_in_dim3A_234 : vector<16xf32>
      %gt3A_247 = arith.constant 3 : i32
      %gt3A_248 = arith.cmpi sgt, %gt3A_247, %arg1 : i32
      %select_n3A_249 = arith.select %gt3A_248, %broadcast_in_dim3A_234, %broadcast_in_dim3A_0 : vector<16xf32>
      %add3A_250 = arith.addf %add3A_217, %select_n3A_249 : vector<16xf32>
      %select_n3A_251 = arith.select %gt3A_248, %broadcast_in_dim3A_245, %broadcast_in_dim3A_0 : vector<16xf32>
      %add3A_252 = arith.addf %add3A_219, %select_n3A_251 : vector<16xf32>
      %get3A_253 = arith.constant 4 : i32
      %get3A_254 = arith.index_cast %get3A_253 : i32 to index
      %get3A_255 = arith.constant 0 : index
      %get3A_256 = tpu.vector_load %arg17[%get3A_254, %get3A_255] {strides = array<i32>} : memref<16x16xf32, #tpu.memory_space<vmem>>, vector<16xf32>,
      %eq3A_257 = arith.constant 0 : i32
      %eq3A_258 = vector.broadcast %eq3A_257 : i32 to vector<16xi32>
      %eq3A_259 = arith.cmpi eq, %iota3A, %eq3A_258 : vector<16xi32>
      %jit3A_260 = arith.constant 0.000000e+00 : f32
      %broadcast_in_dim3A_261 = vector.broadcast %jit3A_260 : f32 to vector<16xf32>
      %select_n3A_262 = arith.select %eq3A_259, %get3A_256, %broadcast_in_dim3A_261 : vector<16xi1>, vector<16xf32>
      %reduce_sum3A_263 = arith.constant true
      %reduce_sum3A_264 = vector.broadcast %reduce_sum3A_263 : i1 to vector<16xi1>
      %reduce_sum3A_265 = tpu.scan <sum>, %select_n3A_262 masked %reduce_sum3A_264 : vector<16xf32>, vector<16xi1> -> vector<16xf32>
      %reduce_sum3A_266 = vector.extract %reduce_sum3A_265[15] : f32 from vector<16xf32>
      %broadcast_in_dim3A_267 = vector.broadcast %reduce_sum3A_266 : f32 to vector<16xf32>
      %eq3A_268 = arith.constant 1 : i32
      %eq3A_269 = vector.broadcast %eq3A_268 : i32 to vector<16xi32>
      %eq3A_270 = arith.cmpi eq, %iota3A, %eq3A_269 : vector<16xi32>
      %jit3A_271 = arith.constant 0.000000e+00 : f32
      %broadcast_in_dim3A_272 = vector.broadcast %jit3A_271 : f32 to vector<16xf32>
      %select_n3A_273 = arith.select %eq3A_270, %get3A_256, %broadcast_in_dim3A_272 : vector<16xi1>, vector<16xf32>
      %reduce_sum3A_274 = arith.constant true
      %reduce_sum3A_275 = vector.broadcast %reduce_sum3A_274 : i1 to vector<16xi1>
      %reduce_sum3A_276 = tpu.scan <sum>, %select_n3A_273 masked %reduce_sum3A_275 : vector<16xf32>, vector<16xi1> -> vector<16xf32>
      %reduce_sum3A_277 = vector.extract %reduce_sum3A_276[15] : f32 from vector<16xf32>
      %broadcast_in_dim3A_278 = vector.broadcast %reduce_sum3A_277 : f32 to vector<16xf32>
      %add3A_279 = arith.addf %add3A_246, %broadcast_in_dim3A_267 : vector<16xf32>
      %gt3A_280 = arith.constant 4 : i32
      %gt3A_281 = arith.cmpi sgt, %gt3A_280, %arg1 : i32
      %select_n3A_282 = arith.select %gt3A_281, %broadcast_in_dim3A_267, %broadcast_in_dim3A_0 : vector<16xf32>
      %add3A_283 = arith.addf %add3A_250, %select_n3A_282 : vector<16xf32>
      %select_n3A_284 = arith.select %gt3A_281, %broadcast_in_dim3A_278, %broadcast_in_dim3A_0 : vector<16xf32>
      %add3A_285 = arith.addf %add3A_252, %select_n3A_284 : vector<16xf32>
      %get3A_286 = arith.constant 5 : i32
      %get3A_287 = arith.index_cast %get3A_286 : i32 to index
      %get3A_288 = arith.constant 0 : index
      %get3A_289 = tpu.vector_load %arg17[%get3A_287, %get3A_288] {strides = array<i32>} : memref<16x16xf32, #tpu.memory_space<vmem>>, vector<16xf32>,
      %eq3A_290 = arith.constant 0 : i32
      %eq3A_291 = vector.broadcast %eq3A_290 : i32 to vector<16xi32>
      %eq3A_292 = arith.cmpi eq, %iota3A, %eq3A_291 : vector<16xi32>
      %jit3A_293 = arith.constant 0.000000e+00 : f32
      %broadcast_in_dim3A_294 = vector.broadcast %jit3A_293 : f32 to vector<16xf32>
      %select_n3A_295 = arith.select %eq3A_292, %get3A_289, %broadcast_in_dim3A_294 : vector<16xi1>, vector<16xf32>
      %reduce_sum3A_296 = arith.constant true
      %reduce_sum3A_297 = vector.broadcast %reduce_sum3A_296 : i1 to vector<16xi1>
      %reduce_sum3A_298 = tpu.scan <sum>, %select_n3A_295 masked %reduce_sum3A_297 : vector<16xf32>, vector<16xi1> -> vector<16xf32>
      %reduce_sum3A_299 = vector.extract %reduce_sum3A_298[15] : f32 from vector<16xf32>
      %broadcast_in_dim3A_300 = vector.broadcast %reduce_sum3A_299 : f32 to vector<16xf32>
      %eq3A_301 = arith.constant 1 : i32
      %eq3A_302 = vector.broadcast %eq3A_301 : i32 to vector<16xi32>
      %eq3A_303 = arith.cmpi eq, %iota3A, %eq3A_302 : vector<16xi32>
      %jit3A_304 = arith.constant 0.000000e+00 : f32
      %broadcast_in_dim3A_305 = vector.broadcast %jit3A_304 : f32 to vector<16xf32>
      %select_n3A_306 = arith.select %eq3A_303, %get3A_289, %broadcast_in_dim3A_305 : vector<16xi1>, vector<16xf32>
      %reduce_sum3A_307 = arith.constant true
      %reduce_sum3A_308 = vector.broadcast %reduce_sum3A_307 : i1 to vector<16xi1>
      %reduce_sum3A_309 = tpu.scan <sum>, %select_n3A_306 masked %reduce_sum3A_308 : vector<16xf32>, vector<16xi1> -> vector<16xf32>
      %reduce_sum3A_310 = vector.extract %reduce_sum3A_309[15] : f32 from vector<16xf32>
      %broadcast_in_dim3A_311 = vector.broadcast %reduce_sum3A_310 : f32 to vector<16xf32>
      %add3A_312 = arith.addf %add3A_279, %broadcast_in_dim3A_300 : vector<16xf32>
      %gt3A_313 = arith.constant 5 : i32
      %gt3A_314 = arith.cmpi sgt, %gt3A_313, %arg1 : i32
      %select_n3A_315 = arith.select %gt3A_314, %broadcast_in_dim3A_300, %broadcast_in_dim3A_0 : vector<16xf32>
      %add3A_316 = arith.addf %add3A_283, %select_n3A_315 : vector<16xf32>
      %select_n3A_317 = arith.select %gt3A_314, %broadcast_in_dim3A_311, %broadcast_in_dim3A_0 : vector<16xf32>
      %add3A_318 = arith.addf %add3A_285, %select_n3A_317 : vector<16xf32>
      %get3A_319 = arith.constant 6 : i32
      %get3A_320 = arith.index_cast %get3A_319 : i32 to index
      %get3A_321 = arith.constant 0 : index
      %get3A_322 = tpu.vector_load %arg17[%get3A_320, %get3A_321] {strides = array<i32>} : memref<16x16xf32, #tpu.memory_space<vmem>>, vector<16xf32>,
      %eq3A_323 = arith.constant 0 : i32
      %eq3A_324 = vector.broadcast %eq3A_323 : i32 to vector<16xi32>
      %eq3A_325 = arith.cmpi eq, %iota3A, %eq3A_324 : vector<16xi32>
      %jit3A_326 = arith.constant 0.000000e+00 : f32
      %broadcast_in_dim3A_327 = vector.broadcast %jit3A_326 : f32 to vector<16xf32>
      %select_n3A_328 = arith.select %eq3A_325, %get3A_322, %broadcast_in_dim3A_327 : vector<16xi1>, vector<16xf32>
      %reduce_sum3A_329 = arith.constant true
      %reduce_sum3A_330 = vector.broadcast %reduce_sum3A_329 : i1 to vector<16xi1>
      %reduce_sum3A_331 = tpu.scan <sum>, %select_n3A_328 masked %reduce_sum3A_330 : vector<16xf32>, vector<16xi1> -> vector<16xf32>
      %reduce_sum3A_332 = vector.extract %reduce_sum3A_331[15] : f32 from vector<16xf32>
      %broadcast_in_dim3A_333 = vector.broadcast %reduce_sum3A_332 : f32 to vector<16xf32>
      %eq3A_334 = arith.constant 1 : i32
      %eq3A_335 = vector.broadcast %eq3A_334 : i32 to vector<16xi32>
      %eq3A_336 = arith.cmpi eq, %iota3A, %eq3A_335 : vector<16xi32>
      %jit3A_337 = arith.constant 0.000000e+00 : f32
      %broadcast_in_dim3A_338 = vector.broadcast %jit3A_337 : f32 to vector<16xf32>
      %select_n3A_339 = arith.select %eq3A_336, %get3A_322, %broadcast_in_dim3A_338 : vector<16xi1>, vector<16xf32>
      %reduce_sum3A_340 = arith.constant true
      %reduce_sum3A_341 = vector.broadcast %reduce_sum3A_340 : i1 to vector<16xi1>
      %reduce_sum3A_342 = tpu.scan <sum>, %select_n3A_339 masked %reduce_sum3A_341 : vector<16xf32>, vector<16xi1> -> vector<16xf32>
      %reduce_sum3A_343 = vector.extract %reduce_sum3A_342[15] : f32 from vector<16xf32>
      %broadcast_in_dim3A_344 = vector.broadcast %reduce_sum3A_343 : f32 to vector<16xf32>
      %add3A_345 = arith.addf %add3A_312, %broadcast_in_dim3A_333 : vector<16xf32>
      %gt3A_346 = arith.constant 6 : i32
      %gt3A_347 = arith.cmpi sgt, %gt3A_346, %arg1 : i32
      %select_n3A_348 = arith.select %gt3A_347, %broadcast_in_dim3A_333, %broadcast_in_dim3A_0 : vector<16xf32>
      %add3A_349 = arith.addf %add3A_316, %select_n3A_348 : vector<16xf32>
      %select_n3A_350 = arith.select %gt3A_347, %broadcast_in_dim3A_344, %broadcast_in_dim3A_0 : vector<16xf32>
      %add3A_351 = arith.addf %add3A_318, %select_n3A_350 : vector<16xf32>
      %get3A_352 = arith.constant 7 : i32
      %get3A_353 = arith.index_cast %get3A_352 : i32 to index
      %get3A_354 = arith.constant 0 : index
      %get3A_355 = tpu.vector_load %arg17[%get3A_353, %get3A_354] {strides = array<i32>} : memref<16x16xf32, #tpu.memory_space<vmem>>, vector<16xf32>,
      %eq3A_356 = arith.constant 0 : i32
      %eq3A_357 = vector.broadcast %eq3A_356 : i32 to vector<16xi32>
      %eq3A_358 = arith.cmpi eq, %iota3A, %eq3A_357 : vector<16xi32>
      %jit3A_359 = arith.constant 0.000000e+00 : f32
      %broadcast_in_dim3A_360 = vector.broadcast %jit3A_359 : f32 to vector<16xf32>
      %select_n3A_361 = arith.select %eq3A_358, %get3A_355, %broadcast_in_dim3A_360 : vector<16xi1>, vector<16xf32>
      %reduce_sum3A_362 = arith.constant true
      %reduce_sum3A_363 = vector.broadcast %reduce_sum3A_362 : i1 to vector<16xi1>
      %reduce_sum3A_364 = tpu.scan <sum>, %select_n3A_361 masked %reduce_sum3A_363 : vector<16xf32>, vector<16xi1> -> vector<16xf32>
      %reduce_sum3A_365 = vector.extract %reduce_sum3A_364[15] : f32 from vector<16xf32>
      %broadcast_in_dim3A_366 = vector.broadcast %reduce_sum3A_365 : f32 to vector<16xf32>
      %eq3A_367 = arith.constant 1 : i32
      %eq3A_368 = vector.broadcast %eq3A_367 : i32 to vector<16xi32>
      %eq3A_369 = arith.cmpi eq, %iota3A, %eq3A_368 : vector<16xi32>
      %jit3A_370 = arith.constant 0.000000e+00 : f32
      %broadcast_in_dim3A_371 = vector.broadcast %jit3A_370 : f32 to vector<16xf32>
      %select_n3A_372 = arith.select %eq3A_369, %get3A_355, %broadcast_in_dim3A_371 : vector<16xi1>, vector<16xf32>
      %reduce_sum3A_373 = arith.constant true
      %reduce_sum3A_374 = vector.broadcast %reduce_sum3A_373 : i1 to vector<16xi1>
      %reduce_sum3A_375 = tpu.scan <sum>, %select_n3A_372 masked %reduce_sum3A_374 : vector<16xf32>, vector<16xi1> -> vector<16xf32>
      %reduce_sum3A_376 = vector.extract %reduce_sum3A_375[15] : f32 from vector<16xf32>
      %broadcast_in_dim3A_377 = vector.broadcast %reduce_sum3A_376 : f32 to vector<16xf32>
      %add3A_378 = arith.addf %add3A_345, %broadcast_in_dim3A_366 : vector<16xf32>
      %gt3A_379 = arith.constant 7 : i32
      %gt3A_380 = arith.cmpi sgt, %gt3A_379, %arg1 : i32
      %select_n3A_381 = arith.select %gt3A_380, %broadcast_in_dim3A_366, %broadcast_in_dim3A_0 : vector<16xf32>
      %add3A_382 = arith.addf %add3A_349, %select_n3A_381 : vector<16xf32>
      %select_n3A_383 = arith.select %gt3A_380, %broadcast_in_dim3A_377, %broadcast_in_dim3A_0 : vector<16xf32>
      %add3A_384 = arith.addf %add3A_351, %select_n3A_383 : vector<16xf32>
      %get3A_385 = arith.constant 8 : i32
      %get3A_386 = arith.index_cast %get3A_385 : i32 to index
      %get3A_387 = arith.constant 0 : index
      %get3A_388 = tpu.vector_load %arg17[%get3A_386, %get3A_387] {strides = array<i32>} : memref<16x16xf32, #tpu.memory_space<vmem>>, vector<16xf32>,
      %eq3A_389 = arith.constant 0 : i32
      %eq3A_390 = vector.broadcast %eq3A_389 : i32 to vector<16xi32>
      %eq3A_391 = arith.cmpi eq, %iota3A, %eq3A_390 : vector<16xi32>
      %jit3A_392 = arith.constant 0.000000e+00 : f32
      %broadcast_in_dim3A_393 = vector.broadcast %jit3A_392 : f32 to vector<16xf32>
      %select_n3A_394 = arith.select %eq3A_391, %get3A_388, %broadcast_in_dim3A_393 : vector<16xi1>, vector<16xf32>
      %reduce_sum3A_395 = arith.constant true
      %reduce_sum3A_396 = vector.broadcast %reduce_sum3A_395 : i1 to vector<16xi1>
      %reduce_sum3A_397 = tpu.scan <sum>, %select_n3A_394 masked %reduce_sum3A_396 : vector<16xf32>, vector<16xi1> -> vector<16xf32>
      %reduce_sum3A_398 = vector.extract %reduce_sum3A_397[15] : f32 from vector<16xf32>
      %broadcast_in_dim3A_399 = vector.broadcast %reduce_sum3A_398 : f32 to vector<16xf32>
      %eq3A_400 = arith.constant 1 : i32
      %eq3A_401 = vector.broadcast %eq3A_400 : i32 to vector<16xi32>
      %eq3A_402 = arith.cmpi eq, %iota3A, %eq3A_401 : vector<16xi32>
      %jit3A_403 = arith.constant 0.000000e+00 : f32
      %broadcast_in_dim3A_404 = vector.broadcast %jit3A_403 : f32 to vector<16xf32>
      %select_n3A_405 = arith.select %eq3A_402, %get3A_388, %broadcast_in_dim3A_404 : vector<16xi1>, vector<16xf32>
      %reduce_sum3A_406 = arith.constant true
      %reduce_sum3A_407 = vector.broadcast %reduce_sum3A_406 : i1 to vector<16xi1>
      %reduce_sum3A_408 = tpu.scan <sum>, %select_n3A_405 masked %reduce_sum3A_407 : vector<16xf32>, vector<16xi1> -> vector<16xf32>
      %reduce_sum3A_409 = vector.extract %reduce_sum3A_408[15] : f32 from vector<16xf32>
      %broadcast_in_dim3A_410 = vector.broadcast %reduce_sum3A_409 : f32 to vector<16xf32>
      %add3A_411 = arith.addf %add3A_378, %broadcast_in_dim3A_399 : vector<16xf32>
      %gt3A_412 = arith.constant 8 : i32
      %gt3A_413 = arith.cmpi sgt, %gt3A_412, %arg1 : i32
      %select_n3A_414 = arith.select %gt3A_413, %broadcast_in_dim3A_399, %broadcast_in_dim3A_0 : vector<16xf32>
      %add3A_415 = arith.addf %add3A_382, %select_n3A_414 : vector<16xf32>
      %select_n3A_416 = arith.select %gt3A_413, %broadcast_in_dim3A_410, %broadcast_in_dim3A_0 : vector<16xf32>
      %add3A_417 = arith.addf %add3A_384, %select_n3A_416 : vector<16xf32>
      %get3A_418 = arith.constant 9 : i32
      %get3A_419 = arith.index_cast %get3A_418 : i32 to index
      %get3A_420 = arith.constant 0 : index
      %get3A_421 = tpu.vector_load %arg17[%get3A_419, %get3A_420] {strides = array<i32>} : memref<16x16xf32, #tpu.memory_space<vmem>>, vector<16xf32>,
      %eq3A_422 = arith.constant 0 : i32
      %eq3A_423 = vector.broadcast %eq3A_422 : i32 to vector<16xi32>
      %eq3A_424 = arith.cmpi eq, %iota3A, %eq3A_423 : vector<16xi32>
      %jit3A_425 = arith.constant 0.000000e+00 : f32
      %broadcast_in_dim3A_426 = vector.broadcast %jit3A_425 : f32 to vector<16xf32>
      %select_n3A_427 = arith.select %eq3A_424, %get3A_421, %broadcast_in_dim3A_426 : vector<16xi1>, vector<16xf32>
      %reduce_sum3A_428 = arith.constant true
      %reduce_sum3A_429 = vector.broadcast %reduce_sum3A_428 : i1 to vector<16xi1>
      %reduce_sum3A_430 = tpu.scan <sum>, %select_n3A_427 masked %reduce_sum3A_429 : vector<16xf32>, vector<16xi1> -> vector<16xf32>
      %reduce_sum3A_431 = vector.extract %reduce_sum3A_430[15] : f32 from vector<16xf32>
      %broadcast_in_dim3A_432 = vector.broadcast %reduce_sum3A_431 : f32 to vector<16xf32>
      %eq3A_433 = arith.constant 1 : i32
      %eq3A_434 = vector.broadcast %eq3A_433 : i32 to vector<16xi32>
      %eq3A_435 = arith.cmpi eq, %iota3A, %eq3A_434 : vector<16xi32>
      %jit3A_436 = arith.constant 0.000000e+00 : f32
      %broadcast_in_dim3A_437 = vector.broadcast %jit3A_436 : f32 to vector<16xf32>
      %select_n3A_438 = arith.select %eq3A_435, %get3A_421, %broadcast_in_dim3A_437 : vector<16xi1>, vector<16xf32>
      %reduce_sum3A_439 = arith.constant true
      %reduce_sum3A_440 = vector.broadcast %reduce_sum3A_439 : i1 to vector<16xi1>
      %reduce_sum3A_441 = tpu.scan <sum>, %select_n3A_438 masked %reduce_sum3A_440 : vector<16xf32>, vector<16xi1> -> vector<16xf32>
      %reduce_sum3A_442 = vector.extract %reduce_sum3A_441[15] : f32 from vector<16xf32>
      %broadcast_in_dim3A_443 = vector.broadcast %reduce_sum3A_442 : f32 to vector<16xf32>
      %add3A_444 = arith.addf %add3A_411, %broadcast_in_dim3A_432 : vector<16xf32>
      %gt3A_445 = arith.constant 9 : i32
      %gt3A_446 = arith.cmpi sgt, %gt3A_445, %arg1 : i32
      %select_n3A_447 = arith.select %gt3A_446, %broadcast_in_dim3A_432, %broadcast_in_dim3A_0 : vector<16xf32>
      %add3A_448 = arith.addf %add3A_415, %select_n3A_447 : vector<16xf32>
      %select_n3A_449 = arith.select %gt3A_446, %broadcast_in_dim3A_443, %broadcast_in_dim3A_0 : vector<16xf32>
      %add3A_450 = arith.addf %add3A_417, %select_n3A_449 : vector<16xf32>
      %get3A_451 = arith.constant 10 : i32
      %get3A_452 = arith.index_cast %get3A_451 : i32 to index
      %get3A_453 = arith.constant 0 : index
      %get3A_454 = tpu.vector_load %arg17[%get3A_452, %get3A_453] {strides = array<i32>} : memref<16x16xf32, #tpu.memory_space<vmem>>, vector<16xf32>,
      %eq3A_455 = arith.constant 0 : i32
      %eq3A_456 = vector.broadcast %eq3A_455 : i32 to vector<16xi32>
      %eq3A_457 = arith.cmpi eq, %iota3A, %eq3A_456 : vector<16xi32>
      %jit3A_458 = arith.constant 0.000000e+00 : f32
      %broadcast_in_dim3A_459 = vector.broadcast %jit3A_458 : f32 to vector<16xf32>
      %select_n3A_460 = arith.select %eq3A_457, %get3A_454, %broadcast_in_dim3A_459 : vector<16xi1>, vector<16xf32>
      %reduce_sum3A_461 = arith.constant true
      %reduce_sum3A_462 = vector.broadcast %reduce_sum3A_461 : i1 to vector<16xi1>
      %reduce_sum3A_463 = tpu.scan <sum>, %select_n3A_460 masked %reduce_sum3A_462 : vector<16xf32>, vector<16xi1> -> vector<16xf32>
      %reduce_sum3A_464 = vector.extract %reduce_sum3A_463[15] : f32 from vector<16xf32>
      %broadcast_in_dim3A_465 = vector.broadcast %reduce_sum3A_464 : f32 to vector<16xf32>
      %eq3A_466 = arith.constant 1 : i32
      %eq3A_467 = vector.broadcast %eq3A_466 : i32 to vector<16xi32>
      %eq3A_468 = arith.cmpi eq, %iota3A, %eq3A_467 : vector<16xi32>
      %jit3A_469 = arith.constant 0.000000e+00 : f32
      %broadcast_in_dim3A_470 = vector.broadcast %jit3A_469 : f32 to vector<16xf32>
      %select_n3A_471 = arith.select %eq3A_468, %get3A_454, %broadcast_in_dim3A_470 : vector<16xi1>, vector<16xf32>
      %reduce_sum3A_472 = arith.constant true
      %reduce_sum3A_473 = vector.broadcast %reduce_sum3A_472 : i1 to vector<16xi1>
      %reduce_sum3A_474 = tpu.scan <sum>, %select_n3A_471 masked %reduce_sum3A_473 : vector<16xf32>, vector<16xi1> -> vector<16xf32>
      %reduce_sum3A_475 = vector.extract %reduce_sum3A_474[15] : f32 from vector<16xf32>
      %broadcast_in_dim3A_476 = vector.broadcast %reduce_sum3A_475 : f32 to vector<16xf32>
      %add3A_477 = arith.addf %add3A_444, %broadcast_in_dim3A_465 : vector<16xf32>
      %gt3A_478 = arith.constant 10 : i32
      %gt3A_479 = arith.cmpi sgt, %gt3A_478, %arg1 : i32
      %select_n3A_480 = arith.select %gt3A_479, %broadcast_in_dim3A_465, %broadcast_in_dim3A_0 : vector<16xf32>
      %add3A_481 = arith.addf %add3A_448, %select_n3A_480 : vector<16xf32>
      %select_n3A_482 = arith.select %gt3A_479, %broadcast_in_dim3A_476, %broadcast_in_dim3A_0 : vector<16xf32>
      %add3A_483 = arith.addf %add3A_450, %select_n3A_482 : vector<16xf32>
      %get3A_484 = arith.constant 11 : i32
      %get3A_485 = arith.index_cast %get3A_484 : i32 to index
      %get3A_486 = arith.constant 0 : index
      %get3A_487 = tpu.vector_load %arg17[%get3A_485, %get3A_486] {strides = array<i32>} : memref<16x16xf32, #tpu.memory_space<vmem>>, vector<16xf32>,
      %eq3A_488 = arith.constant 0 : i32
      %eq3A_489 = vector.broadcast %eq3A_488 : i32 to vector<16xi32>
      %eq3A_490 = arith.cmpi eq, %iota3A, %eq3A_489 : vector<16xi32>
      %jit3A_491 = arith.constant 0.000000e+00 : f32
      %broadcast_in_dim3A_492 = vector.broadcast %jit3A_491 : f32 to vector<16xf32>
      %select_n3A_493 = arith.select %eq3A_490, %get3A_487, %broadcast_in_dim3A_492 : vector<16xi1>, vector<16xf32>
      %reduce_sum3A_494 = arith.constant true
      %reduce_sum3A_495 = vector.broadcast %reduce_sum3A_494 : i1 to vector<16xi1>
      %reduce_sum3A_496 = tpu.scan <sum>, %select_n3A_493 masked %reduce_sum3A_495 : vector<16xf32>, vector<16xi1> -> vector<16xf32>
      %reduce_sum3A_497 = vector.extract %reduce_sum3A_496[15] : f32 from vector<16xf32>
      %broadcast_in_dim3A_498 = vector.broadcast %reduce_sum3A_497 : f32 to vector<16xf32>
      %eq3A_499 = arith.constant 1 : i32
      %eq3A_500 = vector.broadcast %eq3A_499 : i32 to vector<16xi32>
      %eq3A_501 = arith.cmpi eq, %iota3A, %eq3A_500 : vector<16xi32>
      %jit3A_502 = arith.constant 0.000000e+00 : f32
      %broadcast_in_dim3A_503 = vector.broadcast %jit3A_502 : f32 to vector<16xf32>
      %select_n3A_504 = arith.select %eq3A_501, %get3A_487, %broadcast_in_dim3A_503 : vector<16xi1>, vector<16xf32>
      %reduce_sum3A_505 = arith.constant true
      %reduce_sum3A_506 = vector.broadcast %reduce_sum3A_505 : i1 to vector<16xi1>
      %reduce_sum3A_507 = tpu.scan <sum>, %select_n3A_504 masked %reduce_sum3A_506 : vector<16xf32>, vector<16xi1> -> vector<16xf32>
      %reduce_sum3A_508 = vector.extract %reduce_sum3A_507[15] : f32 from vector<16xf32>
      %broadcast_in_dim3A_509 = vector.broadcast %reduce_sum3A_508 : f32 to vector<16xf32>
      %add3A_510 = arith.addf %add3A_477, %broadcast_in_dim3A_498 : vector<16xf32>
      %gt3A_511 = arith.constant 11 : i32
      %gt3A_512 = arith.cmpi sgt, %gt3A_511, %arg1 : i32
      %select_n3A_513 = arith.select %gt3A_512, %broadcast_in_dim3A_498, %broadcast_in_dim3A_0 : vector<16xf32>
      %add3A_514 = arith.addf %add3A_481, %select_n3A_513 : vector<16xf32>
      %select_n3A_515 = arith.select %gt3A_512, %broadcast_in_dim3A_509, %broadcast_in_dim3A_0 : vector<16xf32>
      %add3A_516 = arith.addf %add3A_483, %select_n3A_515 : vector<16xf32>
      %get3A_517 = arith.constant 12 : i32
      %get3A_518 = arith.index_cast %get3A_517 : i32 to index
      %get3A_519 = arith.constant 0 : index
      %get3A_520 = tpu.vector_load %arg17[%get3A_518, %get3A_519] {strides = array<i32>} : memref<16x16xf32, #tpu.memory_space<vmem>>, vector<16xf32>,
      %eq3A_521 = arith.constant 0 : i32
      %eq3A_522 = vector.broadcast %eq3A_521 : i32 to vector<16xi32>
      %eq3A_523 = arith.cmpi eq, %iota3A, %eq3A_522 : vector<16xi32>
      %jit3A_524 = arith.constant 0.000000e+00 : f32
      %broadcast_in_dim3A_525 = vector.broadcast %jit3A_524 : f32 to vector<16xf32>
      %select_n3A_526 = arith.select %eq3A_523, %get3A_520, %broadcast_in_dim3A_525 : vector<16xi1>, vector<16xf32>
      %reduce_sum3A_527 = arith.constant true
      %reduce_sum3A_528 = vector.broadcast %reduce_sum3A_527 : i1 to vector<16xi1>
      %reduce_sum3A_529 = tpu.scan <sum>, %select_n3A_526 masked %reduce_sum3A_528 : vector<16xf32>, vector<16xi1> -> vector<16xf32>
      %reduce_sum3A_530 = vector.extract %reduce_sum3A_529[15] : f32 from vector<16xf32>
      %broadcast_in_dim3A_531 = vector.broadcast %reduce_sum3A_530 : f32 to vector<16xf32>
      %eq3A_532 = arith.constant 1 : i32
      %eq3A_533 = vector.broadcast %eq3A_532 : i32 to vector<16xi32>
      %eq3A_534 = arith.cmpi eq, %iota3A, %eq3A_533 : vector<16xi32>
      %jit3A_535 = arith.constant 0.000000e+00 : f32
      %broadcast_in_dim3A_536 = vector.broadcast %jit3A_535 : f32 to vector<16xf32>
      %select_n3A_537 = arith.select %eq3A_534, %get3A_520, %broadcast_in_dim3A_536 : vector<16xi1>, vector<16xf32>
      %reduce_sum3A_538 = arith.constant true
      %reduce_sum3A_539 = vector.broadcast %reduce_sum3A_538 : i1 to vector<16xi1>
      %reduce_sum3A_540 = tpu.scan <sum>, %select_n3A_537 masked %reduce_sum3A_539 : vector<16xf32>, vector<16xi1> -> vector<16xf32>
      %reduce_sum3A_541 = vector.extract %reduce_sum3A_540[15] : f32 from vector<16xf32>
      %broadcast_in_dim3A_542 = vector.broadcast %reduce_sum3A_541 : f32 to vector<16xf32>
      %add3A_543 = arith.addf %add3A_510, %broadcast_in_dim3A_531 : vector<16xf32>
      %gt3A_544 = arith.constant 12 : i32
      %gt3A_545 = arith.cmpi sgt, %gt3A_544, %arg1 : i32
      %select_n3A_546 = arith.select %gt3A_545, %broadcast_in_dim3A_531, %broadcast_in_dim3A_0 : vector<16xf32>
      %add3A_547 = arith.addf %add3A_514, %select_n3A_546 : vector<16xf32>
      %select_n3A_548 = arith.select %gt3A_545, %broadcast_in_dim3A_542, %broadcast_in_dim3A_0 : vector<16xf32>
      %add3A_549 = arith.addf %add3A_516, %select_n3A_548 : vector<16xf32>
      %get3A_550 = arith.constant 13 : i32
      %get3A_551 = arith.index_cast %get3A_550 : i32 to index
      %get3A_552 = arith.constant 0 : index
      %get3A_553 = tpu.vector_load %arg17[%get3A_551, %get3A_552] {strides = array<i32>} : memref<16x16xf32, #tpu.memory_space<vmem>>, vector<16xf32>,
      %eq3A_554 = arith.constant 0 : i32
      %eq3A_555 = vector.broadcast %eq3A_554 : i32 to vector<16xi32>
      %eq3A_556 = arith.cmpi eq, %iota3A, %eq3A_555 : vector<16xi32>
      %jit3A_557 = arith.constant 0.000000e+00 : f32
      %broadcast_in_dim3A_558 = vector.broadcast %jit3A_557 : f32 to vector<16xf32>
      %select_n3A_559 = arith.select %eq3A_556, %get3A_553, %broadcast_in_dim3A_558 : vector<16xi1>, vector<16xf32>
      %reduce_sum3A_560 = arith.constant true
      %reduce_sum3A_561 = vector.broadcast %reduce_sum3A_560 : i1 to vector<16xi1>
      %reduce_sum3A_562 = tpu.scan <sum>, %select_n3A_559 masked %reduce_sum3A_561 : vector<16xf32>, vector<16xi1> -> vector<16xf32>
      %reduce_sum3A_563 = vector.extract %reduce_sum3A_562[15] : f32 from vector<16xf32>
      %broadcast_in_dim3A_564 = vector.broadcast %reduce_sum3A_563 : f32 to vector<16xf32>
      %eq3A_565 = arith.constant 1 : i32
      %eq3A_566 = vector.broadcast %eq3A_565 : i32 to vector<16xi32>
      %eq3A_567 = arith.cmpi eq, %iota3A, %eq3A_566 : vector<16xi32>
      %jit3A_568 = arith.constant 0.000000e+00 : f32
      %broadcast_in_dim3A_569 = vector.broadcast %jit3A_568 : f32 to vector<16xf32>
      %select_n3A_570 = arith.select %eq3A_567, %get3A_553, %broadcast_in_dim3A_569 : vector<16xi1>, vector<16xf32>
      %reduce_sum3A_571 = arith.constant true
      %reduce_sum3A_572 = vector.broadcast %reduce_sum3A_571 : i1 to vector<16xi1>
      %reduce_sum3A_573 = tpu.scan <sum>, %select_n3A_570 masked %reduce_sum3A_572 : vector<16xf32>, vector<16xi1> -> vector<16xf32>
      %reduce_sum3A_574 = vector.extract %reduce_sum3A_573[15] : f32 from vector<16xf32>
      %broadcast_in_dim3A_575 = vector.broadcast %reduce_sum3A_574 : f32 to vector<16xf32>
      %add3A_576 = arith.addf %add3A_543, %broadcast_in_dim3A_564 : vector<16xf32>
      %gt3A_577 = arith.constant 13 : i32
      %gt3A_578 = arith.cmpi sgt, %gt3A_577, %arg1 : i32
      %select_n3A_579 = arith.select %gt3A_578, %broadcast_in_dim3A_564, %broadcast_in_dim3A_0 : vector<16xf32>
      %add3A_580 = arith.addf %add3A_547, %select_n3A_579 : vector<16xf32>
      %select_n3A_581 = arith.select %gt3A_578, %broadcast_in_dim3A_575, %broadcast_in_dim3A_0 : vector<16xf32>
      %add3A_582 = arith.addf %add3A_549, %select_n3A_581 : vector<16xf32>
      %get3A_583 = arith.constant 14 : i32
      %get3A_584 = arith.index_cast %get3A_583 : i32 to index
      %get3A_585 = arith.constant 0 : index
      %get3A_586 = tpu.vector_load %arg17[%get3A_584, %get3A_585] {strides = array<i32>} : memref<16x16xf32, #tpu.memory_space<vmem>>, vector<16xf32>,
      %eq3A_587 = arith.constant 0 : i32
      %eq3A_588 = vector.broadcast %eq3A_587 : i32 to vector<16xi32>
      %eq3A_589 = arith.cmpi eq, %iota3A, %eq3A_588 : vector<16xi32>
      %jit3A_590 = arith.constant 0.000000e+00 : f32
      %broadcast_in_dim3A_591 = vector.broadcast %jit3A_590 : f32 to vector<16xf32>
      %select_n3A_592 = arith.select %eq3A_589, %get3A_586, %broadcast_in_dim3A_591 : vector<16xi1>, vector<16xf32>
      %reduce_sum3A_593 = arith.constant true
      %reduce_sum3A_594 = vector.broadcast %reduce_sum3A_593 : i1 to vector<16xi1>
      %reduce_sum3A_595 = tpu.scan <sum>, %select_n3A_592 masked %reduce_sum3A_594 : vector<16xf32>, vector<16xi1> -> vector<16xf32>
      %reduce_sum3A_596 = vector.extract %reduce_sum3A_595[15] : f32 from vector<16xf32>
      %broadcast_in_dim3A_597 = vector.broadcast %reduce_sum3A_596 : f32 to vector<16xf32>
      %eq3A_598 = arith.constant 1 : i32
      %eq3A_599 = vector.broadcast %eq3A_598 : i32 to vector<16xi32>
      %eq3A_600 = arith.cmpi eq, %iota3A, %eq3A_599 : vector<16xi32>
      %jit3A_601 = arith.constant 0.000000e+00 : f32
      %broadcast_in_dim3A_602 = vector.broadcast %jit3A_601 : f32 to vector<16xf32>
      %select_n3A_603 = arith.select %eq3A_600, %get3A_586, %broadcast_in_dim3A_602 : vector<16xi1>, vector<16xf32>
      %reduce_sum3A_604 = arith.constant true
      %reduce_sum3A_605 = vector.broadcast %reduce_sum3A_604 : i1 to vector<16xi1>
      %reduce_sum3A_606 = tpu.scan <sum>, %select_n3A_603 masked %reduce_sum3A_605 : vector<16xf32>, vector<16xi1> -> vector<16xf32>
      %reduce_sum3A_607 = vector.extract %reduce_sum3A_606[15] : f32 from vector<16xf32>
      %broadcast_in_dim3A_608 = vector.broadcast %reduce_sum3A_607 : f32 to vector<16xf32>
      %add3A_609 = arith.addf %add3A_576, %broadcast_in_dim3A_597 : vector<16xf32>
      %gt3A_610 = arith.constant 14 : i32
      %gt3A_611 = arith.cmpi sgt, %gt3A_610, %arg1 : i32
      %select_n3A_612 = arith.select %gt3A_611, %broadcast_in_dim3A_597, %broadcast_in_dim3A_0 : vector<16xf32>
      %add3A_613 = arith.addf %add3A_580, %select_n3A_612 : vector<16xf32>
      %select_n3A_614 = arith.select %gt3A_611, %broadcast_in_dim3A_608, %broadcast_in_dim3A_0 : vector<16xf32>
      %add3A_615 = arith.addf %add3A_582, %select_n3A_614 : vector<16xf32>
      %get3A_616 = arith.constant 15 : i32
      %get3A_617 = arith.index_cast %get3A_616 : i32 to index
      %get3A_618 = arith.constant 0 : index
      %get3A_619 = tpu.vector_load %arg17[%get3A_617, %get3A_618] {strides = array<i32>} : memref<16x16xf32, #tpu.memory_space<vmem>>, vector<16xf32>,
      %eq3A_620 = arith.constant 0 : i32
      %eq3A_621 = vector.broadcast %eq3A_620 : i32 to vector<16xi32>
      %eq3A_622 = arith.cmpi eq, %iota3A, %eq3A_621 : vector<16xi32>
      %jit3A_623 = arith.constant 0.000000e+00 : f32
      %broadcast_in_dim3A_624 = vector.broadcast %jit3A_623 : f32 to vector<16xf32>
      %select_n3A_625 = arith.select %eq3A_622, %get3A_619, %broadcast_in_dim3A_624 : vector<16xi1>, vector<16xf32>
      %reduce_sum3A_626 = arith.constant true
      %reduce_sum3A_627 = vector.broadcast %reduce_sum3A_626 : i1 to vector<16xi1>
      %reduce_sum3A_628 = tpu.scan <sum>, %select_n3A_625 masked %reduce_sum3A_627 : vector<16xf32>, vector<16xi1> -> vector<16xf32>
      %reduce_sum3A_629 = vector.extract %reduce_sum3A_628[15] : f32 from vector<16xf32>
      %broadcast_in_dim3A_630 = vector.broadcast %reduce_sum3A_629 : f32 to vector<16xf32>
      %eq3A_631 = arith.constant 1 : i32
      %eq3A_632 = vector.broadcast %eq3A_631 : i32 to vector<16xi32>
      %eq3A_633 = arith.cmpi eq, %iota3A, %eq3A_632 : vector<16xi32>
      %jit3A_634 = arith.constant 0.000000e+00 : f32
      %broadcast_in_dim3A_635 = vector.broadcast %jit3A_634 : f32 to vector<16xf32>
      %select_n3A_636 = arith.select %eq3A_633, %get3A_619, %broadcast_in_dim3A_635 : vector<16xi1>, vector<16xf32>
      %reduce_sum3A_637 = arith.constant true
      %reduce_sum3A_638 = vector.broadcast %reduce_sum3A_637 : i1 to vector<16xi1>
      %reduce_sum3A_639 = tpu.scan <sum>, %select_n3A_636 masked %reduce_sum3A_638 : vector<16xf32>, vector<16xi1> -> vector<16xf32>
      %reduce_sum3A_640 = vector.extract %reduce_sum3A_639[15] : f32 from vector<16xf32>
      %broadcast_in_dim3A_641 = vector.broadcast %reduce_sum3A_640 : f32 to vector<16xf32>
      %add3A_642 = arith.addf %add3A_609, %broadcast_in_dim3A_630 : vector<16xf32>
      %gt3A_643 = arith.constant 15 : i32
      %gt3A_644 = arith.cmpi sgt, %gt3A_643, %arg1 : i32
      %select_n3A_645 = arith.select %gt3A_644, %broadcast_in_dim3A_630, %broadcast_in_dim3A_0 : vector<16xf32>
      %add3A_646 = arith.addf %add3A_613, %select_n3A_645 : vector<16xf32>
      %select_n3A_647 = arith.select %gt3A_644, %broadcast_in_dim3A_641, %broadcast_in_dim3A_0 : vector<16xf32>
      %add3A_648 = arith.addf %add3A_615, %select_n3A_647 : vector<16xf32>
      "tpu.trace_stop"() : () -> ()
      "tpu.trace_start"() <{level = 10 : i32, message = "phB2"}> : () -> ()
      %mul3A_649 = arith.constant 4096 : i32
      %mul3A_650 = arith.muli %arg1, %mul3A_649 : i32
      %add3A_651 = arith.constant 0 : i32
      %add3A_652 = arith.addi %mul3A_650, %add3A_651 : i32
      %scan3A_653 = arith.constant 0 : i32
      %scan3A_654 = arith.constant 256 : i32
      %scan3A_655 = arith.addi %scan3A_653, %scan3A_654 : i32
      %scan3A_656 = arith.constant 1 : i32
      %scan3A_657:2 = scf.for %scan3A_690 = %scan3A_653 to %scan3A_655 step %scan3A_656 iter_args(%scan3A_691 = %add3A_646, %scan3A_692 = %add3A_648) -> (vector<16xf32>, vector<16xf32>)  : i32 {
        %sub3A = arith.constant 255 : i32
        %sub3A_693 = arith.subi %sub3A, %scan3A_690 : i32
        %mul3A_694 = arith.constant 16 : i32
        %mul3A_695 = arith.muli %sub3A_693, %mul3A_694 : i32
        %get3A_696 = arith.index_cast %mul3A_695 : i32 to index
        %get3A_697 = tpu.vector_load %arg8[%get3A_696] {strides = array<i32>} : memref<4096xf32, #tpu.memory_space<vmem>>, vector<16xf32>,
        %get3A_698 = arith.index_cast %mul3A_695 : i32 to index
        %get3A_699 = tpu.vector_load %arg9[%get3A_698] {strides = array<i32>} : memref<4096xf32, #tpu.memory_space<vmem>>, vector<16xf32>,
        %rev3A = arith.constant 15 : i32
        %rev3A_700 = vector.broadcast %rev3A : i32 to vector<16xi32>
        %rev3A_701 = tpu.iota {dimensions = array<i32: 0>} : vector<16xi32>
        %rev3A_702 = arith.subi %rev3A_700, %rev3A_701 : vector<16xi32>
        %rev3A_703 = tpu.dynamic_gather %get3A_697[%rev3A_702] in [0] : vector<16xf32>, vector<16xi32> -> vector<16xf32>
        %cumsum3A = arith.constant true
        %cumsum3A_704 = vector.broadcast %cumsum3A : i1 to vector<16xi1>
        %cumsum3A_705 = tpu.scan <sum>, %rev3A_703 masked %cumsum3A_704 : vector<16xf32>, vector<16xi1> -> vector<16xf32>
        %rev3A_706 = arith.constant 15 : i32
        %rev3A_707 = vector.broadcast %rev3A_706 : i32 to vector<16xi32>
        %rev3A_708 = tpu.iota {dimensions = array<i32: 0>} : vector<16xi32>
        %rev3A_709 = arith.subi %rev3A_707, %rev3A_708 : vector<16xi32>
        %rev3A_710 = tpu.dynamic_gather %cumsum3A_705[%rev3A_709] in [0] : vector<16xf32>, vector<16xi32> -> vector<16xf32>
        %add3A_711 = arith.addf %rev3A_710, %scan3A_691 : vector<16xf32>
        %rev3A_712 = arith.constant 15 : i32
        %rev3A_713 = vector.broadcast %rev3A_712 : i32 to vector<16xi32>
        %rev3A_714 = tpu.iota {dimensions = array<i32: 0>} : vector<16xi32>
        %rev3A_715 = arith.subi %rev3A_713, %rev3A_714 : vector<16xi32>
        %rev3A_716 = tpu.dynamic_gather %get3A_699[%rev3A_715] in [0] : vector<16xf32>, vector<16xi32> -> vector<16xf32>
        %cumsum3A_717 = arith.constant true
        %cumsum3A_718 = vector.broadcast %cumsum3A_717 : i1 to vector<16xi1>
        %cumsum3A_719 = tpu.scan <sum>, %rev3A_716 masked %cumsum3A_718 : vector<16xf32>, vector<16xi1> -> vector<16xf32>
        %rev3A_720 = arith.constant 15 : i32
        %rev3A_721 = vector.broadcast %rev3A_720 : i32 to vector<16xi32>
        %rev3A_722 = tpu.iota {dimensions = array<i32: 0>} : vector<16xi32>
        %rev3A_723 = arith.subi %rev3A_721, %rev3A_722 : vector<16xi32>
        %rev3A_724 = tpu.dynamic_gather %cumsum3A_719[%rev3A_723] in [0] : vector<16xf32>, vector<16xi32> -> vector<16xf32>
        %add3A_725 = arith.addf %rev3A_724, %scan3A_692 : vector<16xf32>
        %add3A_726 = arith.addf %add3A_642, %add3A_725 : vector<16xf32>
        %sub3A_727 = arith.subf %add3A_726, %get3A_699 : vector<16xf32>
        %add3A_728 = arith.addf %add3A_642, %add3A_725 : vector<16xf32>
        %sub3A_729 = arith.subf %add3A_642, %add3A_711 : vector<16xf32>
        %eq3A_730 = arith.constant 0.000000e+00 : f32
        %eq3A_731 = vector.broadcast %eq3A_730 : f32 to vector<16xf32>
        %eq3A_732 = arith.cmpf oeq, %sub3A_727, %eq3A_731 : vector<16xf32>
        %sub3A_733 = arith.subf %add3A_728, %sub3A_727 : vector<16xf32>
        %max3A = arith.constant 1.000000e+00 : f32
        %max3A_734 = vector.broadcast %max3A : f32 to vector<16xf32>
        %max3A_735 = arith.maximumf %sub3A_733, %max3A_734 : vector<16xf32>
        %div3A = arith.constant 1.000000e+00 : f32
        %div3A_736 = vector.broadcast %div3A : f32 to vector<16xf32>
        %div3A_737 = arith.divf %div3A_736, %max3A_735 : vector<16xf32>
        %mul3A_738 = arith.mulf %sub3A_727, %add3A_728 : vector<16xf32>
        %max3A_739 = arith.constant 1.000000e+00 : f32
        %max3A_740 = vector.broadcast %max3A_739 : f32 to vector<16xf32>
        %max3A_741 = arith.maximumf %mul3A_738, %max3A_740 : vector<16xf32>
        %div3A_742 = arith.divf %sub3A_729, %max3A_741 : vector<16xf32>
        %select_n3A_743 = arith.select %eq3A_732, %div3A_737, %div3A_742 : vector<16xi1>, vector<16xf32>
        %swap3A_744 = arith.index_cast %mul3A_695 : i32 to index
        %swap3A_745 = tpu.vector_load %arg11[%swap3A_744] {strides = array<i32>} : memref<4096xf32, #tpu.memory_space<vmem>>, vector<16xf32>,
        tpu.vector_store %arg11[%swap3A_744], %select_n3A_743 {strides = array<i32>} : memref<4096xf32, #tpu.memory_space<vmem>>, vector<16xf32>,
        %max3A_746 = arith.constant 1.000000e+00 : f32
        %max3A_747 = vector.broadcast %max3A_746 : f32 to vector<16xf32>
        %max3A_748 = arith.maximumf %sub3A_727, %max3A_747 : vector<16xf32>
        %div3A_749 = arith.constant 1.000000e+00 : f32
        %div3A_750 = vector.broadcast %div3A_749 : f32 to vector<16xf32>
        %div3A_751 = arith.divf %div3A_750, %max3A_748 : vector<16xf32>
        %swap3A_752 = arith.index_cast %mul3A_695 : i32 to index
        %swap3A_753 = tpu.vector_load %arg10[%swap3A_752] {strides = array<i32>} : memref<4096xf32, #tpu.memory_space<vmem>>, vector<16xf32>,
        tpu.vector_store %arg10[%swap3A_752], %div3A_751 {strides = array<i32>} : memref<4096xf32, #tpu.memory_space<vmem>>, vector<16xf32>,
        %gather3A = vector.shape_cast %broadcast_in_dim3A_4 : vector<16x1xi32> to vector<16xi32>
        %gather3A_754 = tpu.dynamic_gather %add3A_711[%gather3A] in [0] : vector<16xf32>, vector<16xi32> -> vector<16xf32>
        %gather3A_755 = vector.shape_cast %broadcast_in_dim3A_4 : vector<16x1xi32> to vector<16xi32>
        %gather3A_756 = tpu.dynamic_gather %add3A_725[%gather3A_755] in [0] : vector<16xf32>, vector<16xi32> -> vector<16xf32>
        scf.yield %gather3A_754, %gather3A_756 : vector<16xf32>, vector<16xf32>
      }
      %scan3A_658 = arith.constant 256 : i32
      "tpu.region"() ({
        %run_scoped3A = tpu.sem_alloc : memref<!tpu.dma_semaphore, #tpu.memory_space<semaphore_mem>>
        %dma_start3A_690 = tpu.memref_slice %arg19[%add3A_652] : memref<131072xf32, #tpu.memory_space<vmem_shared>> -> memref<4096xf32, #tpu.memory_space<vmem_shared>>
        %dma_start3A_691 = tpu.memref_slice %arg19[%add3A_652] : memref<131072xf32, #tpu.memory_space<vmem_shared>> -> memref<4096xf32, #tpu.memory_space<vmem_shared>>
        tpu.enqueue_dma source(%arg11 : memref<4096xf32, #tpu.memory_space<vmem>>) target(%dma_start3A_691 : memref<4096xf32, #tpu.memory_space<vmem_shared>>) target_semaphore(%run_scoped3A : memref<!tpu.dma_semaphore, #tpu.memory_space<semaphore_mem>>)
        %dma_wait3A_692 = tpu.memref_slice %arg19[%add3A_652] : memref<131072xf32, #tpu.memory_space<vmem_shared>> -> memref<4096xf32, #tpu.memory_space<vmem_shared>>
        %dma_wait3A_693 = tpu.memref_slice %arg19[%add3A_652] : memref<131072xf32, #tpu.memory_space<vmem_shared>> -> memref<4096xf32, #tpu.memory_space<vmem_shared>>
        tpu.wait_dma2 semaphore(%run_scoped3A : memref<!tpu.dma_semaphore, #tpu.memory_space<semaphore_mem>>) src(%arg11 : memref<4096xf32, #tpu.memory_space<vmem>>) dst(%dma_wait3A_693 : memref<4096xf32, #tpu.memory_space<vmem_shared>>)
        tpu.yield
      }) : () -> ()
      %add3A_659 = arith.constant 65536 : i32
      %add3A_660 = arith.addi %add3A_659, %add3A_652 : i32
      "tpu.region"() ({
        %run_scoped3A = tpu.sem_alloc : memref<!tpu.dma_semaphore, #tpu.memory_space<semaphore_mem>>
        %dma_start3A_690 = tpu.memref_slice %arg19[%add3A_660] : memref<131072xf32, #tpu.memory_space<vmem_shared>> -> memref<4096xf32, #tpu.memory_space<vmem_shared>>
        %dma_start3A_691 = tpu.memref_slice %arg19[%add3A_660] : memref<131072xf32, #tpu.memory_space<vmem_shared>> -> memref<4096xf32, #tpu.memory_space<vmem_shared>>
        tpu.enqueue_dma source(%arg10 : memref<4096xf32, #tpu.memory_space<vmem>>) target(%dma_start3A_691 : memref<4096xf32, #tpu.memory_space<vmem_shared>>) target_semaphore(%run_scoped3A : memref<!tpu.dma_semaphore, #tpu.memory_space<semaphore_mem>>)
        %dma_wait3A_692 = tpu.memref_slice %arg19[%add3A_660] : memref<131072xf32, #tpu.memory_space<vmem_shared>> -> memref<4096xf32, #tpu.memory_space<vmem_shared>>
        %dma_wait3A_693 = tpu.memref_slice %arg19[%add3A_660] : memref<131072xf32, #tpu.memory_space<vmem_shared>> -> memref<4096xf32, #tpu.memory_space<vmem_shared>>
        tpu.wait_dma2 semaphore(%run_scoped3A : memref<!tpu.dma_semaphore, #tpu.memory_space<semaphore_mem>>) src(%arg10 : memref<4096xf32, #tpu.memory_space<vmem>>) dst(%dma_wait3A_693 : memref<4096xf32, #tpu.memory_space<vmem_shared>>)
        tpu.yield
      }) : () -> ()
      %barrier3A_661 = arith.constant 0 : index
      tpu.barrier barrier_id(%barrier3A_661)
      "tpu.trace_stop"() : () -> ()
      "tpu.trace_start"() <{level = 10 : i32, message = "phC"}> : () -> ()
      %dma_start3A_662 = arith.constant 0 : i32
      %dma_start3A_663 = tpu.memref_slice %arg7[%dma_start3A_662] : memref<16384xi32, #tpu.memory_space<vmem>> -> memref<8192xi32, #tpu.memory_space<vmem>>
      %dma_start3A_664 = arith.constant 0 : i32
      %dma_start3A_665 = tpu.memref_slice %arg19[%dma_start3A_664] : memref<131072xf32, #tpu.memory_space<vmem_shared>> -> memref<131072xf32, #tpu.memory_space<vmem_shared>>
      tpu.enqueue_indirect_dma source(%dma_start3A_665 : memref<131072xf32, #tpu.memory_space<vmem_shared>>) target(%arg12 : memref<8192xf32, #tpu.memory_space<vmem>>) offsets(%dma_start3A_663 : memref<8192xi32, #tpu.memory_space<vmem>>) semaphore(%arg21 : memref<!tpu.dma_semaphore, #tpu.memory_space<semaphore_mem>>)
      %dma_start3A_666 = arith.constant 8192 : i32
      %dma_start3A_667 = tpu.memref_slice %arg7[%dma_start3A_666] : memref<16384xi32, #tpu.memory_space<vmem>> -> memref<8192xi32, #tpu.memory_space<vmem>>
      %dma_start3A_668 = arith.constant 0 : i32
      %dma_start3A_669 = tpu.memref_slice %arg19[%dma_start3A_668] : memref<131072xf32, #tpu.memory_space<vmem_shared>> -> memref<131072xf32, #tpu.memory_space<vmem_shared>>
      tpu.enqueue_indirect_dma source(%dma_start3A_669 : memref<131072xf32, #tpu.memory_space<vmem_shared>>) target(%arg13 : memref<8192xf32, #tpu.memory_space<vmem>>) offsets(%dma_start3A_667 : memref<8192xi32, #tpu.memory_space<vmem>>) semaphore(%arg22 : memref<!tpu.dma_semaphore, #tpu.memory_space<semaphore_mem>>)
      %dma_wait3A_670 = arith.constant 0 : i32
      %dma_wait3A_671 = tpu.memref_slice %arg7[%dma_wait3A_670] : memref<16384xi32, #tpu.memory_space<vmem>> -> memref<8192xi32, #tpu.memory_space<vmem>>
      %dma_wait3A_672 = arith.constant 0 : i32
      %dma_wait3A_673 = tpu.memref_slice %arg19[%dma_wait3A_672] : memref<131072xf32, #tpu.memory_space<vmem_shared>> -> memref<131072xf32, #tpu.memory_space<vmem_shared>>
      tpu.wait_indirect_dma semaphore(%arg21 : memref<!tpu.dma_semaphore, #tpu.memory_space<semaphore_mem>>) src(%dma_wait3A_673 : memref<131072xf32, #tpu.memory_space<vmem_shared>>) dst(%arg12 : memref<8192xf32, #tpu.memory_space<vmem>>)
      %scan3A_674 = arith.constant 0 : i32
      %scan3A_675 = arith.constant 64 : i32
      %scan3A_676 = arith.addi %scan3A_674, %scan3A_675 : i32
      %scan3A_677 = arith.constant 1 : i32
      %scan3A_678 = scf.for %scan3A_690 = %scan3A_674 to %scan3A_676 step %scan3A_677 iter_args(%scan3A_691 = %scan3A_29) -> (vector<16xf32>)  : i32 {
        %mul3A_692 = arith.constant 128 : i32
        %mul3A_693 = arith.muli %scan3A_690, %mul3A_692 : i32
        %add3A_694 = arith.constant 0 : i32
        %add3A_695 = arith.addi %mul3A_693, %add3A_694 : i32
        %mul3A_696 = arith.constant 128 : i32
        %mul3A_697 = arith.muli %scan3A_690, %mul3A_696 : i32
        %add3A_698 = arith.constant 0 : i32
        %add3A_699 = arith.addi %add3A_698, %mul3A_697 : i32
        %add3A_700 = arith.constant 0 : i32
        %add3A_701 = arith.addi %add3A_699, %add3A_700 : i32
        %get3A_702 = arith.index_cast %add3A_701 : i32 to index
        %get3A_703 = tpu.vector_load %arg5[%get3A_702] {strides = array<i32>} : memref<16384xf32, #tpu.memory_space<vmem>>, vector<16xf32>,
        %max3A = arith.constant 0.000000e+00 : f32
        %max3A_704 = vector.broadcast %max3A : f32 to vector<16xf32>
        %max3A_705 = arith.maximumf %get3A_703, %max3A_704 : vector<16xf32>
        %get3A_706 = arith.index_cast %add3A_695 : i32 to index
        %get3A_707 = tpu.vector_load %arg12[%get3A_706] {strides = array<i32>} : memref<8192xf32, #tpu.memory_space<vmem>>, vector<16xf32>,
        %mul3A_708 = arith.mulf %max3A_705, %get3A_707 : vector<16xf32>
        %add3A_709 = arith.addf %scan3A_691, %mul3A_708 : vector<16xf32>
        %mul3A_710 = arith.constant 128 : i32
        %mul3A_711 = arith.muli %scan3A_690, %mul3A_710 : i32
        %add3A_712 = arith.constant 16 : i32
        %add3A_713 = arith.addi %mul3A_711, %add3A_712 : i32
        %mul3A_714 = arith.constant 128 : i32
        %mul3A_715 = arith.muli %scan3A_690, %mul3A_714 : i32
        %add3A_716 = arith.constant 0 : i32
        %add3A_717 = arith.addi %add3A_716, %mul3A_715 : i32
        %add3A_718 = arith.constant 16 : i32
        %add3A_719 = arith.addi %add3A_717, %add3A_718 : i32
        %get3A_720 = arith.index_cast %add3A_719 : i32 to index
        %get3A_721 = tpu.vector_load %arg5[%get3A_720] {strides = array<i32>} : memref<16384xf32, #tpu.memory_space<vmem>>, vector<16xf32>,
        %max3A_722 = arith.constant 0.000000e+00 : f32
        %max3A_723 = vector.broadcast %max3A_722 : f32 to vector<16xf32>
        %max3A_724 = arith.maximumf %get3A_721, %max3A_723 : vector<16xf32>
        %get3A_725 = arith.index_cast %add3A_713 : i32 to index
        %get3A_726 = tpu.vector_load %arg12[%get3A_725] {strides = array<i32>} : memref<8192xf32, #tpu.memory_space<vmem>>, vector<16xf32>,
        %mul3A_727 = arith.mulf %max3A_724, %get3A_726 : vector<16xf32>
        %add3A_728 = arith.addf %add3A_709, %mul3A_727 : vector<16xf32>
        %mul3A_729 = arith.constant 128 : i32
        %mul3A_730 = arith.muli %scan3A_690, %mul3A_729 : i32
        %add3A_731 = arith.constant 32 : i32
        %add3A_732 = arith.addi %mul3A_730, %add3A_731 : i32
        %mul3A_733 = arith.constant 128 : i32
        %mul3A_734 = arith.muli %scan3A_690, %mul3A_733 : i32
        %add3A_735 = arith.constant 0 : i32
        %add3A_736 = arith.addi %add3A_735, %mul3A_734 : i32
        %add3A_737 = arith.constant 32 : i32
        %add3A_738 = arith.addi %add3A_736, %add3A_737 : i32
        %get3A_739 = arith.index_cast %add3A_738 : i32 to index
        %get3A_740 = tpu.vector_load %arg5[%get3A_739] {strides = array<i32>} : memref<16384xf32, #tpu.memory_space<vmem>>, vector<16xf32>,
        %max3A_741 = arith.constant 0.000000e+00 : f32
        %max3A_742 = vector.broadcast %max3A_741 : f32 to vector<16xf32>
        %max3A_743 = arith.maximumf %get3A_740, %max3A_742 : vector<16xf32>
        %get3A_744 = arith.index_cast %add3A_732 : i32 to index
        %get3A_745 = tpu.vector_load %arg12[%get3A_744] {strides = array<i32>} : memref<8192xf32, #tpu.memory_space<vmem>>, vector<16xf32>,
        %mul3A_746 = arith.mulf %max3A_743, %get3A_745 : vector<16xf32>
        %add3A_747 = arith.addf %add3A_728, %mul3A_746 : vector<16xf32>
        %mul3A_748 = arith.constant 128 : i32
        %mul3A_749 = arith.muli %scan3A_690, %mul3A_748 : i32
        %add3A_750 = arith.constant 48 : i32
        %add3A_751 = arith.addi %mul3A_749, %add3A_750 : i32
        %mul3A_752 = arith.constant 128 : i32
        %mul3A_753 = arith.muli %scan3A_690, %mul3A_752 : i32
        %add3A_754 = arith.constant 0 : i32
        %add3A_755 = arith.addi %add3A_754, %mul3A_753 : i32
        %add3A_756 = arith.constant 48 : i32
        %add3A_757 = arith.addi %add3A_755, %add3A_756 : i32
        %get3A_758 = arith.index_cast %add3A_757 : i32 to index
        %get3A_759 = tpu.vector_load %arg5[%get3A_758] {strides = array<i32>} : memref<16384xf32, #tpu.memory_space<vmem>>, vector<16xf32>,
        %max3A_760 = arith.constant 0.000000e+00 : f32
        %max3A_761 = vector.broadcast %max3A_760 : f32 to vector<16xf32>
        %max3A_762 = arith.maximumf %get3A_759, %max3A_761 : vector<16xf32>
        %get3A_763 = arith.index_cast %add3A_751 : i32 to index
        %get3A_764 = tpu.vector_load %arg12[%get3A_763] {strides = array<i32>} : memref<8192xf32, #tpu.memory_space<vmem>>, vector<16xf32>,
        %mul3A_765 = arith.mulf %max3A_762, %get3A_764 : vector<16xf32>
        %add3A_766 = arith.addf %add3A_747, %mul3A_765 : vector<16xf32>
        %mul3A_767 = arith.constant 128 : i32
        %mul3A_768 = arith.muli %scan3A_690, %mul3A_767 : i32
        %add3A_769 = arith.constant 64 : i32
        %add3A_770 = arith.addi %mul3A_768, %add3A_769 : i32
        %mul3A_771 = arith.constant 128 : i32
        %mul3A_772 = arith.muli %scan3A_690, %mul3A_771 : i32
        %add3A_773 = arith.constant 0 : i32
        %add3A_774 = arith.addi %add3A_773, %mul3A_772 : i32
        %add3A_775 = arith.constant 64 : i32
        %add3A_776 = arith.addi %add3A_774, %add3A_775 : i32
        %get3A_777 = arith.index_cast %add3A_776 : i32 to index
        %get3A_778 = tpu.vector_load %arg5[%get3A_777] {strides = array<i32>} : memref<16384xf32, #tpu.memory_space<vmem>>, vector<16xf32>,
        %max3A_779 = arith.constant 0.000000e+00 : f32
        %max3A_780 = vector.broadcast %max3A_779 : f32 to vector<16xf32>
        %max3A_781 = arith.maximumf %get3A_778, %max3A_780 : vector<16xf32>
        %get3A_782 = arith.index_cast %add3A_770 : i32 to index
        %get3A_783 = tpu.vector_load %arg12[%get3A_782] {strides = array<i32>} : memref<8192xf32, #tpu.memory_space<vmem>>, vector<16xf32>,
        %mul3A_784 = arith.mulf %max3A_781, %get3A_783 : vector<16xf32>
        %add3A_785 = arith.addf %add3A_766, %mul3A_784 : vector<16xf32>
        %mul3A_786 = arith.constant 128 : i32
        %mul3A_787 = arith.muli %scan3A_690, %mul3A_786 : i32
        %add3A_788 = arith.constant 80 : i32
        %add3A_789 = arith.addi %mul3A_787, %add3A_788 : i32
        %mul3A_790 = arith.constant 128 : i32
        %mul3A_791 = arith.muli %scan3A_690, %mul3A_790 : i32
        %add3A_792 = arith.constant 0 : i32
        %add3A_793 = arith.addi %add3A_792, %mul3A_791 : i32
        %add3A_794 = arith.constant 80 : i32
        %add3A_795 = arith.addi %add3A_793, %add3A_794 : i32
        %get3A_796 = arith.index_cast %add3A_795 : i32 to index
        %get3A_797 = tpu.vector_load %arg5[%get3A_796] {strides = array<i32>} : memref<16384xf32, #tpu.memory_space<vmem>>, vector<16xf32>,
        %max3A_798 = arith.constant 0.000000e+00 : f32
        %max3A_799 = vector.broadcast %max3A_798 : f32 to vector<16xf32>
        %max3A_800 = arith.maximumf %get3A_797, %max3A_799 : vector<16xf32>
        %get3A_801 = arith.index_cast %add3A_789 : i32 to index
        %get3A_802 = tpu.vector_load %arg12[%get3A_801] {strides = array<i32>} : memref<8192xf32, #tpu.memory_space<vmem>>, vector<16xf32>,
        %mul3A_803 = arith.mulf %max3A_800, %get3A_802 : vector<16xf32>
        %add3A_804 = arith.addf %add3A_785, %mul3A_803 : vector<16xf32>
        %mul3A_805 = arith.constant 128 : i32
        %mul3A_806 = arith.muli %scan3A_690, %mul3A_805 : i32
        %add3A_807 = arith.constant 96 : i32
        %add3A_808 = arith.addi %mul3A_806, %add3A_807 : i32
        %mul3A_809 = arith.constant 128 : i32
        %mul3A_810 = arith.muli %scan3A_690, %mul3A_809 : i32
        %add3A_811 = arith.constant 0 : i32
        %add3A_812 = arith.addi %add3A_811, %mul3A_810 : i32
        %add3A_813 = arith.constant 96 : i32
        %add3A_814 = arith.addi %add3A_812, %add3A_813 : i32
        %get3A_815 = arith.index_cast %add3A_814 : i32 to index
        %get3A_816 = tpu.vector_load %arg5[%get3A_815] {strides = array<i32>} : memref<16384xf32, #tpu.memory_space<vmem>>, vector<16xf32>,
        %max3A_817 = arith.constant 0.000000e+00 : f32
        %max3A_818 = vector.broadcast %max3A_817 : f32 to vector<16xf32>
        %max3A_819 = arith.maximumf %get3A_816, %max3A_818 : vector<16xf32>
        %get3A_820 = arith.index_cast %add3A_808 : i32 to index
        %get3A_821 = tpu.vector_load %arg12[%get3A_820] {strides = array<i32>} : memref<8192xf32, #tpu.memory_space<vmem>>, vector<16xf32>,
        %mul3A_822 = arith.mulf %max3A_819, %get3A_821 : vector<16xf32>
        %add3A_823 = arith.addf %add3A_804, %mul3A_822 : vector<16xf32>
        %mul3A_824 = arith.constant 128 : i32
        %mul3A_825 = arith.muli %scan3A_690, %mul3A_824 : i32
        %add3A_826 = arith.constant 112 : i32
        %add3A_827 = arith.addi %mul3A_825, %add3A_826 : i32
        %mul3A_828 = arith.constant 128 : i32
        %mul3A_829 = arith.muli %scan3A_690, %mul3A_828 : i32
        %add3A_830 = arith.constant 0 : i32
        %add3A_831 = arith.addi %add3A_830, %mul3A_829 : i32
        %add3A_832 = arith.constant 112 : i32
        %add3A_833 = arith.addi %add3A_831, %add3A_832 : i32
        %get3A_834 = arith.index_cast %add3A_833 : i32 to index
        %get3A_835 = tpu.vector_load %arg5[%get3A_834] {strides = array<i32>} : memref<16384xf32, #tpu.memory_space<vmem>>, vector<16xf32>,
        %max3A_836 = arith.constant 0.000000e+00 : f32
        %max3A_837 = vector.broadcast %max3A_836 : f32 to vector<16xf32>
        %max3A_838 = arith.maximumf %get3A_835, %max3A_837 : vector<16xf32>
        %get3A_839 = arith.index_cast %add3A_827 : i32 to index
        %get3A_840 = tpu.vector_load %arg12[%get3A_839] {strides = array<i32>} : memref<8192xf32, #tpu.memory_space<vmem>>, vector<16xf32>,
        %mul3A_841 = arith.mulf %max3A_838, %get3A_840 : vector<16xf32>
        %add3A_842 = arith.addf %add3A_823, %mul3A_841 : vector<16xf32>
        scf.yield %add3A_842 : vector<16xf32>
      }
      %scan3A_679 = arith.constant 64 : i32
      %dma_wait3A_680 = arith.constant 8192 : i32
      %dma_wait3A_681 = tpu.memref_slice %arg7[%dma_wait3A_680] : memref<16384xi32, #tpu.memory_space<vmem>> -> memref<8192xi32, #tpu.memory_space<vmem>>
      %dma_wait3A_682 = arith.constant 0 : i32
      %dma_wait3A_683 = tpu.memref_slice %arg19[%dma_wait3A_682] : memref<131072xf32, #tpu.memory_space<vmem_shared>> -> memref<131072xf32, #tpu.memory_space<vmem_shared>>
      tpu.wait_indirect_dma semaphore(%arg22 : memref<!tpu.dma_semaphore, #tpu.memory_space<semaphore_mem>>) src(%dma_wait3A_683 : memref<131072xf32, #tpu.memory_space<vmem_shared>>) dst(%arg13 : memref<8192xf32, #tpu.memory_space<vmem>>)
      %scan3A_684 = arith.constant 0 : i32
      %scan3A_685 = arith.constant 64 : i32
      %scan3A_686 = arith.addi %scan3A_684, %scan3A_685 : i32
      %scan3A_687 = arith.constant 1 : i32
      %scan3A_688 = scf.for %scan3A_690 = %scan3A_684 to %scan3A_686 step %scan3A_687 iter_args(%scan3A_691 = %scan3A_678) -> (vector<16xf32>)  : i32 {
        %mul3A_692 = arith.constant 128 : i32
        %mul3A_693 = arith.muli %scan3A_690, %mul3A_692 : i32
        %add3A_694 = arith.constant 0 : i32
        %add3A_695 = arith.addi %mul3A_693, %add3A_694 : i32
        %mul3A_696 = arith.constant 128 : i32
        %mul3A_697 = arith.muli %scan3A_690, %mul3A_696 : i32
        %add3A_698 = arith.constant 8192 : i32
        %add3A_699 = arith.addi %add3A_698, %mul3A_697 : i32
        %add3A_700 = arith.constant 0 : i32
        %add3A_701 = arith.addi %add3A_699, %add3A_700 : i32
        %get3A_702 = arith.index_cast %add3A_701 : i32 to index
        %get3A_703 = tpu.vector_load %arg5[%get3A_702] {strides = array<i32>} : memref<16384xf32, #tpu.memory_space<vmem>>, vector<16xf32>,
        %max3A = arith.constant 0.000000e+00 : f32
        %max3A_704 = vector.broadcast %max3A : f32 to vector<16xf32>
        %max3A_705 = arith.maximumf %get3A_703, %max3A_704 : vector<16xf32>
        %get3A_706 = arith.index_cast %add3A_695 : i32 to index
        %get3A_707 = tpu.vector_load %arg13[%get3A_706] {strides = array<i32>} : memref<8192xf32, #tpu.memory_space<vmem>>, vector<16xf32>,
        %mul3A_708 = arith.mulf %max3A_705, %get3A_707 : vector<16xf32>
        %add3A_709 = arith.addf %scan3A_691, %mul3A_708 : vector<16xf32>
        %mul3A_710 = arith.constant 128 : i32
        %mul3A_711 = arith.muli %scan3A_690, %mul3A_710 : i32
        %add3A_712 = arith.constant 16 : i32
        %add3A_713 = arith.addi %mul3A_711, %add3A_712 : i32
        %mul3A_714 = arith.constant 128 : i32
        %mul3A_715 = arith.muli %scan3A_690, %mul3A_714 : i32
        %add3A_716 = arith.constant 8192 : i32
        %add3A_717 = arith.addi %add3A_716, %mul3A_715 : i32
        %add3A_718 = arith.constant 16 : i32
        %add3A_719 = arith.addi %add3A_717, %add3A_718 : i32
        %get3A_720 = arith.index_cast %add3A_719 : i32 to index
        %get3A_721 = tpu.vector_load %arg5[%get3A_720] {strides = array<i32>} : memref<16384xf32, #tpu.memory_space<vmem>>, vector<16xf32>,
        %max3A_722 = arith.constant 0.000000e+00 : f32
        %max3A_723 = vector.broadcast %max3A_722 : f32 to vector<16xf32>
        %max3A_724 = arith.maximumf %get3A_721, %max3A_723 : vector<16xf32>
        %get3A_725 = arith.index_cast %add3A_713 : i32 to index
        %get3A_726 = tpu.vector_load %arg13[%get3A_725] {strides = array<i32>} : memref<8192xf32, #tpu.memory_space<vmem>>, vector<16xf32>,
        %mul3A_727 = arith.mulf %max3A_724, %get3A_726 : vector<16xf32>
        %add3A_728 = arith.addf %add3A_709, %mul3A_727 : vector<16xf32>
        %mul3A_729 = arith.constant 128 : i32
        %mul3A_730 = arith.muli %scan3A_690, %mul3A_729 : i32
        %add3A_731 = arith.constant 32 : i32
        %add3A_732 = arith.addi %mul3A_730, %add3A_731 : i32
        %mul3A_733 = arith.constant 128 : i32
        %mul3A_734 = arith.muli %scan3A_690, %mul3A_733 : i32
        %add3A_735 = arith.constant 8192 : i32
        %add3A_736 = arith.addi %add3A_735, %mul3A_734 : i32
        %add3A_737 = arith.constant 32 : i32
        %add3A_738 = arith.addi %add3A_736, %add3A_737 : i32
        %get3A_739 = arith.index_cast %add3A_738 : i32 to index
        %get3A_740 = tpu.vector_load %arg5[%get3A_739] {strides = array<i32>} : memref<16384xf32, #tpu.memory_space<vmem>>, vector<16xf32>,
        %max3A_741 = arith.constant 0.000000e+00 : f32
        %max3A_742 = vector.broadcast %max3A_741 : f32 to vector<16xf32>
        %max3A_743 = arith.maximumf %get3A_740, %max3A_742 : vector<16xf32>
        %get3A_744 = arith.index_cast %add3A_732 : i32 to index
        %get3A_745 = tpu.vector_load %arg13[%get3A_744] {strides = array<i32>} : memref<8192xf32, #tpu.memory_space<vmem>>, vector<16xf32>,
        %mul3A_746 = arith.mulf %max3A_743, %get3A_745 : vector<16xf32>
        %add3A_747 = arith.addf %add3A_728, %mul3A_746 : vector<16xf32>
        %mul3A_748 = arith.constant 128 : i32
        %mul3A_749 = arith.muli %scan3A_690, %mul3A_748 : i32
        %add3A_750 = arith.constant 48 : i32
        %add3A_751 = arith.addi %mul3A_749, %add3A_750 : i32
        %mul3A_752 = arith.constant 128 : i32
        %mul3A_753 = arith.muli %scan3A_690, %mul3A_752 : i32
        %add3A_754 = arith.constant 8192 : i32
        %add3A_755 = arith.addi %add3A_754, %mul3A_753 : i32
        %add3A_756 = arith.constant 48 : i32
        %add3A_757 = arith.addi %add3A_755, %add3A_756 : i32
        %get3A_758 = arith.index_cast %add3A_757 : i32 to index
        %get3A_759 = tpu.vector_load %arg5[%get3A_758] {strides = array<i32>} : memref<16384xf32, #tpu.memory_space<vmem>>, vector<16xf32>,
        %max3A_760 = arith.constant 0.000000e+00 : f32
        %max3A_761 = vector.broadcast %max3A_760 : f32 to vector<16xf32>
        %max3A_762 = arith.maximumf %get3A_759, %max3A_761 : vector<16xf32>
        %get3A_763 = arith.index_cast %add3A_751 : i32 to index
        %get3A_764 = tpu.vector_load %arg13[%get3A_763] {strides = array<i32>} : memref<8192xf32, #tpu.memory_space<vmem>>, vector<16xf32>,
        %mul3A_765 = arith.mulf %max3A_762, %get3A_764 : vector<16xf32>
        %add3A_766 = arith.addf %add3A_747, %mul3A_765 : vector<16xf32>
        %mul3A_767 = arith.constant 128 : i32
        %mul3A_768 = arith.muli %scan3A_690, %mul3A_767 : i32
        %add3A_769 = arith.constant 64 : i32
        %add3A_770 = arith.addi %mul3A_768, %add3A_769 : i32
        %mul3A_771 = arith.constant 128 : i32
        %mul3A_772 = arith.muli %scan3A_690, %mul3A_771 : i32
        %add3A_773 = arith.constant 8192 : i32
        %add3A_774 = arith.addi %add3A_773, %mul3A_772 : i32
        %add3A_775 = arith.constant 64 : i32
        %add3A_776 = arith.addi %add3A_774, %add3A_775 : i32
        %get3A_777 = arith.index_cast %add3A_776 : i32 to index
        %get3A_778 = tpu.vector_load %arg5[%get3A_777] {strides = array<i32>} : memref<16384xf32, #tpu.memory_space<vmem>>, vector<16xf32>,
        %max3A_779 = arith.constant 0.000000e+00 : f32
        %max3A_780 = vector.broadcast %max3A_779 : f32 to vector<16xf32>
        %max3A_781 = arith.maximumf %get3A_778, %max3A_780 : vector<16xf32>
        %get3A_782 = arith.index_cast %add3A_770 : i32 to index
        %get3A_783 = tpu.vector_load %arg13[%get3A_782] {strides = array<i32>} : memref<8192xf32, #tpu.memory_space<vmem>>, vector<16xf32>,
        %mul3A_784 = arith.mulf %max3A_781, %get3A_783 : vector<16xf32>
        %add3A_785 = arith.addf %add3A_766, %mul3A_784 : vector<16xf32>
        %mul3A_786 = arith.constant 128 : i32
        %mul3A_787 = arith.muli %scan3A_690, %mul3A_786 : i32
        %add3A_788 = arith.constant 80 : i32
        %add3A_789 = arith.addi %mul3A_787, %add3A_788 : i32
        %mul3A_790 = arith.constant 128 : i32
        %mul3A_791 = arith.muli %scan3A_690, %mul3A_790 : i32
        %add3A_792 = arith.constant 8192 : i32
        %add3A_793 = arith.addi %add3A_792, %mul3A_791 : i32
        %add3A_794 = arith.constant 80 : i32
        %add3A_795 = arith.addi %add3A_793, %add3A_794 : i32
        %get3A_796 = arith.index_cast %add3A_795 : i32 to index
        %get3A_797 = tpu.vector_load %arg5[%get3A_796] {strides = array<i32>} : memref<16384xf32, #tpu.memory_space<vmem>>, vector<16xf32>,
        %max3A_798 = arith.constant 0.000000e+00 : f32
        %max3A_799 = vector.broadcast %max3A_798 : f32 to vector<16xf32>
        %max3A_800 = arith.maximumf %get3A_797, %max3A_799 : vector<16xf32>
        %get3A_801 = arith.index_cast %add3A_789 : i32 to index
        %get3A_802 = tpu.vector_load %arg13[%get3A_801] {strides = array<i32>} : memref<8192xf32, #tpu.memory_space<vmem>>, vector<16xf32>,
        %mul3A_803 = arith.mulf %max3A_800, %get3A_802 : vector<16xf32>
        %add3A_804 = arith.addf %add3A_785, %mul3A_803 : vector<16xf32>
        %mul3A_805 = arith.constant 128 : i32
        %mul3A_806 = arith.muli %scan3A_690, %mul3A_805 : i32
        %add3A_807 = arith.constant 96 : i32
        %add3A_808 = arith.addi %mul3A_806, %add3A_807 : i32
        %mul3A_809 = arith.constant 128 : i32
        %mul3A_810 = arith.muli %scan3A_690, %mul3A_809 : i32
        %add3A_811 = arith.constant 8192 : i32
        %add3A_812 = arith.addi %add3A_811, %mul3A_810 : i32
        %add3A_813 = arith.constant 96 : i32
        %add3A_814 = arith.addi %add3A_812, %add3A_813 : i32
        %get3A_815 = arith.index_cast %add3A_814 : i32 to index
        %get3A_816 = tpu.vector_load %arg5[%get3A_815] {strides = array<i32>} : memref<16384xf32, #tpu.memory_space<vmem>>, vector<16xf32>,
        %max3A_817 = arith.constant 0.000000e+00 : f32
        %max3A_818 = vector.broadcast %max3A_817 : f32 to vector<16xf32>
        %max3A_819 = arith.maximumf %get3A_816, %max3A_818 : vector<16xf32>
        %get3A_820 = arith.index_cast %add3A_808 : i32 to index
        %get3A_821 = tpu.vector_load %arg13[%get3A_820] {strides = array<i32>} : memref<8192xf32, #tpu.memory_space<vmem>>, vector<16xf32>,
        %mul3A_822 = arith.mulf %max3A_819, %get3A_821 : vector<16xf32>
        %add3A_823 = arith.addf %add3A_804, %mul3A_822 : vector<16xf32>
        %mul3A_824 = arith.constant 128 : i32
        %mul3A_825 = arith.muli %scan3A_690, %mul3A_824 : i32
        %add3A_826 = arith.constant 112 : i32
        %add3A_827 = arith.addi %mul3A_825, %add3A_826 : i32
        %mul3A_828 = arith.constant 128 : i32
        %mul3A_829 = arith.muli %scan3A_690, %mul3A_828 : i32
        %add3A_830 = arith.constant 8192 : i32
        %add3A_831 = arith.addi %add3A_830, %mul3A_829 : i32
        %add3A_832 = arith.constant 112 : i32
        %add3A_833 = arith.addi %add3A_831, %add3A_832 : i32
        %get3A_834 = arith.index_cast %add3A_833 : i32 to index
        %get3A_835 = tpu.vector_load %arg5[%get3A_834] {strides = array<i32>} : memref<16384xf32, #tpu.memory_space<vmem>>, vector<16xf32>,
        %max3A_836 = arith.constant 0.000000e+00 : f32
        %max3A_837 = vector.broadcast %max3A_836 : f32 to vector<16xf32>
        %max3A_838 = arith.maximumf %get3A_835, %max3A_837 : vector<16xf32>
        %get3A_839 = arith.index_cast %add3A_827 : i32 to index
        %get3A_840 = tpu.vector_load %arg13[%get3A_839] {strides = array<i32>} : memref<8192xf32, #tpu.memory_space<vmem>>, vector<16xf32>,
        %mul3A_841 = arith.mulf %max3A_838, %get3A_840 : vector<16xf32>
        %add3A_842 = arith.addf %add3A_823, %mul3A_841 : vector<16xf32>
        scf.yield %add3A_842 : vector<16xf32>
      }
      %scan3A_689 = arith.constant 64 : i32
      "tpu.trace_stop"() : () -> ()
      scf.yield %scan3A_688 : vector<16xf32>
    }
    %scan3A_23 = arith.constant 4 : i32
    %mul3A = arith.constant 16 : i32
    %mul3A_24 = arith.muli %arg0, %mul3A : i32
    %add3A = arith.addi %mul3A_24, %arg1 : i32
    %swap3A = arith.constant 0 : index
    %swap3A_25 = tpu.vector_load %arg16[%swap3A] {strides = array<i32>} : memref<16xf32, #tpu.memory_space<vmem>>, vector<16xf32>,
    tpu.vector_store %arg16[%swap3A], %scan3A_22 {strides = array<i32>} : memref<16xf32, #tpu.memory_space<vmem>>, vector<16xf32>,
    %mul3A_26 = arith.constant 16 : i32
    %mul3A_27 = arith.muli %add3A, %mul3A_26 : i32
    "tpu.region"() ({
      %run_scoped3A = tpu.sem_alloc : memref<!tpu.dma_semaphore, #tpu.memory_space<semaphore_mem>>
      %dma_start3A = tpu.memref_slice %arg4[%mul3A_27] : memref<512xf32, #tpu.memory_space<hbm>> -> memref<16xf32, #tpu.memory_space<hbm>>
      %dma_start3A_28 = tpu.memref_slice %arg4[%mul3A_27] : memref<512xf32, #tpu.memory_space<hbm>> -> memref<16xf32, #tpu.memory_space<hbm>>
      tpu.enqueue_dma source(%arg16 : memref<16xf32, #tpu.memory_space<vmem>>) target(%dma_start3A_28 : memref<16xf32, #tpu.memory_space<hbm>>) target_semaphore(%run_scoped3A : memref<!tpu.dma_semaphore, #tpu.memory_space<semaphore_mem>>)
      %dma_wait3A = tpu.memref_slice %arg4[%mul3A_27] : memref<512xf32, #tpu.memory_space<hbm>> -> memref<16xf32, #tpu.memory_space<hbm>>
      %dma_wait3A_29 = tpu.memref_slice %arg4[%mul3A_27] : memref<512xf32, #tpu.memory_space<hbm>> -> memref<16xf32, #tpu.memory_space<hbm>>
      tpu.wait_dma2 semaphore(%run_scoped3A : memref<!tpu.dma_semaphore, #tpu.memory_space<semaphore_mem>>) src(%arg16 : memref<16xf32, #tpu.memory_space<vmem>>) dst(%dma_wait3A_29 : memref<16xf32, #tpu.memory_space<hbm>>)
      tpu.yield
    }) : () -> ()
    return
  }
}

</mosaic_0001>

<sc_bundles>
// kernel: kernel.3.cloned.1.call-start
scs
__scs_entry_jumppad:
0x0: {  	(pc) =	sbr.rel $0x88, $3  }
0x1: {  	(tag) =	ssettag $0x0;
	lr =	simm.s32 $0x1  }
0x2: {  	[smem:$0x3F9F] =	sst lr;
	_ =	strace $0xD0000000  }
0x3: {  	_ = 	snop  }
0x4: {  	_ = 	snop  }
0x5: {  	_ = 	snop  }
0x6: {  	_ = 	snop  }
0x7: {  	_ = 	snop  }
__scs_overlays_trampoline_lowered:
0x8: {  	[smem:$0x3FAE] =	sst s0  }
0x9: {  	[smem:$0x3FAF] =	sst s1  }
0xa: {  	[smem:$0x3FB0] =	sst s2  }
0xb: {  	[smem:$0x3FB1] =	sst s3  }
0xc: {  	[smem:$0x3FB2] =	sst s4  }
0xd: {  	[smem:$0x3FB3] =	sst s5  }
0xe: {  	[smem:$0x3FB4] =	sst s6  }
0xf: {  	[smem:$0x3FB5] =	sst s7  }
0x10: {  	[smem:$0x3FB6] =	sst s8  }
0x11: {  	[smem:$0x3FB7] =	sst s9;
	s0 =	simm.s32 @!p0 $0x0  }
0x12: {  	s1 =	sld [smem:$0x3F9D];
	s0 =	simm.s32 @p0 $0x1  }
0x13: {  	[smem:$0x3FB8] =	sst s0;
	s0 =	simm.s32 @!p1 $0x0  }
0x14: {  	s2 =	sld [smem:$0x3F9C];
	s0 =	simm.s32 @p1 $0x1  }
0x15: {  	[smem:$0x3FB9] =	sst s0;
	s0 =	simm.s32 @!p2 $0x0  }
0x16: {  	s3 =	sld [smem:$0x3FDB];
	s0 =	simm.s32 @p2 $0x1  }
0x17: {  	s4 =	simm.s32 $0x1BF5;
	[smem:$0x3FBB] =	sst s0  }
0x18: {  	s0 =	sld [smem:$0x3F9E];
	_ =	swait.ge [sflag:s4], $0x0  }
0x19: {  	s7 =	sld [smem:$0x3F9F]  }
0x1a: {  	s8 =	sadd.s32 $0xFFFFE003, lr  }
0x1b: {  	s9 =	sadd.s32 $0xFFFFFEF7, lr;
	s5 =	simm.s32 $0xFFFFFFFF;
	p2 =	slt.u32 s8, $0xFFFFF086  }
0x1c: {  	p1 =	slt.u32 s9, $0xF7A;
	s5 =	simm.s32 @!p2 $0x0  }
0x1d: {  	s5 =	simm.s32 @p1 $0x1;
	p0 =	seq.s32 s7, s2  }
0x1e: {  	s7 =	smul.u32 @!p0 $0xF7A, s2;
	p2 =	seq.s32 @!p0 s5, $0x0  }
0x1f: {  	s9 =	smul.u32 $0xF7A, s1;
	s8 =	simm.s32 @!p0 $0x1BF5;
	p2 =	por !p2, p0  }
0x20: {  	[sflag:s8] =	ssyncset.s32 @!p0 $0xFFFFF086;
	s6 =	sadd.s32 @!p0 s3, s7;
	s7 =	simm.s32 @!p0 $0x108  }
0x21: {  	s3 =	sadd.s32 s3, s9;
	s6 =	sadd.s32 @!p0 $0x88, s6;
	s7 =	simm.s32 @p2 $0x1082  }
0x22: {  	[simem:s7], [sflag:s8] =	dma.local @!p0 [hbm:s6], $0xF7A  }
0x23: {  	s9 =	sor.u32 $0xD0000000, s2;
	s6 =	simm.s32 $0x108;
	_ =	swait.ge @!p0 [sflag:s8], $0x0  }
0x24: {  	s3 =	sadd.s32 $0x88, s3;
	s6 =	simm.s32 @!p1 $0x1082;
	[sflag:s4] =	ssyncset.s32 $0xFFFFF086  }
0x25: {  	[simem:s6], [sflag:s4] =	dma.local [hbm:s3], $0xF7A  }
0x26: {  	[smem:$0x3F9F] =	sst s1;
	(tag) =	ssettag s2;
	_ =	strace s9  }
0x27: {  	s1 =	sld [smem:$0x3FAF]  }
0x28: {  	s2 =	sld [smem:$0x3FB0]  }
0x29: {  	s4 =	sld [smem:$0x3FB2]  }
0x2a: {  	p0 =	seq.s32 s5, $0x0;
	s5 =	sld [smem:$0x3FB3]  }
0x2b: {  	s6 =	sld [smem:$0x3FB4]  }
0x2c: {  	s7 =	sld [smem:$0x3FB5]  }
0x2d: {  	s3 =	simm.s32 $0x108;
	s8 =	sld [smem:$0x3FB6]  }
0x2e: {  	s3 =	simm.s32 @!p0 $0x1082;
	s9 =	sld [smem:$0x3FB7]  }
0x2f: {  	lr =	sadd.s32 s0, s3;
	s0 =	sld [smem:$0x3FAE]  }
0x30: {  	s3 =	sld [smem:$0x3FB1]  }
0x31: {  	[smem:$0x3FBA] =	sst s10  }
0x32: {  	s10 =	sld [smem:$0x3FB8];
	_ =	sdelay $0x3  }
0x33: {  	p0 =	seq.s32 s10, $0x1;
	s10 =	sld [smem:$0x3FBA];
	_ =	sdelay $0x3  }
0x34: {  	[smem:$0x3FBA] =	sst s10  }
0x35: {  	s10 =	sld [smem:$0x3FB9];
	_ =	sdelay $0x3  }
0x36: {  	p1 =	seq.s32 s10, $0x1;
	s10 =	sld [smem:$0x3FBA];
	_ =	sdelay $0x3  }
0x37: {  	[smem:$0x3FBA] =	sst s10  }
0x38: {  	s10 =	sld [smem:$0x3FBB]  }
0x39: {  	_ = 	snop;
	(pc) =	sbr.ind lr, $3  }
0x3a: {  	_ = 	snop  }
0x3b: {  	_ = 	snop  }
0x3c: {  	p2 =	seq.s32 s10, $0x1;
	s10 =	sld [smem:$0x3FBA]  }
0x3d: {  	_ =	shalt  }
0x3e: {  	_ =	shalt  }
0x3f: {  	_ =	shalt  }
0x40: {  	_ =	shalt  }
0x41: {  	_ =	shalt  }
0x42: {  	_ =	shalt  }
0x43: {  	_ =	shalt  }
0x44: {  	_ =	shalt  }
0x45: {  	_ =	shalt  }
0x46: {  	_ =	shalt  }
0x47: {  	_ =	shalt  }
0x48: {  	_ =	shalt  }
0x49: {  	_ =	shalt  }
0x4a: {  	_ =	shalt  }
0x4b: {  	_ =	shalt  }
0x4c: {  	_ =	shalt  }
0x4d: {  	_ =	shalt  }
0x4e: {  	_ =	shalt  }
0x4f: {  	_ =	shalt  }
0x50: {  	_ =	shalt  }
0x51: {  	_ =	shalt  }
0x52: {  	_ =	shalt  }
0x53: {  	_ =	shalt  }
0x54: {  	_ =	shalt  }
0x55: {  	_ =	shalt  }
0x56: {  	_ =	shalt  }
0x57: {  	_ =	shalt  }
0x58: {  	_ =	shalt  }
0x59: {  	_ =	shalt  }
0x5a: {  	_ =	shalt  }
0x5b: {  	_ =	shalt  }
0x5c: {  	_ =	shalt  }
0x5d: {  	_ =	shalt  }
0x5e: {  	_ =	shalt  }
0x5f: {  	_ =	shalt  }
0x60: {  	_ =	shalt  }
0x61: {  	_ =	shalt  }
0x62: {  	_ =	shalt  }
0x63: {  	_ =	shalt  }
0x64: {  	_ =	shalt  }
0x65: {  	_ =	shalt  }
0x66: {  	_ =	shalt  }
0x67: {  	_ =	shalt  }
0x68: {  	_ =	shalt  }
0x69: {  	_ =	shalt  }
0x6a: {  	_ =	shalt  }
0x6b: {  	_ =	shalt  }
0x6c: {  	_ =	shalt  }
0x6d: {  	_ =	shalt  }
0x6e: {  	_ =	shalt  }
0x6f: {  	_ =	shalt  }
0x70: {  	_ =	shalt  }
0x71: {  	_ =	shalt  }
0x72: {  	_ =	shalt  }
0x73: {  	_ =	shalt  }
0x74: {  	_ =	shalt  }
0x75: {  	_ =	shalt  }
0x76: {  	_ =	shalt  }
0x77: {  	_ =	shalt  }
0x78: {  	_ =	shalt  }
0x79: {  	_ =	shalt  }
0x7a: {  	_ =	shalt  }
0x7b: {  	_ =	shalt  }
0x7c: {  	_ =	shalt  }
0x7d: {  	_ =	shalt  }
0x7e: {  	_ =	shalt  }
0x7f: {  	_ =	shalt  }
0x80: {  	_ =	shalt  }
0x81: {  	_ =	shalt  }
0x82: {  	_ =	shalt  }
0x83: {  	_ =	shalt  }
0x84: {  	_ =	shalt  }
0x85: {  	_ =	shalt  }
0x86: {  	_ =	shalt  }
0x87: {  	_ =	shalt  }
.Lfunc_end0:
.L_simem_size_0:
called_computation_lowered:
.L_overlay_start_0:
0x88: {  	s2 =	sld [smem:$0x3FD9]  }
0x89: {  	s3 =	sld [smem:$0x3FFE];
	_ =	sdelay $0x1  }
0x8a: {  	s1 =	srdreg.scid  }
0x8b: {  	s0 =	sand.u32 $0x1, s1  }
0x8c: {  	s16 =	sshll.u32 s0, $0xA;
	s2 =	sadd.s32 s3, s2  }
0x8d: {  	s2 =	sadd.s32 s2, s16  }
0x8e: {  	[smem:$0x3FC6] =	sst s2  }
0x8f: {  	_ = 	snop  }
0x90: {  	(tm) =	ssettm $0x1  }
0x91: {  	s17 =	sld [smem:$0x3FFB];
	_ =	sdelay $0x3  }
0x92: {  	_ =	strace s17  }
0x93: {  	s2 =	sld [smem:$0x3FFC];
	_ =	sdelay $0x3  }
0x94: {  	_ =	strace s2  }
0x95: {  	s2 =	sld [smem:$0x3FFD];
	_ =	sdelay $0x3  }
0x96: {  	_ =	strace s2  }
0x97: {  	_ =	strace $0x8FFFFFFF  }
0x98: {  	s18 =	sld [smem:$0x3FDB];
	_ =	sdelay $0x1  }
0x99: {  	s19 =	simm.s32 $_scs_section_size  }
0x9a: {  	s4 =	simm.s32 $_size__tile_overlayer_lowered;
	s5 =	simm.s32 $_tile_overlayer_lowered  }
0x9b: {  	s22 =	simm.s32 $0x1BFF;
	s21 =	sshll.u32 s5, $0x1;
	s2 =	sadd.s32 s19, s18  }
0x9c: {  	s6 =	simm.s32 $0x0;
	s20 =	sshll.u32 s4, $0x1;
	s4 =	sadd.s32 s21, s2  }
0x9d: {  	[timem:s6], [sflag:s22] =	dma.local [hbm:s4], s20  }
0x9e: {  	_ =	swait.ge [sflag:s22], s20  }
0x9f: {  	s3 =	ssub.s32 $0x0, s20;
	[sflag:s22] =	ssyncset.done $0x0  }
0xa0: {  	[sflag:s22] =	ssyncadd.s32 s3;
	_ =	sdelay $0x1  }
0xa1: {  	s23 =	simm.s32 $0x1B8B  }
0xa2: {  	_ =	swait.ge [sflag:s23], $0x1  }
0xa3: {  	[sflag:s23] =	ssyncset.done $0x0  }
0xa4: {  	s25 =	simm.s32 $0x1B8E;
	s24 =	sld [smem:$0x3FFE];
	[sflag:s23] =	ssyncadd.s32 $0xFFFFFFFF  }
0xa5: {  	s26 =	simm.s32 $execute0_lowered;
	[smem:$0x3FD2] =	sst s25  }
0xa6: {  	s4 =	sshll.u32 s26, $0x1;
	_ =	strace $0x80000046;
	[dreg:$0x1] =	wrdreg $0xFFFFFFFF  }
0xa7: {  	s28 =	simm.s32 $_size_execute0_lowered;
	s2 =	sadd.s32 s2, s4;
	[dreg:$0x0] =	wrdreg $0x0  }
0xa8: {  	s4 =	sshll.u32 s28, $0x1;
	[dreg:$0x2] =	wrdreg s2  }
0xa9: {  	[dreg:$0x3] =	wrdreg s4  }
0xaa: {  	[dreg:$0x4] =	wrdreg $0xC0  }
0xab: {  	_ =	task [dreg:s6], $0x5FFFF  }
0xac: {  	[dreg:$0x1] =	wrdreg $0xFFFFFFFF  }
0xad: {  	[dreg:$0x0] =	wrdreg $0x60  }
0xae: {  	[dreg:$0x2] =	wrdreg s24  }
0xaf: {  	[dreg:$0x3] =	wrdreg $0x1CC800  }
0xb0: {  	[dreg:$0x4] =	wrdreg $0x18C800  }
0xb1: {  	[dreg:$0x5] =	wrdreg $0x1AC800  }
0xb2: {  	[dreg:$0x6] =	wrdreg $0x9  }
0xb3: {  	_ =	task.clear_ibuf [dreg:s6], $0x7FFFF;
	_ =	strace $0x90000046  }
0xb4: {  	s29 =	simm.s32 $0x9;
	_ =	strace $0x8000004E  }
0xb5: {  	_ =	swait.ge [sflag:s29], $0x1  }
0xb6: {  	[sflag:s29] =	ssyncadd.s32 $0xFFFFFFFF  }
0xb7: {  	_ =	strace $0x9000004E  }
0xb8: {  	_ =	sfence  }
0xb9: {  	s30 =	sld [smem:$0x0];
	_ =	sdelay $0x2  }
0xba: {  	s31 =	sshll.u32 s1, $0xD;
	s1 =	sshrl.u32 s1, $0x2  }
0xbb: {  	s3 =	sand.u32 $0x4000, s31;
	s1 =	sadd.s32 s1, s30  }
0xbc: {  	s0 =	sor.u32 s3, s0;
	s1 =	sshll.u32 s1, $0x11  }
0xbd: {  	s0 =	sor.u32 s1, s0  }
0xbe: {  	s0 =	sadd.s32 $0x8F2B, s0  }
0xbf: {  	[sflag:s0] =	ssyncadd.remote.s32 $0x1  }
0xc0: {  	_ =	sfence.sel $0xFFFF  }
0xc1: {  	[dreg:$0x0] =	wrdreg $0xFFFFFFFF;
	(pc) =	sbr.abs _section_cstart, $3  }
0xc2: {  	[dreg:$0x1] =	wrdreg $0xFFFFFFFF  }
0xc3: {  	_ =	task.clear_ibuf [dreg:s6], $0x2FFFF;
	_ =	strace $0x9FFFFFFF  }
0xc4: {  	(tm) =	ssettm $0x7FFFFFFF  }
0xc5: {  	_ =	shalt  }
tec
execute0_lowered:
.L_overlay_start_1:
0x0: {  	(tag) =	ssettag $0x1  }
0x1: {  	s0 =	rddreg [dreg:$0x0]  }
0x2: {  	s7 =	rddreg [dreg:$0x1]  }
0x3: {  	s8 =	rddreg [dreg:$0x2]  }
0x4: {  	s21 =	rddreg [dreg:$0x3];
	s1 =	simm.s32 $0x0;
	s14 =	srdreg.scid  }
0x5: {  	s22 =	stileid.u32;
	s28 =	simm.s32 $0x18000;
	s29 =	simm.s32 $0x3  }
0x6: {  	s30 =	simm.s32 $0x1;
	s31 =	simm.s32 $0x8000;
	[smem:$0x7FF] =	sst s1  }
0x7: {  	s2 =	sadd.s32 $0x40800, s0;
	s1 =	sand.u32 $0x1, s14;
	s15 =	sadd.s32 $0x800, s0  }
0x8: {  	s16 =	sshll.u32 s22, $0x1;
	s4 =	sshll.u32 s22, $0xB;
	s6 =	sshll.u32 s22, $0x4  }
0x9: {  	s19 =	sshll.u32 s22, $0xD;
	s23 =	sshll.u32 s22, $0xC;
	s25 =	sshll.u32 s22, $0x7  }
0xa: {  	p0 =	seq.s32 s22, $0xF;
	p4 =	slt.u32 s22, $0x4;
	p5 =	slt.u32 s22, $0x3  }
0xb: {  	p6 =	slt.u32 s22, $0x2;
	_ =	strace $0x80000047;
	[dreg:$0x5] =	wrdreg s2  }
0xc: {  	[dreg:$0x6] =	wrdreg s15;
	s3 =	ssub.s32 $0x2, s1;
	s0 =	sadd.s32 s16, s0  }
0xd: {  	s5 =	sshll.u32 s1, $0x11;
	s4 =	sand.u32 $0x4000, s4;
	s1 =	sshll.u32 s1, $0x5  }
0xe: {  	s18 =	sand.u32 $0x70, s6;
	s9 =	sadd.s32 s19, s8;
	s0 =	sadd.s32 s1, s0  }
0xf: {  	s24 =	sor.u32 $0x10000, s23;
	s19 =	sadd.s32 s25, s7;
	s0 =	sadd.s32 $0x80800, s0  }
0x10: {  	s25 =	simm.s32 $0x400;
	[dreg:$0x8] =	wrdreg s0;
	s0 =	simm.s32 @!p0 $0x0  }
0x11: {  	s17 =	sshrl.u32 s3, $0x1;
	s0 =	simm.s32 @p0 $0x1;
	p0 =	slt.u32 s22, $0xE  }
0x12: {  	s4 =	sor.u32 s4, s5;
	[smem:$0x7F3] =	sst s0;
	s0 =	simm.s32 @!p0 $0x0  }
0x13: {  	s10 =	sadd.s32 $0x400, s9;
	s0 =	simm.s32 @p0 $0x1;
	p0 =	slt.u32 s22, $0xD  }
0x14: {  	s11 =	sadd.s32 $0x800, s9;
	[smem:$0x7F4] =	sst s0;
	s0 =	simm.s32 @!p0 $0x0  }
0x15: {  	s12 =	sadd.s32 $0xC00, s9;
	s0 =	simm.s32 @p0 $0x1;
	p0 =	slt.u32 s22, $0xC  }
0x16: {  	s13 =	sadd.s32 $0x1000, s9;
	[smem:$0x7F5] =	sst s0;
	s0 =	simm.s32 @!p0 $0x0  }
0x17: {  	s14 =	sadd.s32 $0x1400, s9;
	s0 =	simm.s32 @p0 $0x1;
	p0 =	slt.u32 s22, $0xB  }
0x18: {  	s15 =	sadd.s32 $0x1800, s9;
	[smem:$0x7F6] =	sst s0;
	s0 =	simm.s32 @!p0 $0x0  }
0x19: {  	s16 =	sadd.s32 $0x1C00, s9;
	s0 =	simm.s32 @p0 $0x1;
	p0 =	slt.u32 s22, $0xA  }
0x1a: {  	s1 =	simm.s32 $0x2;
	[smem:$0x7F7] =	sst s0;
	s0 =	simm.s32 @!p0 $0x0  }
0x1b: {  	s2 =	ssub.s32 s3, s17;
	s0 =	simm.s32 @p0 $0x1;
	p0 =	slt.u32 s22, $0x9  }
0x1c: {  	s20 =	sor.u32 s18, s4;
	[smem:$0x7F8] =	sst s0;
	s0 =	simm.s32 @!p0 $0x0  }
0x1d: {  	s17 =	sadd.s32 s24, s8;
	s0 =	simm.s32 @p0 $0x1;
	p0 =	slt.u32 s22, $0x8  }
0x1e: {  	s18 =	sadd.s32 s23, s8;
	[smem:$0x7F9] =	sst s0;
	s0 =	simm.s32 @!p0 $0x0  }
0x1f: {  	[dreg:$0x7] =	wrdreg s20;
	s0 =	simm.s32 @p0 $0x1;
	p0 =	slt.u32 s22, $0x7  }
0x20: {  	s3 =	simm.s32 $0x0;
	[smem:$0x7FA] =	sst s0;
	s0 =	simm.s32 @!p0 $0x0  }
0x21: {  	s20 =	sadd.s32 s23, s21;
	s0 =	simm.s32 @p0 $0x1;
	p0 =	slt.u32 s22, $0x6  }
0x22: {  	s21 =	sadd.s32 s24, s21;
	[smem:$0x7FB] =	sst s0;
	s0 =	simm.s32 @!p0 $0x0  }
0x23: {  	v2 =	vlaneseq.u32;
	s26 =	smax.u32 s2, $0x1;
	s0 =	simm.s32 @p0 $0x1;
	p0 =	slt.u32 s22, $0x5  }
0x24: {  	v0 =	vimm.f32 $0.0e+00;
	v1 =	vimm.f32 $1.000000000e+00;
	v2 =	vmul.u32 $0xFFFFFFFF, v2;
	s24 =	simm.s32 $0x80;
	[smem:$0x7FC] =	sst s0;
	s0 =	simm.s32 @!p0 $0x0  }
0x25: {  	vm0 =	vcmask $0x704;
	vm1 =	vcmask $0x3F04;
	vm2 =	vmmov $0x1;
	[dreg:$0x9] =	wrdreg s26;
	s26 =	simm.s32 $0x4000;
	s0 =	simm.s32 @p0 $0x1  }
0x26: {  	vm3 =	vcmask $0x308;
	v3 =	vimm.s32 $0x0;
	v2 =	vadd.s32 $0xF, v2;
	p0 =	seq.s32 s22, $0x0;
	[smem:$0x7FD] =	sst s0;
	s0 =	simm.s32 $0x2000  }
.LBB2_1:
0x27: {  	[dreg:$0xa] =	wrdreg s3;
	s2 =	simm.s32 $0x40;
	s3 =	simm.s32 $0x0  }
.LBB2_2:
0x28: {  	p1 =	sne.s32 s2, $0xFC0;
	[tilespmem:s3+$0x18000] =	vst v0;
	s3 =	smov.u32 s2;
	s2 =	sadd.s32 $0x40, s2  }
.Ltmp0:
0x29: {  	(pc) =	sbr.rel @p1 .LBB2_2-.Ltmp0, $2  }
0x2a: {  	_ =	sdelay $0x2  }
0x2b: {  	s3 =	sshra.s32 s3, $0x2  }
0x2c: {  	[tilespmem:s3+$0x18000] =	vst v0;
	s2 =	simm.s32 $0x0;
	s3 =	simm.s32 $0x0  }
.LBB2_4:
0x2d: {  	p1 =	sne.s32 s3, $0xFFC0  }
.Ltmp1:
0x2e: {  	_ = 	snop;
	(pc) =	sbr.rel @p1 .LBB2_4-.Ltmp1, $3  }
0x2f: {  	_ =	sdelay $0x1  }
0x30: {  	s4 =	sshra.s32 s3, $0x2  }
0x31: {  	s3 =	sadd.s32 $0x40, s3;
	[tilespmem:s4+$0x14000] =	vst v1  }
0x32: {  	v4 =	vimm.f32 $0.0e+00  }
.LBB2_6:
0x33: {  	s3 =	sshll.u32 s2, $0xF;
	s4 =	rddreg [dreg:$0x7];
	_ =	strace $0x80000048  }
0x34: {  	s3 =	sadd.s32 s4, s3;
	s22 =	rddreg [dreg:$0x5]  }
0x35: {  	s5 =	simm.s32 $0x0;
	s23 =	rddreg [dreg:$0x6];
	s4 =	sadd.s32 s22, s3  }
0x36: {  	[tilespmem:s5], [sflag:$0x1] =	stream.strided.gather [hbm4b:s4+s24], $0x4000, s25, s24, $0x200038;
	[tilespmem:$0x1CC90] =	vst v63  }
0x37: {  	s3 =	sadd.s32 s23, s3  }
0x38: {  	[tilespmem:s26], [sflag:$0x1] =	stream.strided.gather [hbm4b:s3+s24], $0x4000, s25, s24, $0x200038;
	[tilespmem:$0x1CC90] =	vst v63  }
0x39: {  	_ = 	snop  }
0x3a: {  	[spmem:s9] =	stream.linear.scatter [tilespmem:s28], [sflag:$0x3], $0x400, $0x200038;
	[tilespmem:$0x1CC90] =	vst v63  }
0x3b: {  	_ =	swait.ge [sflag:s29], $0x400  }
0x3c: {  	[sflag:s29] =	ssyncset.done $0x0  }
0x3d: {  	[sflag:s29] =	ssyncadd.s32 $0xFFFFFC00  }
0x3e: {  	[spmem:s10] =	stream.linear.scatter [tilespmem:s28], [sflag:$0x3], $0x400, $0x200038;
	[tilespmem:$0x1CC90] =	vst v63  }
0x3f: {  	_ =	swait.ge [sflag:s29], $0x400  }
0x40: {  	[sflag:s29] =	ssyncset.done $0x0  }
0x41: {  	[sflag:s29] =	ssyncadd.s32 $0xFFFFFC00  }
0x42: {  	[spmem:s11] =	stream.linear.scatter [tilespmem:s28], [sflag:$0x3], $0x400, $0x200038;
	[tilespmem:$0x1CC90] =	vst v63  }
0x43: {  	_ =	swait.ge [sflag:s29], $0x400  }
0x44: {  	[sflag:s29] =	ssyncset.done $0x0  }
0x45: {  	[sflag:s29] =	ssyncadd.s32 $0xFFFFFC00  }
0x46: {  	[spmem:s12] =	stream.linear.scatter [tilespmem:s28], [sflag:$0x3], $0x400, $0x200038;
	[tilespmem:$0x1CC90] =	vst v63  }
0x47: {  	_ =	swait.ge [sflag:s29], $0x400  }
0x48: {  	[sflag:s29] =	ssyncset.done $0x0  }
0x49: {  	[sflag:s29] =	ssyncadd.s32 $0xFFFFFC00  }
0x4a: {  	[spmem:s13] =	stream.linear.scatter [tilespmem:s28], [sflag:$0x3], $0x400, $0x200038;
	[tilespmem:$0x1CC90] =	vst v63  }
0x4b: {  	_ =	swait.ge [sflag:s29], $0x400  }
0x4c: {  	[sflag:s29] =	ssyncset.done $0x0  }
0x4d: {  	[sflag:s29] =	ssyncadd.s32 $0xFFFFFC00  }
0x4e: {  	[spmem:s14] =	stream.linear.scatter [tilespmem:s28], [sflag:$0x3], $0x400, $0x200038;
	[tilespmem:$0x1CC90] =	vst v63  }
0x4f: {  	_ =	swait.ge [sflag:s29], $0x400  }
0x50: {  	[sflag:s29] =	ssyncset.done $0x0  }
0x51: {  	[sflag:s29] =	ssyncadd.s32 $0xFFFFFC00  }
0x52: {  	[spmem:s15] =	stream.linear.scatter [tilespmem:s28], [sflag:$0x3], $0x400, $0x200038;
	[tilespmem:$0x1CC90] =	vst v63  }
0x53: {  	_ =	swait.ge [sflag:s29], $0x400  }
0x54: {  	[sflag:s29] =	ssyncset.done $0x0  }
0x55: {  	[sflag:s29] =	ssyncadd.s32 $0xFFFFFC00  }
0x56: {  	[spmem:s16] =	stream.linear.scatter [tilespmem:s28], [sflag:$0x3], $0x400, $0x200038;
	[tilespmem:$0x1CC90] =	vst v63  }
0x57: {  	_ =	swait.ge [sflag:s29], $0x400  }
0x58: {  	[sflag:s29] =	ssyncset.done $0x0  }
0x59: {  	[sflag:s29] =	ssyncadd.s32 $0xFFFFFC00  }
0x5a: {  	_ =	swait.ge [sflag:s30], $0x4000  }
0x5b: {  	[sflag:s30] =	ssyncset.done $0x0  }
0x5c: {  	[sflag:s30] =	ssyncadd.s32 $0xFFFFC000  }
0x5d: {  	_ =	swait.ge [sflag:s30], $0x4000  }
0x5e: {  	[sflag:s30] =	ssyncset.done $0x0  }
0x5f: {  	[sflag:s30] =	ssyncadd.s32 $0xFFFFC000  }
0x60: {  	[bflag:$0x0] =	sbarrier.arrive $0xFFFF  }
0x61: {  	_ =	strace $0x90000048  }
0x62: {  	s5 =	simm.s32 $0x0;
	_ =	strace $0x80000049  }
0x63: {  	v5 =	vld [tilespmem:s5+$0x4000]  }
0x64: {  	v6 =	vld [tilespmem:s5+$0x4010]  }
0x65: {  	v7 =	vld [tilespmem:s5+$0x4020]  }
0x66: {  	v9 =	vld [tilespmem:s5+$0x4040]  }
0x67: {  	v11 =	vld [tilespmem:s5+$0x4050]  }
0x68: {  	v13 =	vld [tilespmem:s5+$0x4060]  }
0x69: {  	v15 =	vld [tilespmem:s5+$0x4070]  }
0x6a: {  	v10 =	vtrunc.f32 v5;
	v12 =	vtrunc.f32 v6  }
0x6b: {  	v14 =	vtrunc.f32 v7;
	v5 =	vadd.f32 v5, v5;
	v6 =	vadd.f32 v6, v6  }
0x6c: {  	v8 =	vld [tilespmem:s5+$0x4030];
	v19 =	vtrunc.f32 v9;
	v7 =	vadd.f32 v7, v7;
	v21 =	vtrunc.f32 v11  }
0x6d: {  	v16 =	vld [tilespmem:s5+$0x0];
	v9 =	vadd.f32 v9, v9;
	v23 =	vtrunc.f32 v13;
	v11 =	vadd.f32 v11, v11  }
0x6e: {  	v17 =	vld [tilespmem:s5+$0x10];
	v25 =	vtrunc.f32 v15;
	v13 =	vadd.f32 v13, v13;
	v15 =	vadd.f32 v15, v15  }
0x6f: {  	v24 =	vld [tilespmem:s5+$0x40];
	v10 =	vcvt.f32.s32 v10;
	v5 =	vadd.f32 $-1.000000000e+00, v5;
	v6 =	vadd.f32 $-1.000000000e+00, v6  }
0x70: {  	v20 =	vld [tilespmem:s5+$0x20];
	v12 =	vcvt.f32.s32 v12;
	v7 =	vadd.f32 $-1.000000000e+00, v7;
	v9 =	vadd.f32 $-1.000000000e+00, v9  }
0x71: {  	v19 =	vcvt.f32.s32 v19;
	v11 =	vadd.f32 $-1.000000000e+00, v11;
	v13 =	vadd.f32 $-1.000000000e+00, v13  }
0x72: {  	v22 =	vld [tilespmem:s5+$0x30];
	v15 =	vadd.f32 $-1.000000000e+00, v15;
	v18 =	vshll.u32 v10, $0x10;
	v10 =	vcvt.f32.s32 v14  }
0x73: {  	v14 =	vtrunc.f32 v8;
	v8 =	vadd.f32 v8, v8;
	v5 =	vmul.f32 v5, v16  }
0x74: {  	v62 =	vshll.u32 v12, $0x10;
	v6 =	vmul.f32 v6, v17;
	v9 =	vmul.f32 v9, v24  }
0x75: {  	v16 =	vld [tilespmem:s5+$0x50];
	v7 =	vmul.f32 v7, v20;
	v59 =	vcvt.f32.s32 v14;
	v8 =	vadd.f32 $-1.000000000e+00, v8  }
0x76: {  	v17 =	vld [tilespmem:s5+$0x60];
	v63 =	vshll.u32 v10, $0x10;
	v5 =	vsub.f32 $1.000000000e+00, v5;
	v9 =	vsub.f32 $1.000000000e+00, v9  }
0x77: {  	v20 =	vld [tilespmem:s5+$0x70];
	v6 =	vsub.f32 $1.000000000e+00, v6;
	v7 =	vsub.f32 $1.000000000e+00, v7;
	v8 =	vmul.f32 v8, v22  }
0x78: {  	v54 =	vand.u32 $0x7FFFFFFF, v9;
	vm4 =	vlt.s32 v5, $0x0;
	v29 =	vxor.u32 $0xFFFFFFFF, v5  }
0x79: {  	vm5 =	vlt.s32 v6, $0x0;
	v30 =	vxor.u32 $0xFFFFFFFF, v6;
	vm6 =	vlt.s32 v7, $0x0  }
0x7a: {  	v55 =	vxor.u32 $0xFFFFFFFF, v7;
	v57 =	vxor.u32 $0xFFFFFFFF, v9;
	v8 =	vsub.f32 $1.000000000e+00, v8  }
0x7b: {  	v11 =	vmul.f32 v11, v16;
	v16 =	vand.u32 $0x7FFFFFFF, v5;
	v13 =	vmul.f32 v13, v17  }
0x7c: {  	v17 =	vand.u32 $0x7FFFFFFF, v6;
	v15 =	vmul.f32 v15, v20;
	v20 =	vand.u32 $0x7FFFFFFF, v7  }
0x7d: {  	v24 =	vxor.u32 $0x80000000, v54;
	v16 =	vxor.u32 $0x80000000, v16;
	v17 =	vxor.u32 $0x80000000, v17  }
0x7e: {  	v20 =	vxor.u32 $0x80000000, v20;
	v11 =	vsub.f32 $1.000000000e+00, v11;
	v22 =	vand.u32 $0x7FFFFFFF, v8  }
0x7f: {  	v13 =	vsub.f32 $1.000000000e+00, v13;
	v15 =	vsub.f32 $1.000000000e+00, v15;
	v16 =	vsel vm4, v29, v16  }
0x80: {  	vm4 =	vlt.s32 v8, $0x0;
	v17 =	vsel vm5, v30, v17;
	v56 =	vxor.u32 $0xFFFFFFFF, v8  }
0x81: {  	[tilespmem:s5+$0x10] =	vst v6;
	vm5 =	vlt.s32 v9, $0x0;
	v20 =	vsel vm6, v55, v20;
	v22 =	vxor.u32 $0x80000000, v22  }
0x82: {  	[tilespmem:s5+$0x30] =	vst v8;
	v6 =	vsel vm5, v57, v24;
	v8 =	vshrl.u32 v16, $0x1;
	v16 =	vcvt.f32.s32 v21  }
0x83: {  	[tilespmem:s5+$0x40] =	vst v9;
	v21 =	vcvt.f32.s32 v23;
	v9 =	vshrl.u32 v17, $0x1;
	v26 =	vand.u32 $0x7FFFFFFF, v11  }
0x84: {  	v27 =	vand.u32 $0x7FFFFFFF, v13;
	v28 =	vand.u32 $0x7FFFFFFF, v15;
	vm15 =	vlt.s32 v11, $0x0  }
0x85: {  	[tilespmem:s5+$0x0] =	vst v5;
	v5 =	vsel vm4, v56, v22;
	v22 =	vxor.u32 $0xFFFFFFFF, v11;
	vm4 =	vlt.s32 v13, $0x0  }
0x86: {  	[tilespmem:s5+$0x20] =	vst v7;
	v58 =	vxor.u32 $0xFFFFFFFF, v13;
	vm5 =	vlt.s32 v15, $0x0;
	v7 =	vxor.u32 $0xFFFFFFFF, v15  }
0x87: {  	[tilespmem:s5+$0x50] =	vst v11;
	v11 =	vshrl.u32 v20, $0x1;
	v20 =	vcvt.f32.s32 v25;
	v6 =	vshrl.u32 v6, $0x1  }
0x88: {  	v23 =	vshrl.u32 v9, $0xF;
	v26 =	vxor.u32 $0x80000000, v26;
	v27 =	vxor.u32 $0x80000000, v27  }
0x89: {  	v28 =	vxor.u32 $0x80000000, v28;
	v5 =	vshrl.u32 v5, $0x1;
	v60 =	vshrl.u32 v11, $0xF  }
0x8a: {  	[tilespmem:s5+$0x70] =	vst v15;
	v15 =	vshrl.u32 v6, $0xF;
	v16 =	vshll.u32 v16, $0x10;
	v6 =	vshll.u32 v21, $0x10  }
0x8b: {  	s4 =	simm.s32 $0x80;
	[tilespmem:s5+$0x60] =	vst v13;
	v22 =	vsel vm15, v22, v26;
	v24 =	vsel vm4, v58, v27;
	v7 =	vsel vm5, v7, v28  }
0x8c: {  	v61 =	vshrl.u32 v5, $0xF;
	v13 =	vshrl.u32 v22, $0x1;
	v22 =	vshrl.u32 v8, $0xF;
	v8 =	vld [tilespmem:s4+$0x4000]  }
0x8d: {  	v9 =	vld [tilespmem:s4+$0x4010];
	v26 =	vshll.u32 v59, $0x10;
	v5 =	vshll.u32 v20, $0x10;
	v20 =	vor.u32 v23, v62  }
0x8e: {  	v10 =	vld [tilespmem:s4+$0x4020];
	v17 =	vshrl.u32 v24, $0x1;
	v7 =	vshrl.u32 v7, $0x1;
	v14 =	vshrl.u32 v13, $0xF  }
0x8f: {  	v12 =	vld [tilespmem:s4+$0x4030];
	v13 =	vshrl.u32 v17, $0xF;
	v7 =	vshrl.u32 v7, $0xF;
	v18 =	vor.u32 v22, v18  }
0x90: {  	s3 =	simm.s32 $0x400;
	v11 =	vld [tilespmem:s4+$0x4040];
	v17 =	vshll.u32 v19, $0x10;
	v19 =	vor.u32 v60, v63;
	[tilespmem:s5+$0x8000] =	vst v18;
	v18 =	vor.u32 v61, v26  }
.LBB2_7:
0x91: {  	p1 =	sne.s32 s3, $0xFE00;
	v21 =	vtrunc.f32 v8;
	v22 =	vld [tilespmem:s4+$0x4050];
	[tilespmem:s5+$0x8010] =	vst v20;
	v15 =	vor.u32 v15, v17;
	v14 =	vor.u32 v14, v16  }
0x92: {  	v13 =	vor.u32 v13, v6;
	v16 =	vcvt.f32.s32 v21;
	v17 =	vtrunc.f32 v9;
	v20 =	vld [tilespmem:s4+$0x4060];
	[tilespmem:s5+$0x8020] =	vst v19  }
0x93: {  	v6 =	vcvt.f32.s32 v17;
	v17 =	vtrunc.f32 v10;
	v19 =	vld [tilespmem:s4+$0x4070];
	[tilespmem:s5+$0x8030] =	vst v18;
	v18 =	vor.u32 v7, v5  }
0x94: {  	v21 =	vld [tilespmem:s4+$0x0];
	v5 =	vshll.u32 v16, $0x10;
	v7 =	vcvt.f32.s32 v17;
	v16 =	vtrunc.f32 v12;
	[tilespmem:s5+$0x8040] =	vst v15  }
0x95: {  	v8 =	vadd.f32 v8, v8;
	v9 =	vadd.f32 v9, v9;
	v15 =	vld [tilespmem:s4+$0x10];
	v17 =	vtrunc.f32 v11;
	[tilespmem:s5+$0x8050] =	vst v14  }
0x96: {  	v10 =	vadd.f32 v10, v10;
	v12 =	vadd.f32 v12, v12;
	v14 =	vld [tilespmem:s4+$0x20];
	v23 =	vtrunc.f32 v22;
	[tilespmem:s5+$0x8060] =	vst v13  }
0x97: {  	v8 =	vadd.f32 $-1.000000000e+00, v8;
	v11 =	vadd.f32 v11, v11;
	v13 =	vld [tilespmem:s4+$0x30];
	v24 =	vtrunc.f32 v20;
	[tilespmem:s5+$0x8070] =	vst v18;
	s5 =	smov.u32 s4  }
0x98: {  	v9 =	vadd.f32 $-1.000000000e+00, v9;
	v22 =	vadd.f32 v22, v22;
	v18 =	vld [tilespmem:s5+$0x40];
	v25 =	vtrunc.f32 v19  }
0x99: {  	v10 =	vadd.f32 $-1.000000000e+00, v10;
	v20 =	vadd.f32 v20, v20;
	v8 =	vmul.f32 v8, v21;
	v21 =	vld [tilespmem:s5+$0x50]  }
0x9a: {  	v12 =	vadd.f32 $-1.000000000e+00, v12;
	v19 =	vadd.f32 v19, v19;
	v9 =	vmul.f32 v9, v15;
	v15 =	vld [tilespmem:s5+$0x60]  }
0x9b: {  	v11 =	vadd.f32 $-1.000000000e+00, v11;
	v8 =	vsub.f32 $1.000000000e+00, v8;
	v10 =	vmul.f32 v10, v14;
	v14 =	vld [tilespmem:s5+$0x70]  }
0x9c: {  	v9 =	vsub.f32 $1.000000000e+00, v9;
	v12 =	vmul.f32 v12, v13;
	v13 =	vadd.f32 $-1.000000000e+00, v22  }
0x9d: {  	[tilespmem:s5+$0x0] =	vst v8;
	v10 =	vsub.f32 $1.000000000e+00, v10;
	v11 =	vmul.f32 v11, v18;
	v18 =	vadd.f32 $-1.000000000e+00, v20  }
0x9e: {  	v19 =	vadd.f32 $-1.000000000e+00, v19;
	[tilespmem:s5+$0x10] =	vst v9;
	v12 =	vsub.f32 $1.000000000e+00, v12;
	v13 =	vmul.f32 v13, v21  }
0x9f: {  	v20 =	vand.u32 $0x7FFFFFFF, v8;
	[tilespmem:s5+$0x20] =	vst v10;
	v11 =	vsub.f32 $1.000000000e+00, v11;
	v15 =	vmul.f32 v18, v15  }
0xa0: {  	v18 =	vand.u32 $0x7FFFFFFF, v9;
	[tilespmem:s5+$0x30] =	vst v12;
	v13 =	vsub.f32 $1.000000000e+00, v13;
	v14 =	vmul.f32 v19, v14  }
0xa1: {  	v19 =	vand.u32 $0x7FFFFFFF, v10;
	v21 =	vand.u32 $0x7FFFFFFF, v12;
	[tilespmem:s5+$0x40] =	vst v11;
	v15 =	vsub.f32 $1.000000000e+00, v15  }
0xa2: {  	v22 =	vand.u32 $0x7FFFFFFF, v11;
	[tilespmem:s5+$0x50] =	vst v13;
	v26 =	vand.u32 $0x7FFFFFFF, v13;
	v14 =	vsub.f32 $1.000000000e+00, v14  }
0xa3: {  	v20 =	vxor.u32 $0x80000000, v20;
	v18 =	vxor.u32 $0x80000000, v18;
	[tilespmem:s5+$0x60] =	vst v15;
	v27 =	vand.u32 $0x7FFFFFFF, v15  }
0xa4: {  	v19 =	vxor.u32 $0x80000000, v19;
	v21 =	vxor.u32 $0x80000000, v21;
	[tilespmem:s5+$0x70] =	vst v14;
	v28 =	vand.u32 $0x7FFFFFFF, v14  }
0xa5: {  	v22 =	vxor.u32 $0x80000000, v22;
	v26 =	vxor.u32 $0x80000000, v26;
	v27 =	vxor.u32 $0x80000000, v27  }
0xa6: {  	vm4 =	vlt.s32 v8, $0x0;
	v8 =	vxor.u32 $0xFFFFFFFF, v8;
	v28 =	vxor.u32 $0x80000000, v28  }
0xa7: {  	vm5 =	vlt.s32 v9, $0x0;
	v9 =	vxor.u32 $0xFFFFFFFF, v9;
	vm6 =	vlt.s32 v10, $0x0  }
0xa8: {  	v10 =	vxor.u32 $0xFFFFFFFF, v10;
	vm7 =	vlt.s32 v12, $0x0;
	v12 =	vxor.u32 $0xFFFFFFFF, v12  }
0xa9: {  	vm8 =	vlt.s32 v11, $0x0;
	v11 =	vxor.u32 $0xFFFFFFFF, v11;
	vm9 =	vlt.s32 v13, $0x0  }
0xaa: {  	v13 =	vxor.u32 $0xFFFFFFFF, v13;
	vm10 =	vlt.s32 v15, $0x0;
	v15 =	vxor.u32 $0xFFFFFFFF, v15  }
0xab: {  	v8 =	vsel vm4, v8, v20;
	vm4 =	vlt.s32 v14, $0x0;
	v14 =	vxor.u32 $0xFFFFFFFF, v14  }
0xac: {  	v9 =	vsel vm5, v9, v18;
	v10 =	vsel vm6, v10, v19;
	v12 =	vsel vm7, v12, v21  }
0xad: {  	v11 =	vsel vm8, v11, v22;
	v13 =	vsel vm9, v13, v26;
	v15 =	vsel vm10, v15, v27  }
0xae: {  	v16 =	vcvt.f32.s32 v16;
	v17 =	vcvt.f32.s32 v17;
	v14 =	vsel vm4, v14, v28  }
0xaf: {  	v8 =	vshrl.u32 v8, $0x1;
	v18 =	vcvt.f32.s32 v23;
	v19 =	vcvt.f32.s32 v24  }
0xb0: {  	v20 =	vcvt.f32.s32 v25;
	v9 =	vshrl.u32 v9, $0x1;
	v10 =	vshrl.u32 v10, $0x1  }
0xb1: {  	v12 =	vshrl.u32 v12, $0x1;
	v11 =	vshrl.u32 v11, $0x1;
	v13 =	vshrl.u32 v13, $0x1  }
0xb2: {  	v21 =	vshrl.u32 v8, $0xF;
	v22 =	vshrl.u32 v15, $0x1;
	v23 =	vshrl.u32 v14, $0x1  }
0xb3: {  	s4 =	sshra.s32 s3, $0x2;
	v24 =	vshrl.u32 v9, $0xF;
	v25 =	vshrl.u32 v10, $0xF;
	v26 =	vshrl.u32 v12, $0xF  }
.Ltmp2:
0xb4: {  	v15 =	vshrl.u32 v11, $0xF;
	v14 =	vshrl.u32 v13, $0xF;
	v13 =	vshrl.u32 v22, $0xF;
	v8 =	vld [tilespmem:s4+$0x4000];
	(pc) =	sbr.rel @p1 .LBB2_7-.Ltmp2, $4  }
0xb5: {  	v27 =	vshll.u32 v7, $0x10;
	v22 =	vshll.u32 v6, $0x10;
	v7 =	vshrl.u32 v23, $0xF;
	v9 =	vld [tilespmem:s4+$0x4010]  }
0xb6: {  	v17 =	vshll.u32 v17, $0x10;
	v23 =	vshll.u32 v16, $0x10;
	v16 =	vshll.u32 v18, $0x10;
	v10 =	vld [tilespmem:s4+$0x4020]  }
0xb7: {  	v6 =	vshll.u32 v19, $0x10;
	v18 =	vor.u32 v21, v5;
	v5 =	vshll.u32 v20, $0x10;
	v12 =	vld [tilespmem:s4+$0x4030]  }
0xb8: {  	s3 =	sadd.s32 $0x200, s3;
	v19 =	vor.u32 v25, v27;
	v20 =	vor.u32 v24, v22;
	v11 =	vld [tilespmem:s4+$0x4040];
	[tilespmem:s5+$0x8000] =	vst v18;
	v18 =	vor.u32 v26, v23  }
0xb9: {  	v15 =	vor.u32 v15, v17;
	v33 =	vtrunc.f32 v8;
	v14 =	vor.u32 v14, v16  }
0xba: {  	v21 =	vld [tilespmem:s4+$0x4050];
	[tilespmem:s5+$0x8010] =	vst v20;
	v6 =	vor.u32 v13, v6;
	v5 =	vor.u32 v7, v5;
	v8 =	vadd.f32 v8, v8  }
0xbb: {  	v20 =	vld [tilespmem:s4+$0x4060];
	[tilespmem:s5+$0x8020] =	vst v19;
	v34 =	vcvt.f32.s32 v33;
	v35 =	vtrunc.f32 v9;
	v9 =	vadd.f32 v9, v9  }
0xbc: {  	v19 =	vld [tilespmem:s4+$0x4070];
	[tilespmem:s5+$0x8030] =	vst v18;
	v16 =	vcvt.f32.s32 v35;
	v37 =	vtrunc.f32 v10;
	v8 =	vadd.f32 $-1.000000000e+00, v8  }
0xbd: {  	v32 =	vld [tilespmem:s4+$0x0];
	[tilespmem:s5+$0x8040] =	vst v15;
	v7 =	vshll.u32 v34, $0x10;
	v38 =	vcvt.f32.s32 v37;
	v39 =	vtrunc.f32 v12  }
0xbe: {  	v36 =	vld [tilespmem:s4+$0x10];
	[tilespmem:s5+$0x8050] =	vst v14;
	v22 =	vtrunc.f32 v11;
	v11 =	vadd.f32 v11, v11;
	v16 =	vshll.u32 v16, $0x10  }
0xbf: {  	v40 =	vld [tilespmem:s4+$0x20];
	[tilespmem:s5+$0x8060] =	vst v6;
	v6 =	vadd.f32 v10, v10;
	v10 =	vadd.f32 v12, v12;
	v41 =	vtrunc.f32 v21  }
0xc0: {  	v21 =	vadd.f32 v21, v21;
	v56 =	vcvt.f32.s32 v22;
	v63 =	vshll.u32 v38, $0x10  }
0xc1: {  	v23 =	vld [tilespmem:s4+$0x30];
	v24 =	vtrunc.f32 v20;
	[tilespmem:s5+$0x8070] =	vst v5;
	v5 =	vadd.f32 $-1.000000000e+00, v9;
	v20 =	vadd.f32 v20, v20  }
0xc2: {  	v11 =	vadd.f32 $-1.000000000e+00, v11;
	v12 =	vcvt.f32.s32 v41;
	v9 =	vld [tilespmem:s4+$0x40];
	v6 =	vadd.f32 $-1.000000000e+00, v6  }
0xc3: {  	v25 =	vtrunc.f32 v19;
	v42 =	vld [tilespmem:s4+$0x50];
	v10 =	vadd.f32 $-1.000000000e+00, v10;
	v19 =	vadd.f32 v19, v19  }
0xc4: {  	v44 =	vld [tilespmem:s4+$0x70];
	v21 =	vadd.f32 $-1.000000000e+00, v21;
	v8 =	vmul.f32 v8, v32;
	v5 =	vmul.f32 v5, v36  }
0xc5: {  	v58 =	vcvt.f32.s32 v24;
	v19 =	vadd.f32 $-1.000000000e+00, v19;
	v6 =	vmul.f32 v6, v40  }
0xc6: {  	v60 =	vcvt.f32.s32 v25;
	v8 =	vsub.f32 $1.000000000e+00, v8;
	v5 =	vsub.f32 $1.000000000e+00, v5  }
0xc7: {  	v43 =	vld [tilespmem:s4+$0x60];
	v10 =	vmul.f32 v10, v23;
	v6 =	vsub.f32 $1.000000000e+00, v6;
	v9 =	vmul.f32 v11, v9  }
0xc8: {  	v11 =	vadd.f32 $-1.000000000e+00, v20;
	v17 =	vmul.f32 v21, v42;
	v45 =	vand.u32 $0x7FFFFFFF, v8  }
0xc9: {  	v18 =	vmul.f32 v19, v44;
	vm4 =	vlt.s32 v8, $0x0;
	v29 =	vxor.u32 $0xFFFFFFFF, v8  }
0xca: {  	v10 =	vsub.f32 $1.000000000e+00, v10;
	v46 =	vand.u32 $0x7FFFFFFF, v5;
	v20 =	vxor.u32 $0x80000000, v45  }
0xcb: {  	vm5 =	vlt.s32 v5, $0x0;
	v30 =	vxor.u32 $0xFFFFFFFF, v5;
	v9 =	vsub.f32 $1.000000000e+00, v9  }
0xcc: {  	v11 =	vmul.f32 v11, v43;
	v17 =	vsub.f32 $1.000000000e+00, v17;
	v47 =	vand.u32 $0x7FFFFFFF, v6  }
0xcd: {  	v18 =	vsub.f32 $1.000000000e+00, v18;
	v13 =	vxor.u32 $0x80000000, v46;
	vm6 =	vlt.s32 v6, $0x0  }
0xce: {  	v20 =	vsel vm4, v29, v20;
	v50 =	vxor.u32 $0xFFFFFFFF, v6;
	[tilespmem:s4+$0x20] =	vst v6;
	v6 =	vcvt.f32.s32 v39  }
0xcf: {  	v48 =	vand.u32 $0x7FFFFFFF, v10;
	v19 =	vxor.u32 $0x80000000, v47;
	vm4 =	vlt.s32 v10, $0x0  }
0xd0: {  	v13 =	vsel vm5, v30, v13;
	v51 =	vxor.u32 $0xFFFFFFFF, v10;
	[tilespmem:s4+$0x30] =	vst v10;
	v10 =	vshrl.u32 v20, $0x1  }
0xd1: {  	v11 =	vsub.f32 $1.000000000e+00, v11;
	v49 =	vand.u32 $0x7FFFFFFF, v9;
	v26 =	vand.u32 $0x7FFFFFFF, v17  }
0xd2: {  	v21 =	vxor.u32 $0x80000000, v48;
	v28 =	vand.u32 $0x7FFFFFFF, v18;
	vm5 =	vlt.s32 v9, $0x0  }
0xd3: {  	v19 =	vsel vm6, v50, v19;
	v52 =	vxor.u32 $0xFFFFFFFF, v9;
	vm15 =	vlt.s32 v17, $0x0  }
0xd4: {  	v53 =	vxor.u32 $0xFFFFFFFF, v17;
	v55 =	vxor.u32 $0xFFFFFFFF, v18;
	[tilespmem:s4+$0x40] =	vst v9;
	v9 =	vshrl.u32 v13, $0x1  }
0xd5: {  	v10 =	vshrl.u32 v10, $0xF;
	v6 =	vshll.u32 v6, $0x10;
	v23 =	vxor.u32 $0x80000000, v49  }
0xd6: {  	v26 =	vxor.u32 $0x80000000, v26;
	v28 =	vxor.u32 $0x80000000, v28;
	v21 =	vsel vm4, v51, v21  }
0xd7: {  	[tilespmem:s4+$0x0] =	vst v8;
	v59 =	vshrl.u32 v19, $0x1;
	v9 =	vshrl.u32 v9, $0xF;
	v7 =	vor.u32 v10, v7  }
0xd8: {  	[tilespmem:s4+$0x10] =	vst v5;
	v27 =	vand.u32 $0x7FFFFFFF, v11;
	vm4 =	vlt.s32 v11, $0x0;
	v8 =	vsel vm5, v52, v23  }
0xd9: {  	[tilespmem:s4+$0x50] =	vst v17;
	v54 =	vxor.u32 $0xFFFFFFFF, v11;
	vm5 =	vlt.s32 v18, $0x0;
	v5 =	vsel vm15, v53, v26  }
0xda: {  	v61 =	vshrl.u32 v21, $0x1;
	v10 =	vshrl.u32 v59, $0xF;
	[tilespmem:s4+$0x8000] =	vst v7;
	v7 =	vor.u32 v9, v16  }
0xdb: {  	[tilespmem:s4+$0x70] =	vst v18;
	v27 =	vxor.u32 $0x80000000, v27;
	v57 =	vsel vm5, v55, v28;
	v8 =	vshrl.u32 v8, $0x1  }
0xdc: {  	[tilespmem:s4+$0x60] =	vst v11;
	v5 =	vshrl.u32 v5, $0x1;
	v9 =	vshrl.u32 v61, $0xF;
	v10 =	vor.u32 v10, v63  }
0xdd: {  	[tilespmem:s4+$0x8010] =	vst v7;
	v23 =	vsel vm4, v54, v27;
	v62 =	vshrl.u32 v57, $0x1;
	v7 =	vshrl.u32 v8, $0xF  }
0xde: {  	v8 =	vshll.u32 v56, $0x10;
	v6 =	vor.u32 v9, v6;
	[tilespmem:s4+$0x8020] =	vst v10;
	v5 =	vshrl.u32 v5, $0xF  }
0xdf: {  	v9 =	vshll.u32 v12, $0x10;
	v11 =	vshrl.u32 v23, $0x1;
	v7 =	vor.u32 v7, v8;
	[tilespmem:s4+$0x8030] =	vst v6  }
0xe0: {  	v8 =	vshll.u32 v58, $0x10;
	v5 =	vor.u32 v5, v9;
	v6 =	vshrl.u32 v11, $0xF;
	[tilespmem:s4+$0x8040] =	vst v7  }
0xe1: {  	v9 =	vshll.u32 v60, $0x10;
	v7 =	vshrl.u32 v62, $0xF;
	[tilespmem:s4+$0x8050] =	vst v5;
	v6 =	vor.u32 v6, v8  }
0xe2: {  	v5 =	vor.u32 v7, v9;
	[tilespmem:s4+$0x8060] =	vst v6  }
0xe3: {  	[tilespmem:s4+$0x8070] =	vst v5  }
0xe4: {  	_ =	strace $0x90000049  }
0xe5: {  	_ =	strace $0x8000004A  }
0xe6: {  	s7 =	simm.s32 $0x14000;
	s3 =	rddreg [dreg:$0x2]  }
0xe7: {  	[spmem:s3] =	stream.indirect.scatter.add.f32 [tilespmem:s7], [sflag:$0x3], $0x1, s31, s26, $0x2000b8;
	[tilespmem:$0x1CC90] =	vst v63  }
0xe8: {  	_ =	swait.ge [sflag:s29], $0x4000  }
0xe9: {  	[sflag:s29] =	ssyncset.done $0x0  }
0xea: {  	[sflag:s29] =	ssyncadd.s32 $0xFFFFC000  }
0xeb: {  	[bflag:$0x0] =	sbarrier.arrive $0xFFFF  }
0xec: {  	_ =	strace $0x9000004A  }
0xed: {  	s8 =	simm.s32 $0xC000;
	_ =	strace $0x8000004B  }
0xee: {  	[tilespmem:s8], [sflag:$0x3] =	stream.linear.gather [spmem:s17], $0x1000, $0x200038;
	[tilespmem:$0x1CC90] =	vst v63  }
0xef: {  	_ =	swait.ge [sflag:s29], $0x1000  }
0xf0: {  	[sflag:s29] =	ssyncset.done $0x0  }
0xf1: {  	s22 =	simm.s32 $0xD000;
	[sflag:s29] =	ssyncadd.s32 $0xFFFFF000  }
0xf2: {  	[tilespmem:s22], [sflag:$0x3] =	stream.linear.gather [spmem:s18], $0x1000, $0x200038;
	[tilespmem:$0x1CC90] =	vst v63  }
0xf3: {  	_ =	swait.ge [sflag:s29], $0x1000  }
0xf4: {  	[sflag:s29] =	ssyncset.done $0x0  }
0xf5: {  	s23 =	simm.s32 $0x0;
	[sflag:s29] =	ssyncadd.s32 $0xFFFFF000  }
0xf6: {  	v6 =	vld [tilespmem:s23+$0xD000]  }
0xf7: {  	v7 =	vimm.f32 $0.0e+00;
	v5 =	vimm.f32 $0.0e+00;
	s3 =	simm.s32 $0x40;
	v8 =	vld [tilespmem:s23+$0xC000]  }
.LBB2_9:
0xf8: {  	p1 =	sne.s32 s3, $0x3FC0  }
.Ltmp3:
0xf9: {  	_ = 	snop;
	(pc) =	sbr.rel @p1 .LBB2_9-.Ltmp3, $4  }
0xfa: {  	_ = 	snop  }
0xfb: {  	s4 =	sshra.s32 s3, $0x2;
	s3 =	sadd.s32 $0x40, s3;
	v5 =	vadd.f32 v6, v5  }
0xfc: {  	v6 =	vld [tilespmem:s4+$0xD000];
	v7 =	vadd.f32 v8, v7  }
0xfd: {  	v8 =	vld [tilespmem:s4+$0xC000]  }
0xfe: {  	_ =	sdelay $0x3  }
0xff: {  	v7 =	vadd.f32 v8, v7  }
0x100: {  	v5 =	vadd.f32 v6, v5  }
0x101: {  	(xrf2) =	vadd.scan.msk.f32 $0xffff, v7  }
0x102: {  	(xrf2) =	vadd.scan.msk.f32 $0xffff, v5;
	_ =	sdelay $0x8  }
0x103: {  	v5, _, _ =	vpop (xrf2)  }
0x104: {  	v6, _, _ =	vpop (xrf2)  }
0x105: {  	v6 =	vbroadcast v6, $0xF  }
0x106: {  	v5 =	vbroadcast v5, $0xF  }
0x107: {  	v6 =	vnsel vm0, $0x0, v6  }
0x108: {  	v5 =	vsel vm1, v6, v5  }
0x109: {  	s3 =	simm.s32 $0x18400;
	[tilespmem:$0x18400] =	vst v5  }
0x10a: {  	[spmem:s19] =	stream.linear.scatter [tilespmem:s3], [sflag:$0x3], $0x80, $0x200038;
	[tilespmem:$0x1CC90] =	vst v63  }
0x10b: {  	_ =	swait.ge [sflag:s29], $0x80  }
0x10c: {  	[sflag:s29] =	ssyncset.done $0x0  }
0x10d: {  	[sflag:s29] =	ssyncadd.s32 $0xFFFFFF80  }
0x10e: {  	[bflag:$0x0] =	sbarrier.arrive $0xFFFF  }
0x10f: {  	s4 =	simm.s32 $0x18480;
	s23 =	rddreg [dreg:$0x1]  }
0x110: {  	[tilespmem:s4], [sflag:$0x3] =	stream.linear.gather [spmem:s23], $0x800, $0x200038;
	[tilespmem:$0x1CC90] =	vst v63  }
0x111: {  	_ =	swait.ge [sflag:s29], $0x800  }
0x112: {  	[sflag:s29] =	ssyncset.done $0x0  }
0x113: {  	[sflag:s29] =	ssyncadd.s32 $0xFFFFF800  }
0x114: {  	v5 =	vld [tilespmem:$0x18480]  }
0x115: {  	v6 =	vld [tilespmem:$0x18500];
	_ =	sdelay $0x1  }
0x116: {  	v7 =	vld [tilespmem:$0x18580];
	_ =	sdelay $0x1  }
0x117: {  	v8 =	vld [tilespmem:$0x18600];
	v5 =	vnsel vm2, $0x0, v5  }
0x118: {  	(xrf2) =	vadd.scan.msk.f32 $0xffff, v5;
	v5 =	vnsel vm2, $0x0, v6  }
0x119: {  	(xrf2) =	vadd.scan.msk.f32 $0xffff, v5;
	v5 =	vsel vm3, $0x0, v6;
	v6 =	vld [tilespmem:$0x18680]  }
0x11a: {  	(xrf2) =	vadd.scan.msk.f32 $0xffff, v5;
	v5 =	vnsel vm2, $0x0, v7  }
0x11b: {  	(xrf2) =	vadd.scan.msk.f32 $0xffff, v5;
	v5 =	vsel vm3, $0x0, v7;
	v7 =	vld [tilespmem:$0x18700]  }
0x11c: {  	(xrf2) =	vadd.scan.msk.f32 $0xffff, v5;
	v5 =	vnsel vm2, $0x0, v8  }
0x11d: {  	(xrf2) =	vadd.scan.msk.f32 $0xffff, v5;
	v5 =	vsel vm3, $0x0, v8;
	v8 =	vld [tilespmem:$0x18780]  }
0x11e: {  	(xrf2) =	vadd.scan.msk.f32 $0xffff, v5;
	v5 =	vnsel vm2, $0x0, v6  }
0x11f: {  	(xrf2) =	vadd.scan.msk.f32 $0xffff, v5;
	v5 =	vsel vm3, $0x0, v6;
	v6 =	vld [tilespmem:$0x18800]  }
0x120: {  	(xrf2) =	vadd.scan.msk.f32 $0xffff, v5;
	v5 =	vnsel vm2, $0x0, v7  }
0x121: {  	(xrf2) =	vadd.scan.msk.f32 $0xffff, v5;
	v5 =	vsel vm3, $0x0, v7;
	v7 =	vld [tilespmem:$0x18880]  }
0x122: {  	v9, _, _ =	vpop (xrf2);
	(xrf2) =	vadd.scan.msk.f32 $0xffff, v5;
	v5 =	vnsel vm2, $0x0, v8  }
0x123: {  	v10, _, _ =	vpop (xrf2);
	(xrf2) =	vadd.scan.msk.f32 $0xffff, v5;
	v5 =	vsel vm3, $0x0, v8;
	v8 =	vld [tilespmem:$0x18900]  }
0x124: {  	v11, _, _ =	vpop (xrf2);
	(xrf2) =	vadd.scan.msk.f32 $0xffff, v5;
	v5 =	vnsel vm2, $0x0, v6  }
0x125: {  	v12, _, _ =	vpop (xrf2);
	(xrf2) =	vadd.scan.msk.f32 $0xffff, v5;
	v5 =	vsel vm3, $0x0, v6;
	v6 =	vld [tilespmem:$0x18980]  }
0x126: {  	v13, _, _ =	vpop (xrf2);
	(xrf2) =	vadd.scan.msk.f32 $0xffff, v5;
	v5 =	vnsel vm2, $0x0, v7  }
0x127: {  	v14, _, _ =	vpop (xrf2);
	(xrf2) =	vadd.scan.msk.f32 $0xffff, v5;
	v5 =	vsel vm3, $0x0, v7;
	v7 =	vld [tilespmem:$0x18A00]  }
0x128: {  	v15, _, _ =	vpop (xrf2);
	(xrf2) =	vadd.scan.msk.f32 $0xffff, v5;
	v5 =	vnsel vm2, $0x0, v8  }
0x129: {  	v16, _, _ =	vpop (xrf2);
	(xrf2) =	vadd.scan.msk.f32 $0xffff, v5;
	v5 =	vsel vm3, $0x0, v8;
	v8 =	vld [tilespmem:$0x18A80]  }
0x12a: {  	v17, _, _ =	vpop (xrf2);
	(xrf2) =	vadd.scan.msk.f32 $0xffff, v5;
	v5 =	vnsel vm2, $0x0, v6  }
0x12b: {  	v18, _, _ =	vpop (xrf2);
	(xrf2) =	vadd.scan.msk.f32 $0xffff, v5;
	v5 =	vsel vm3, $0x0, v6;
	v6 =	vld [tilespmem:$0x18B00]  }
0x12c: {  	v19, _, _ =	vpop (xrf2);
	(xrf2) =	vadd.scan.msk.f32 $0xffff, v5;
	v5 =	vnsel vm2, $0x0, v7  }
0x12d: {  	v20, _, _ =	vpop (xrf2);
	(xrf2) =	vadd.scan.msk.f32 $0xffff, v5;
	v5 =	vsel vm3, $0x0, v7;
	v7 =	vld [tilespmem:$0x18B80]  }
0x12e: {  	v22 =	vadd.f32 $0.0e+00, v10;
	v21, _, _ =	vpop (xrf2);
	(xrf2) =	vadd.scan.msk.f32 $0xffff, v5;
	v5 =	vnsel vm2, $0x0, v8  }
0x12f: {  	v9 =	vadd.f32 $0.0e+00, v9;
	v11 =	vadd.f32 $0.0e+00, v11;
	v23, _, _ =	vpop (xrf2);
	(xrf2) =	vadd.scan.msk.f32 $0xffff, v5;
	v5 =	vsel vm3, $0x0, v8;
	v8 =	vld [tilespmem:$0x18C00]  }
0x130: {  	v22 =	vbroadcast v22, $0xF;
	v24, _, _ =	vpop (xrf2);
	(xrf2) =	vadd.scan.msk.f32 $0xffff, v5;
	v5 =	vnsel vm2, $0x0, v6  }
0x131: {  	v25, _, _ =	vpop (xrf2);
	(xrf2) =	vadd.scan.msk.f32 $0xffff, v5;
	v5 =	vsel vm3, $0x0, v6;
	v6 =	vadd.f32 v10, v9;
	v9 =	vbroadcast v11, $0xF  }
0x132: {  	v27 =	vbroadcast v14, $0xF;
	v11 =	vpsel !p0, $0x0, v22;
	v10, _, _ =	vpop (xrf2);
	(xrf2) =	vadd.scan.msk.f32 $0xffff, v5;
	v5 =	vnsel vm2, $0x0, v7  }
0x133: {  	v22 =	vbroadcast v12, $0xF;
	v26, _, _ =	vpop (xrf2);
	(xrf2) =	vadd.scan.msk.f32 $0xffff, v5;
	v5 =	vsel vm3, $0x0, v7;
	v7 =	vpsel !p0, $0x0, v9  }
0x134: {  	v9 =	vbroadcast v13, $0xF;
	v6 =	vadd.f32 v12, v6;
	v13, _, _ =	vpop (xrf2);
	(xrf2) =	vadd.scan.msk.f32 $0xffff, v5;
	v5 =	vnsel vm2, $0x0, v8  }
0x135: {  	v22 =	vpsel !p6, $0x0, v22;
	v12 =	vpsel !p5, $0x0, v27;
	v28, _, _ =	vpop (xrf2);
	(xrf2) =	vadd.scan.msk.f32 $0xffff, v5;
	v5 =	vsel vm3, $0x0, v8  }
0x136: {  	v8 =	vadd.f32 v22, v11;
	v9 =	vpsel !p6, $0x0, v9;
	v6 =	vadd.f32 v14, v6  }
0x137: {  	v14 =	vbroadcast v16, $0xF;
	v11, _, _ =	vpop (xrf2);
	(xrf2) =	vadd.scan.msk.f32 $0xffff, v5;
	v7 =	vadd.f32 v9, v7;
	v9 =	vbroadcast v15, $0xF  }
0x138: {  	s4 =	sld [smem:$0x7FD];
	v17 =	vbroadcast v17, $0xF;
	v8 =	vadd.f32 v12, v8;
	v5, _, _ =	vpop (xrf2)  }
0x139: {  	v6 =	vadd.f32 v16, v6;
	v14 =	vpsel !p4, $0x0, v14;
	v9 =	vpsel !p5, $0x0, v9;
	v15, _, _ =	vpop (xrf2)  }
0x13a: {  	v16 =	vpsel !p4, $0x0, v17;
	v17 =	vbroadcast v18, $0xF;
	v7 =	vadd.f32 v9, v7;
	v12, _, _ =	vpop (xrf2)  }
0x13b: {  	p1 =	seq.s32 s4, $0x1;
	v8 =	vadd.f32 v14, v8;
	v22, _, _ =	vpop (xrf2)  }
0x13c: {  	s5 =	sld [smem:$0x7FC];
	v6 =	vadd.f32 v18, v6;
	v7 =	vadd.f32 v16, v7;
	v16 =	vpsel !p1, $0x0, v17;
	v9, _, _ =	vpop (xrf2)  }
0x13d: {  	v14 =	vbroadcast v19, $0xF;
	v8 =	vadd.f32 v16, v8;
	v16 =	vbroadcast v21, $0xF;
	v62, _, _ =	vpop (xrf2)  }
0x13e: {  	v17 =	vbroadcast v20, $0xF;
	v6 =	vadd.f32 v20, v6;
	v18, _, _ =	vpop (xrf2)  }
0x13f: {  	p3 =	seq.s32 s5, $0x1;
	v14 =	vpsel !p1, $0x0, v14;
	v19, _, _ =	vpop (xrf2)  }
0x140: {  	v7 =	vadd.f32 v14, v7;
	v14 =	vpsel !p3, $0x0, v17;
	v6 =	vadd.f32 v23, v6;
	v21, _, _ =	vpop (xrf2)  }
0x141: {  	v8 =	vadd.f32 v14, v8;
	v14 =	vpsel !p3, $0x0, v16;
	v16, _, _ =	vpop (xrf2)  }
0x142: {  	s6 =	sld [smem:$0x7FB];
	v6 =	vadd.f32 v25, v6;
	_ =	strace $0x9000004B  }
0x143: {  	v17 =	vbroadcast v23, $0xF;
	_ =	strace $0x8000004C  }
0x144: {  	v7 =	vadd.f32 v14, v7;
	v14 =	vbroadcast v24, $0xF;
	v6 =	vadd.f32 v26, v6;
	s7 =	sld [smem:$0x7FA]  }
0x145: {  	p2 =	seq.s32 s6, $0x1;
	s5 =	simm.s32 $0xFF0;
	v10 =	vbroadcast v10, $0xF;
	v13 =	vbroadcast v13, $0xF  }
0x146: {  	v17 =	vpsel !p2, $0x0, v17;
	v14 =	vpsel !p2, $0x0, v14;
	v6 =	vadd.f32 v28, v6;
	v20 =	vld [tilespmem:s5+$0xD000];
	s8 =	sld [smem:$0x7F9]  }
0x147: {  	v8 =	vadd.f32 v17, v8;
	v17 =	vbroadcast v25, $0xF;
	v7 =	vadd.f32 v14, v7;
	p3 =	seq.s32 s7, $0x1  }
0x148: {  	v11 =	vbroadcast v11, $0xF;
	s22 =	sld [smem:$0x7F8];
	v6 =	vadd.f32 v5, v6;
	v10 =	vpsel !p3, $0x0, v10  }
0x149: {  	p2 =	seq.s32 s8, $0x1;
	v14 =	vpsel !p3, $0x0, v17;
	v7 =	vadd.f32 v10, v7;
	v10 =	vbroadcast v26, $0xF  }
0x14a: {  	s23 =	sld [smem:$0x7F7];
	v13 =	vpsel !p2, $0x0, v13;
	v8 =	vadd.f32 v14, v8;
	v14 =	vbroadcast v28, $0xF  }
0x14b: {  	p3 =	seq.s32 s22, $0x1;
	v7 =	vadd.f32 v13, v7;
	v13 =	vperm.xlane v20, v2;
	v10 =	vpsel !p2, $0x0, v10  }
0x14c: {  	s4 =	simm.s32 $0xFE0;
	s6 =	sld [smem:$0x7F6];
	v8 =	vadd.f32 v10, v8;
	v10 =	vpsel !p3, $0x0, v11;
	v11 =	vbroadcast v15, $0xF;
	v15 =	vld [tilespmem:s5+$0xC000]  }
0x14d: {  	v6 =	vadd.f32 v12, v6;
	p2 =	seq.s32 s23, $0x1;
	(xrf2) =	vadd.scan.msk.f32 $0xffff, v13;
	v13 =	vpsel !p3, $0x0, v14;
	v7 =	vadd.f32 v10, v7;
	v10 =	vld [tilespmem:s4+$0xD000]  }
0x14e: {  	s7 =	sld [smem:$0x7F5];
	v8 =	vadd.f32 v13, v8;
	v11 =	vpsel !p2, $0x0, v11;
	v13 =	vbroadcast v22, $0xF  }
0x14f: {  	v5 =	vbroadcast v5, $0xF;
	p1 =	seq.s32 s6, $0x1;
	v12 =	vbroadcast v12, $0xF;
	v7 =	vadd.f32 v11, v7  }
0x150: {  	s8 =	sld [smem:$0x7F4];
	v6 =	vadd.f32 v9, v6;
	v11 =	vpsel !p1, $0x0, v13;
	v13 =	vbroadcast v62, $0xF  }
0x151: {  	v5 =	vpsel !p2, $0x0, v5;
	p3 =	seq.s32 s7, $0x1;
	v7 =	vadd.f32 v11, v7;
	v11 =	vperm.xlane v15, v2  }
0x152: {  	s22 =	sld [smem:$0x7F3];
	v14 =	vbroadcast v19, $0xF;
	v15 =	vld [tilespmem:s4+$0xC000];
	v13 =	vpsel !p3, $0x0, v13;
	v17 =	vperm.xlane v10, v2  }
0x153: {  	s23 =	simm.s32 $0xFD0;
	p2 =	seq.s32 s8, $0x1;
	v5 =	vadd.f32 v5, v8;
	v7 =	vadd.f32 v13, v7;
	(xrf2) =	vadd.scan.msk.f32 $0xffff, v11  }
0x154: {  	v8 =	vpsel !p1, $0x0, v12;
	v12 =	vld [tilespmem:s23+$0xD000];
	v11 =	vpsel !p2, $0x0, v14;
	v13 =	vbroadcast v16, $0xF;
	(xrf2) =	vadd.scan.msk.f32 $0xffff, v17  }
0x155: {  	p1 =	seq.s32 s22, $0x1;
	v7 =	vadd.f32 v11, v7  }
0x156: {  	v6 =	vadd.f32 v18, v6;
	v11 =	vpsel p1, $0x0, v13  }
0x157: {  	v9 =	vbroadcast v9, $0xF;
	v13 =	vld [tilespmem:s23+$0xC000];
	v14, _, _ =	vpop (xrf2);
	v7 =	vadd.f32 v11, v7;
	v11 =	vperm.xlane v15, v2  }
0x158: {  	v6 =	vadd.f32 v21, v6;
	v8 =	vadd.f32 v8, v5;
	v14 =	vperm.xlane v14, v2  }
0x159: {  	v9 =	vpsel !p3, $0x0, v9;
	v15 =	vbroadcast v18, $0xF;
	(xrf2) =	vadd.scan.msk.f32 $0xffff, v11;
	v11 =	vperm.xlane v12, v2  }
0x15a: {  	s22 =	simm.s32 $0xFC0;
	v5 =	vbroadcast v6, $0xF;
	v8 =	vadd.f32 v9, v8;
	v6 =	vadd.f32 v14, v7  }
0x15b: {  	v9 =	vpsel !p2, $0x0, v15;
	v14 =	vbroadcast v21, $0xF;
	v7 =	vld [tilespmem:s22+$0xD000]  }
0x15c: {  	v13 =	vperm.xlane v13, v2;
	v8 =	vadd.f32 v9, v8;
	v15 =	vadd.f32 v6, v5  }
0x15d: {  	(xrf2) =	vadd.scan.msk.f32 $0xffff, v11;
	v9 =	vpsel p1, $0x0, v14;
	v11, _, _ =	vpop (xrf2)  }
0x15e: {  	(xrf2) =	vadd.scan.msk.f32 $0xffff, v13;
	v8 =	vadd.f32 v9, v8;
	v13 =	vsub.f32 v15, v20;
	v9 =	vperm.xlane v11, v2;
	v11, _, _ =	vpop (xrf2)  }
0x15f: {  	v6 =	vperm.xlane v6, v3;
	v11 =	vperm.xlane v11, v2  }
0x160: {  	v14 =	vld [tilespmem:s22+$0xC000];
	v16 =	vmul.f32 v13, v15;
	v17 =	vadd.f32 v9, v8;
	v9 =	vperm.xlane v7, v2;
	_ =	sdelay $0x1  }
0x161: {  	v6 =	vadd.f32 v11, v6;
	v11 =	vmax.f32 v16, $1.000000000e+00  }
0x162: {  	s3 =	simm.s32 $0xFB0;
	v15 =	vsub.f32 v15, v13;
	(erf) = vrcp.f32 v11  }
0x163: {  	v18 =	vld [tilespmem:s3+$0xC000];
	(xrf2) =	vadd.scan.msk.f32 $0xffff, v9;
	v16 =	vadd.f32 v6, v5;
	v9, _, _ =	vpop (xrf2)  }
0x164: {  	v14 =	vperm.xlane v14, v2;
	v15 =	vmax.f32 v15, $1.000000000e+00;
	v9 =	vperm.xlane v9, v2  }
0x165: {  	v8 =	vld [tilespmem:s3+$0xD000];
	(erf) = vrcp.f32 v15;
	v15 =	vperm.xlane v6, v3;
	v6 =	vsub.f32 v16, v10  }
0x166: {  	v19 =	vmax.f32 v13, $1.000000000e+00;
	v11 =	vperm.xlane v17, v3  }
0x167: {  	(xrf2) =	vadd.scan.msk.f32 $0xffff, v14;
	(erf) = vrcp.f32 v19;
	v20 =	vsub.f32 v16, v6;
	v16 =	vmul.f32 v6, v16  }
0x168: {  	s6 =	simm.s32 $0xFA0;
	v21 =	vperm.xlane v18, v2;
	v10 =	vadd.f32 v9, v11;
	v9, _, _ =	vpop (xrf2)  }
0x169: {  	vm4 =	veq.f32 v13, $0.0e+00;
	v11 =	vld [tilespmem:s6+$0xD000];
	v16 =	vmax.f32 v16, $1.000000000e+00;
	v9 =	vperm.xlane v9, v2  }
0x16a: {  	v19 =	vperm.xlane v8, v2;
	v18, _, _ =	vpop (xrf2);
	(erf) = vrcp.f32 v16;
	v16 =	vsub.f32 v5, v17  }
0x16b: {  	v23 =	vld [tilespmem:s6+$0xC000];
	v22 =	vperm.xlane v10, v3;
	v18 =	vperm.xlane v18, v2;
	v15 =	vadd.f32 v9, v15;
	v13 =	vpop (erf)  }
0x16c: {  	(xrf2) =	vadd.scan.msk.f32 $0xffff, v19;
	v13 =	vmul.f32 v13, v16  }
0x16d: {  	v63 =	vmax.f32 v20, $1.000000000e+00;
	v9 =	vadd.f32 v18, v22;
	v18 =	vadd.f32 v15, v5  }
0x16e: {  	v14 =	vmax.f32 v6, $1.000000000e+00;
	v20, _, _ =	vpop (xrf2);
	(erf) = vrcp.f32 v63;
	v19 =	vperm.xlane v11, v2;
	(xrf2) =	vadd.scan.msk.f32 $0xffff, v21  }
0x16f: {  	(erf) = vrcp.f32 v14;
	v17 =	vperm.xlane v15, v3;
	v12 =	vsub.f32 v18, v12;
	v15 =	vpop (erf)  }
0x170: {  	s7 =	simm.s32 $0x3E40;
	v14 =	vperm.xlane v23, v2;
	v16 =	vperm.xlane v9, v3;
	v15 =	vsel vm4, v15, v13;
	v13 =	vpop (erf)  }
.LBB2_11:
0x171: {  	s8 =	sshra.s32 s7, $0x2;
	p1 =	sne.s32 s7, $0x0;
	s7 =	sadd.s32 $0xFFFFFFC0, s7;
	v20 =	vperm.xlane v20, v2;
	v21, _, _ =	vpop (xrf2);
	v22 =	vsub.f32 v18, v12;
	v18 =	vmul.f32 v12, v18;
	[tilespmem:s5+$0xF000] =	vst v15  }
0x172: {  	v24 =	vperm.xlane v21, v2;
	[tilespmem:s5+$0xE000] =	vst v13;
	v13 =	vmovc v7;
	v7 =	vmovc v8;
	v8 =	vmov v11;
	v11 =	vld [tilespmem:s8+$0xD000];
	v21 =	vmov v6;
	s5 =	smov.u32 s4;
	s4 =	smov.u32 s23;
	s23 =	smov.u32 s22  }
0x173: {  	v6 =	vmovc v12;
	s22 =	smov.u32 s3;
	s3 =	smov.u32 s6;
	s6 =	smov.u32 s8;
	v23 =	vld [tilespmem:s8+$0xC000];
	v17 =	vadd.f32 v20, v17;
	v22 =	vmax.f32 v22, $1.000000000e+00;
	v18 =	vmax.f32 v18, $1.000000000e+00  }
.Ltmp4:
0x174: {  	v12 =	vsub.f32 v5, v10;
	v10 =	vmovc v9;
	(xrf2) =	vadd.scan.msk.f32 $0xffff, v19;
	(erf) = vrcp.f32 v18;
	v9 =	vadd.f32 v24, v16;
	(pc) =	sbr.rel @p1 .LBB2_11-.Ltmp4, $4  }
0x175: {  	vm4 =	veq.f32 v21, $0.0e+00;
	v18 =	vadd.f32 v17, v5;
	v17 =	vperm.xlane v17, v3;
	v15 =	vpop (erf)  }
0x176: {  	v16 =	vmax.f32 v6, $1.000000000e+00;
	v20, _, _ =	vpop (xrf2);
	(erf) = vrcp.f32 v22;
	v15 =	vmul.f32 v15, v12  }
0x177: {  	v19 =	vperm.xlane v11, v2;
	(xrf2) =	vadd.scan.msk.f32 $0xffff, v14;
	v12 =	vsub.f32 v18, v13;
	(erf) = vrcp.f32 v16;
	v13 =	vpop (erf)  }
0x178: {  	v16 =	vperm.xlane v9, v3;
	v14 =	vperm.xlane v23, v2;
	v15 =	vsel vm4, v13, v15;
	v13 =	vpop (erf)  }
0x179: {  	(xrf2) =	vadd.scan.msk.f32 $0xffff, v19;
	_ =	sdelay $0x1  }
0x17a: {  	v31 =	vperm.xlane v20, v2;
	_ =	sdelay $0x1  }
0x17b: {  	v17 =	vadd.f32 v31, v17  }
0x17c: {  	v32, _, _ =	vpop (xrf2)  }
0x17d: {  	v33 =	vmul.f32 v12, v18;
	v22 =	vperm.xlane v17, v3;
	v17 =	vadd.f32 v17, v5;
	v21, _, _ =	vpop (xrf2)  }
0x17e: {  	v34 =	vsub.f32 v18, v12;
	v21 =	vperm.xlane v21, v2  }
0x17f: {  	v36 =	vmax.f32 v12, $1.000000000e+00;
	v19 =	vmax.f32 v33, $1.000000000e+00;
	v7 =	vsub.f32 v17, v7  }
0x180: {  	v18 =	vmax.f32 v34, $1.000000000e+00;
	(erf) = vrcp.f32 v19;
	v23, _, _ =	vpop (xrf2);
	v21 =	vadd.f32 v21, v22  }
0x181: {  	v10 =	vsub.f32 v5, v10;
	(xrf2) =	vadd.scan.msk.f32 $0xffff, v14;
	(erf) = vrcp.f32 v18;
	v37 =	vmul.f32 v7, v17;
	v35, _, _ =	vpop (xrf2)  }
0x182: {  	v24 =	vperm.xlane v21, v3;
	v21 =	vadd.f32 v21, v5;
	v19 =	vperm.xlane v35, v2  }
0x183: {  	v20 =	vperm.xlane v32, v2;
	(erf) = vrcp.f32 v36;
	v17 =	vsub.f32 v17, v7  }
0x184: {  	v18 =	vmax.f32 v37, $1.000000000e+00;
	v8 =	vsub.f32 v21, v8;
	v19 =	vadd.f32 v19, v24  }
0x185: {  	v39 =	vmax.f32 v7, $1.000000000e+00;
	v17 =	vmax.f32 v17, $1.000000000e+00;
	(erf) = vrcp.f32 v18  }
0x186: {  	(erf) = vrcp.f32 v17;
	v40 =	vmul.f32 v8, v21;
	v38 =	vadd.f32 v19, v5  }
0x187: {  	vm4 =	veq.f32 v6, $0.0e+00;
	v16 =	vadd.f32 v20, v16;
	v42 =	vpop (erf);
	(erf) = vrcp.f32 v39  }
0x188: {  	v41 =	vsub.f32 v21, v8;
	v44 =	vmax.f32 v40, $1.000000000e+00;
	v11 =	vsub.f32 v38, v11  }
0x189: {  	v6 =	vsub.f32 v5, v9;
	v43 =	vperm.xlane v16, v3;
	v45 =	vpop (erf);
	(erf) = vrcp.f32 v44  }
0x18a: {  	v10 =	vmul.f32 v42, v10;
	v47 =	vpop (erf);
	v17 =	vmax.f32 v41, $1.000000000e+00;
	v46 =	vmul.f32 v11, v38  }
0x18b: {  	v23 =	vperm.xlane v23, v2;
	v54, _, _ =	vpop (xrf2);
	v48 =	vmax.f32 v8, $1.000000000e+00;
	(erf) = vrcp.f32 v17  }
0x18c: {  	v49 =	vpop (erf);
	(erf) = vrcp.f32 v48;
	v14 =	vsub.f32 v38, v11;
	v18 =	vmax.f32 v46, $1.000000000e+00  }
0x18d: {  	v57 =	vsub.f32 v5, v16;
	v10 =	vsel vm4, v45, v10;
	v51 =	vpop (erf);
	(erf) = vrcp.f32 v18  }
0x18e: {  	v50 =	vadd.f32 v23, v43;
	v56 =	vperm.xlane v54, v2;
	v52 =	vpop (erf);
	v9 =	vmax.f32 v14, $1.000000000e+00  }
0x18f: {  	vm4 =	veq.f32 v12, $0.0e+00;
	v6 =	vmul.f32 v49, v6;
	v53 =	vpop (erf);
	(erf) = vrcp.f32 v9  }
0x190: {  	[tilespmem:s5+$0xF000] =	vst v15;
	v60 =	vsub.f32 v5, v50;
	v55 =	vmax.f32 v11, $1.000000000e+00;
	v58 =	vpop (erf);
	v12 =	vmul.f32 v53, v57  }
0x191: {  	[tilespmem:s5+$0xE000] =	vst v13;
	v6 =	vsel vm4, v51, v6;
	v59 =	vpop (erf);
	v9 =	vperm.xlane v50, v3;
	(erf) = vrcp.f32 v55  }
0x192: {  	[tilespmem:s4+$0xF000] =	vst v10;
	vm4 =	veq.f32 v7, $0.0e+00;
	v10 =	vpop (erf)  }
0x193: {  	[tilespmem:s4+$0xE000] =	vst v47;
	v7 =	vsel vm4, v58, v12;
	v9 =	vadd.f32 v56, v9;
	v10 =	vmul.f32 v10, v60  }
0x194: {  	[tilespmem:s23+$0xF000] =	vst v6;
	vm4 =	veq.f32 v8, $0.0e+00;
	v6 =	vpop (erf)  }
0x195: {  	[tilespmem:s23+$0xE000] =	vst v52;
	v5 =	vsub.f32 v5, v9;
	v61 =	vpop (erf);
	v6 =	vsel vm4, v6, v10  }
0x196: {  	[tilespmem:s22+$0xF000] =	vst v7;
	v7 =	vpop (erf)  }
0x197: {  	[tilespmem:s22+$0xE000] =	vst v59;
	v5 =	vmul.f32 v7, v5  }
0x198: {  	vm4 =	veq.f32 v11, $0.0e+00;
	[tilespmem:s3+$0xF000] =	vst v6;
	v6 =	vpop (erf)  }
0x199: {  	[tilespmem:s3+$0xE000] =	vst v61;
	v5 =	vsel vm4, v6, v5  }
0x19a: {  	v6 =	vpop (erf);
	[tilespmem:s6+$0xF000] =	vst v5  }
0x19b: {  	s4 =	simm.s32 $0xF000;
	[tilespmem:s6+$0xE000] =	vst v6  }
0x19c: {  	[spmem:s20] =	stream.linear.scatter [tilespmem:s4], [sflag:$0x3], $0x1000, $0x200038;
	[tilespmem:$0x1CC90] =	vst v63  }
0x19d: {  	_ =	swait.ge [sflag:s29], $0x1000  }
0x19e: {  	[sflag:s29] =	ssyncset.done $0x0  }
0x19f: {  	s5 =	simm.s32 $0xE000;
	[sflag:s29] =	ssyncadd.s32 $0xFFFFF000  }
0x1a0: {  	[spmem:s21] =	stream.linear.scatter [tilespmem:s5], [sflag:$0x3], $0x1000, $0x200038;
	[tilespmem:$0x1CC90] =	vst v63  }
0x1a1: {  	_ =	swait.ge [sflag:s29], $0x1000  }
0x1a2: {  	[sflag:s29] =	ssyncset.done $0x0  }
0x1a3: {  	[sflag:s29] =	ssyncadd.s32 $0xFFFFF000  }
0x1a4: {  	[bflag:$0x0] =	sbarrier.arrive $0xFFFF  }
0x1a5: {  	_ =	strace $0x9000004C  }
0x1a6: {  	_ =	strace $0x8000004D  }
0x1a7: {  	s7 =	simm.s32 $0x10000;
	s6 =	rddreg [dreg:$0x3]  }
0x1a8: {  	[tilespmem:s7], [sflag:$0x1] =	stream.indirect.gather [spmem:s6], $0x1, s31, s0, $0x2000b8;
	[tilespmem:$0x1CC90] =	vst v63  }
0x1a9: {  	s8 =	simm.s32 $0xA000;
	s22 =	simm.s32 $0x12000  }
0x1aa: {  	[tilespmem:s22], [sflag:$0x2] =	stream.indirect.gather [spmem:s6], $0x1, s8, s0, $0x2000b8;
	[tilespmem:$0x1CC90] =	vst v63  }
0x1ab: {  	_ =	swait.ge [sflag:s30], $0x2000  }
0x1ac: {  	[sflag:s30] =	ssyncset.done $0x0  }
0x1ad: {  	s23 =	simm.s32 $0x0;
	[sflag:s30] =	ssyncadd.s32 $0xFFFFE000  }
0x1ae: {  	v5 =	vld [tilespmem:s23+$0x0]  }
0x1af: {  	v6 =	vld [tilespmem:s23+$0x10000]  }
0x1b0: {  	v7 =	vld [tilespmem:s23+$0x10]  }
0x1b1: {  	v8 =	vld [tilespmem:s23+$0x10010]  }
0x1b2: {  	v9 =	vld [tilespmem:s23+$0x20]  }
0x1b3: {  	v10 =	vld [tilespmem:s23+$0x10020];
	v5 =	vmax.f32 v5, $0.0e+00  }
0x1b4: {  	v11 =	vld [tilespmem:s23+$0x30];
	v5 =	vmul.f32 v6, v5  }
0x1b5: {  	v62 =	vld [tilespmem:s23+$0x10030];
	v6 =	vmax.f32 v7, $0.0e+00  }
0x1b6: {  	v7 =	vld [tilespmem:s23+$0x40];
	v4 =	vadd.f32 v5, v4;
	v5 =	vmul.f32 v8, v6  }
0x1b7: {  	v8 =	vld [tilespmem:s23+$0x10040];
	v6 =	vmax.f32 v9, $0.0e+00  }
0x1b8: {  	v63 =	vld [tilespmem:s23+$0x50];
	v9 =	vmul.f32 v10, v6;
	v5 =	vadd.f32 v5, v4  }
0x1b9: {  	v10 =	vmax.f32 v11, $0.0e+00;
	v4 =	vld [tilespmem:s23+$0x10050]  }
0x1ba: {  	v6 =	vld [tilespmem:s23+$0x60];
	v10 =	vmul.f32 v62, v10;
	v9 =	vadd.f32 v9, v5  }
0x1bb: {  	v11 =	vmax.f32 v7, $0.0e+00;
	v5 =	vld [tilespmem:s23+$0x10060]  }
0x1bc: {  	v7 =	vld [tilespmem:s23+$0x70];
	v9 =	vadd.f32 v10, v9;
	v10 =	vmul.f32 v8, v11  }
0x1bd: {  	s3 =	simm.s32 $0x80;
	s4 =	simm.s32 $0x400;
	v11 =	vmax.f32 v63, $0.0e+00;
	v8 =	vld [tilespmem:s23+$0x10070]  }
.LBB2_13:
0x1be: {  	p1 =	sne.s32 s4, $0x7E00;
	v12 =	vld [tilespmem:s3+$0x0];
	v9 =	vadd.f32 v10, v9;
	v4 =	vmul.f32 v4, v11  }
0x1bf: {  	v10 =	vld [tilespmem:s3+$0x10000];
	v6 =	vmax.f32 v6, $0.0e+00  }
0x1c0: {  	v11 =	vld [tilespmem:s3+$0x10];
	v4 =	vadd.f32 v4, v9;
	v5 =	vmul.f32 v5, v6  }
0x1c1: {  	v6 =	vld [tilespmem:s3+$0x10010];
	v7 =	vmax.f32 v7, $0.0e+00  }
0x1c2: {  	v9 =	vld [tilespmem:s3+$0x20];
	v4 =	vadd.f32 v5, v4;
	v5 =	vmul.f32 v8, v7  }
0x1c3: {  	v7 =	vmax.f32 v12, $0.0e+00;
	v8 =	vld [tilespmem:s3+$0x10020]  }
0x1c4: {  	v7 =	vmul.f32 v10, v7;
	v10 =	vld [tilespmem:s3+$0x30];
	v4 =	vadd.f32 v5, v4  }
0x1c5: {  	v5 =	vmax.f32 v11, $0.0e+00;
	v11 =	vld [tilespmem:s3+$0x10030]  }
0x1c6: {  	v4 =	vadd.f32 v7, v4;
	v5 =	vmul.f32 v6, v5;
	v7 =	vld [tilespmem:s3+$0x40]  }
0x1c7: {  	v6 =	vmax.f32 v9, $0.0e+00;
	v12 =	vld [tilespmem:s3+$0x10040]  }
0x1c8: {  	v5 =	vadd.f32 v5, v4;
	v6 =	vmul.f32 v8, v6;
	v8 =	vld [tilespmem:s3+$0x50]  }
.Ltmp5:
0x1c9: {  	v9 =	vmax.f32 v10, $0.0e+00;
	v4 =	vld [tilespmem:s3+$0x10050];
	(pc) =	sbr.rel @p1 .LBB2_13-.Ltmp5, $4  }
0x1ca: {  	v10 =	vadd.f32 v6, v5;
	v9 =	vmul.f32 v11, v9;
	v6 =	vld [tilespmem:s3+$0x60]  }
0x1cb: {  	v7 =	vmax.f32 v7, $0.0e+00;
	v5 =	vld [tilespmem:s3+$0x10060]  }
0x1cc: {  	v9 =	vadd.f32 v9, v10;
	v10 =	vmul.f32 v12, v7;
	v7 =	vld [tilespmem:s3+$0x70]  }
0x1cd: {  	v11 =	vmax.f32 v8, $0.0e+00;
	v8 =	vld [tilespmem:s3+$0x10070];
	s3 =	sshra.s32 s4, $0x2;
	s4 =	sadd.s32 $0x200, s4  }
0x1ce: {  	v12 =	vld [tilespmem:s3+$0x0]  }
0x1cf: {  	v13 =	vld [tilespmem:s3+$0x10000]  }
0x1d0: {  	v14 =	vld [tilespmem:s3+$0x10];
	v9 =	vadd.f32 v10, v9;
	v4 =	vmul.f32 v4, v11  }
0x1d1: {  	v15 =	vld [tilespmem:s3+$0x10010];
	v6 =	vmax.f32 v6, $0.0e+00  }
0x1d2: {  	v10 =	vld [tilespmem:s3+$0x20];
	v4 =	vadd.f32 v4, v9;
	v5 =	vmul.f32 v5, v6  }
0x1d3: {  	v11 =	vld [tilespmem:s3+$0x10020];
	v7 =	vmax.f32 v7, $0.0e+00  }
0x1d4: {  	v56 =	vld [tilespmem:s3+$0x10040];
	v4 =	vadd.f32 v5, v4;
	v5 =	vmul.f32 v8, v7  }
0x1d5: {  	v58 =	vld [tilespmem:s3+$0x10050];
	v8 =	vmax.f32 v12, $0.0e+00  }
0x1d6: {  	v6 =	vld [tilespmem:s3+$0x30];
	v8 =	vmul.f32 v13, v8;
	v4 =	vadd.f32 v5, v4  }
0x1d7: {  	v9 =	vld [tilespmem:s3+$0x10030];
	v57 =	vmax.f32 v14, $0.0e+00  }
0x1d8: {  	v7 =	vld [tilespmem:s3+$0x40];
	v4 =	vadd.f32 v8, v4;
	v8 =	vmul.f32 v15, v57  }
0x1d9: {  	v59 =	vld [tilespmem:s3+$0x60];
	v10 =	vmax.f32 v10, $0.0e+00  }
0x1da: {  	v5 =	vld [tilespmem:s3+$0x50];
	v4 =	vadd.f32 v8, v4;
	v8 =	vmul.f32 v11, v10  }
0x1db: {  	v60 =	vld [tilespmem:s3+$0x10060];
	v6 =	vmax.f32 v6, $0.0e+00  }
0x1dc: {  	v6 =	vmul.f32 v9, v6;
	v10 =	vld [tilespmem:s3+$0x70];
	v4 =	vadd.f32 v8, v4  }
0x1dd: {  	v7 =	vmax.f32 v7, $0.0e+00;
	v11 =	vld [tilespmem:s3+$0x10070];
	_ =	swait.ge [sflag:s1], $0x2000  }
0x1de: {  	[sflag:s1] =	ssyncset.done $0x0;
	v4 =	vadd.f32 v6, v4;
	v6 =	vmul.f32 v56, v7  }
0x1df: {  	s5 =	simm.s32 $0x40;
	v5 =	vmax.f32 v5, $0.0e+00;
	[sflag:s1] =	ssyncadd.s32 $0xFFFFE000  }
0x1e0: {  	v5 =	vmul.f32 v58, v5;
	v7 =	vld [tilespmem:s5+$0x1FC0];
	v4 =	vadd.f32 v6, v4  }
0x1e1: {  	v8 =	vmax.f32 v59, $0.0e+00;
	v6 =	vld [tilespmem:s5+$0x11FC0]  }
0x1e2: {  	v9 =	vld [tilespmem:s5+$0x1FD0];
	v4 =	vadd.f32 v5, v4;
	v5 =	vmul.f32 v60, v8  }
0x1e3: {  	v10 =	vmax.f32 v10, $0.0e+00;
	v8 =	vld [tilespmem:s5+$0x11FD0]  }
0x1e4: {  	v61 =	vld [tilespmem:s5+$0x1FE0];
	v4 =	vadd.f32 v5, v4;
	v5 =	vmul.f32 v11, v10  }
0x1e5: {  	v7 =	vmax.f32 v7, $0.0e+00;
	v10 =	vld [tilespmem:s5+$0x11FE0]  }
0x1e6: {  	v11 =	vld [tilespmem:s5+$0x1FF0];
	v4 =	vadd.f32 v5, v4;
	v5 =	vmul.f32 v6, v7  }
0x1e7: {  	v7 =	vld [tilespmem:s5+$0x11FF0];
	v6 =	vmax.f32 v9, $0.0e+00  }
0x1e8: {  	v9 =	vld [tilespmem:s5+$0x2000];
	v4 =	vadd.f32 v5, v4;
	v5 =	vmul.f32 v8, v6  }
0x1e9: {  	v8 =	vld [tilespmem:s5+$0x12000];
	v6 =	vmax.f32 v61, $0.0e+00  }
0x1ea: {  	v62 =	vld [tilespmem:s5+$0x2010];
	v10 =	vmul.f32 v10, v6;
	v5 =	vadd.f32 v5, v4  }
0x1eb: {  	v11 =	vmax.f32 v11, $0.0e+00;
	v4 =	vld [tilespmem:s5+$0x12010]  }
0x1ec: {  	v6 =	vld [tilespmem:s5+$0x2020];
	v11 =	vmul.f32 v7, v11;
	v10 =	vadd.f32 v10, v5  }
0x1ed: {  	v63 =	vmax.f32 v9, $0.0e+00;
	v5 =	vld [tilespmem:s5+$0x12020]  }
0x1ee: {  	v7 =	vld [tilespmem:s5+$0x2030];
	v9 =	vadd.f32 v11, v10;
	v10 =	vmul.f32 v8, v63  }
0x1ef: {  	s4 =	simm.s32 $0x500;
	s3 =	simm.s32 $0xC0;
	v11 =	vmax.f32 v62, $0.0e+00;
	v8 =	vld [tilespmem:s5+$0x12030]  }
.LBB2_15:
0x1f0: {  	p1 =	sne.s32 s4, $0x7F00;
	v12 =	vld [tilespmem:s3+$0x1FC0];
	v9 =	vadd.f32 v10, v9;
	v4 =	vmul.f32 v4, v11  }
0x1f1: {  	v10 =	vld [tilespmem:s3+$0x11FC0];
	v6 =	vmax.f32 v6, $0.0e+00  }
0x1f2: {  	v11 =	vld [tilespmem:s3+$0x1FD0];
	v4 =	vadd.f32 v4, v9;
	v5 =	vmul.f32 v5, v6  }
0x1f3: {  	v6 =	vld [tilespmem:s3+$0x11FD0];
	v7 =	vmax.f32 v7, $0.0e+00  }
0x1f4: {  	v9 =	vld [tilespmem:s3+$0x1FE0];
	v4 =	vadd.f32 v5, v4;
	v5 =	vmul.f32 v8, v7  }
0x1f5: {  	v7 =	vmax.f32 v12, $0.0e+00;
	v8 =	vld [tilespmem:s3+$0x11FE0]  }
0x1f6: {  	v7 =	vmul.f32 v10, v7;
	v10 =	vld [tilespmem:s3+$0x1FF0];
	v4 =	vadd.f32 v5, v4  }
0x1f7: {  	v5 =	vmax.f32 v11, $0.0e+00;
	v11 =	vld [tilespmem:s3+$0x11FF0]  }
0x1f8: {  	v4 =	vadd.f32 v7, v4;
	v5 =	vmul.f32 v6, v5;
	v7 =	vld [tilespmem:s3+$0x2000]  }
0x1f9: {  	v6 =	vmax.f32 v9, $0.0e+00;
	v12 =	vld [tilespmem:s3+$0x12000]  }
0x1fa: {  	v5 =	vadd.f32 v5, v4;
	v6 =	vmul.f32 v8, v6;
	v8 =	vld [tilespmem:s3+$0x2010]  }
.Ltmp6:
0x1fb: {  	v9 =	vmax.f32 v10, $0.0e+00;
	v4 =	vld [tilespmem:s3+$0x12010];
	(pc) =	sbr.rel @p1 .LBB2_15-.Ltmp6, $4  }
0x1fc: {  	v10 =	vadd.f32 v6, v5;
	v9 =	vmul.f32 v11, v9;
	v6 =	vld [tilespmem:s3+$0x2020]  }
0x1fd: {  	v7 =	vmax.f32 v7, $0.0e+00;
	v5 =	vld [tilespmem:s3+$0x12020]  }
0x1fe: {  	v9 =	vadd.f32 v9, v10;
	v10 =	vmul.f32 v12, v7;
	v7 =	vld [tilespmem:s3+$0x2030]  }
0x1ff: {  	v11 =	vmax.f32 v8, $0.0e+00;
	v8 =	vld [tilespmem:s3+$0x12030];
	s3 =	sshra.s32 s4, $0x2;
	s4 =	sadd.s32 $0x200, s4  }
0x200: {  	v12 =	vld [tilespmem:s3+$0x1FC0];
	v9 =	vadd.f32 v10, v9;
	v4 =	vmul.f32 v4, v11  }
0x201: {  	v52 =	vld [tilespmem:s3+$0x11FC0];
	v6 =	vmax.f32 v6, $0.0e+00  }
0x202: {  	v53 =	vld [tilespmem:s3+$0x1FD0];
	v4 =	vadd.f32 v4, v9;
	v5 =	vmul.f32 v5, v6  }
0x203: {  	v6 =	vld [tilespmem:s3+$0x11FD0];
	v7 =	vmax.f32 v7, $0.0e+00  }
0x204: {  	v54 =	vld [tilespmem:s3+$0x1FE0];
	v4 =	vadd.f32 v5, v4;
	v5 =	vmul.f32 v8, v7  }
0x205: {  	v55 =	vld [tilespmem:s3+$0x11FE0];
	v7 =	vmax.f32 v12, $0.0e+00  }
0x206: {  	v56 =	vld [tilespmem:s3+$0x1FF0];
	v7 =	vmul.f32 v52, v7;
	v4 =	vadd.f32 v5, v4  }
0x207: {  	v57 =	vld [tilespmem:s3+$0x11FF0];
	v5 =	vmax.f32 v53, $0.0e+00  }
0x208: {  	v5 =	vmul.f32 v6, v5;
	v6 =	vld [tilespmem:s3+$0x2000];
	v4 =	vadd.f32 v7, v4  }
0x209: {  	v58 =	vld [tilespmem:s3+$0x12000];
	v7 =	vmax.f32 v54, $0.0e+00  }
0x20a: {  	v4 =	vadd.f32 v5, v4;
	v5 =	vmul.f32 v55, v7;
	v7 =	vld [tilespmem:s3+$0x2010]  }
0x20b: {  	v60 =	vld [tilespmem:s3+$0x12010];
	v59 =	vmax.f32 v56, $0.0e+00  }
0x20c: {  	v61 =	vld [tilespmem:s3+$0x2020];
	v4 =	vadd.f32 v5, v4;
	v5 =	vmul.f32 v57, v59  }
0x20d: {  	v62 =	vld [tilespmem:s3+$0x12020];
	v6 =	vmax.f32 v6, $0.0e+00  }
0x20e: {  	v4 =	vadd.f32 v5, v4;
	v5 =	vmul.f32 v58, v6;
	v6 =	vld [tilespmem:s3+$0x2030]  }
0x20f: {  	v63 =	vld [tilespmem:s3+$0x12030];
	v7 =	vmax.f32 v7, $0.0e+00  }
0x210: {  	s2 =	sadd.s32 $0x1, s2;
	v4 =	vadd.f32 v5, v4;
	v5 =	vmul.f32 v60, v7  }
0x211: {  	p1 =	sne.s32 s2, $0x4;
	v7 =	vmax.f32 v61, $0.0e+00  }
.Ltmp7:
0x212: {  	v4 =	vadd.f32 v5, v4;
	v5 =	vmul.f32 v62, v7;
	(pc) =	sbr.rel @p1 .LBB2_6-.Ltmp7, $3  }
0x213: {  	v6 =	vmax.f32 v6, $0.0e+00  }
0x214: {  	v4 =	vadd.f32 v5, v4;
	v5 =	vmul.f32 v63, v6;
	_ =	sdelay $0x1  }
0x215: {  	_ =	strace $0x9000004D;
	v4 =	vadd.f32 v5, v4  }
0x216: {  	_ = 	snop  }
0x217: {  	s2 =	simm.s32 $0x0;
	s3 =	rddreg [dreg:$0x8];
	s4 =	simm.s32 $0x18400;
	[tilespmem:$0x18400] =	vst v4  }
0x218: {  	[hbm4b:s3+s2] =	stream.linear.scatter [tilespmem:s4], [sflag:$0x3], $0x10, $0x38;
	[tilespmem:$0x1CC90] =	vst v63  }
0x219: {  	_ =	swait.ge [sflag:s29], $0x10  }
0x21a: {  	s22 =	rddreg [dreg:$0xa]  }
0x21b: {  	s23 =	rddreg [dreg:$0x9];
	s3 =	sadd.s32 $0x1, s22  }
0x21c: {  	p1 =	sne.s32 s3, s23  }
.Ltmp8:
0x21d: {  	_ = 	snop;
	(pc) =	sbr.rel @p1 .LBB2_1-.Ltmp8, $3  }
0x21e: {  	_ =	sdelay $0x1  }
0x21f: {  	[sflag:s29] =	ssyncset.done $0x0  }
0x220: {  	[sflag:s29] =	ssyncadd.s32 $0xFFFFFFF0  }
0x221: {  	_ =	sfence.sel $0x180000  }
0x222: {  	[bflag:$0x0] =	sbarrier.arrive $0xFFFF  }
0x223: {  	_ =	strace $0x90000047  }
0x224: {  	s0 =	stileid.u32;
	[bflag:$0x2] =	sbarrier.arrive $0xFFFF  }
0x225: {  	p0 =	sne.s32 s0, $0x0;
	s0 =	rddreg [dreg:$0x4]  }
0x226: {  	s0 =	sadd.s32 @!p0 $0x100000, s0  }
0x227: {  	[sflag:s0] =	ssyncadd.tile.s32 @!p0 $0x1;
	_ =	shalt  }
.Lfunc_end2:
_tile_overlayer_lowered:
.L_overlay_start_2:
0x228: {  	(tag) =	ssettag $0x2  }
0x229: {  	s0 =	rddreg [dreg:$0x0];
	s2 =	stileid.u32  }
0x22a: {  	s1 =	rddreg [dreg:$0x1];
	p0 =	sne.s32 s2, $0x0  }
0x22b: {  	s3 =	rddreg [dreg:$0x2];
	[bflag:$0x3] =	sbarrier.arrive $0xFFFF;
	s2 =	simm.s32 @!p0 $0x1C03  }
0x22c: {  	[timem:s3], [sflag:s2] =	dma.local @!p0 [hbm:s0], s1  }
0x22d: {  	s0 =	simm.s32 @!p0 $0x3  }
0x22e: {  	_ =	swait.ge @!p0 [sflag:s0], s1  }
0x22f: {  	s1 =	ssub.s32 @!p0 $0x0, s1;
	[sflag:s0] =	ssyncset.done @!p0 $0x0  }
0x230: {  	[sflag:s0] =	ssyncadd.s32 @!p0 s1  }
0x231: {  	[bflag:$0x3] =	sbarrier.arrive $0xFFFF  }
0x232: {  	_ =	shalt  }

</sc_bundles>
